<compile_context>
chip_gen: v7x
topology: tpu7x:2x2x1
jax: 0.10.2.dev20260603
libtpu: 0.0.44.dev20260713+nightly
codegen_flags: <defaults>
</compile_context>

<pallas_src>
import functools

import jax
import jax.numpy as jnp
from jax import lax
from jax.experimental import pallas as pl
from jax.experimental.pallas import tpu as pltpu
from jax.experimental.pallas import tpu_sc as plsc

_N, _E, _D = 10000, 320000, 128
_NC, _NS = 2, 16
_HD = _D // _NC
_EPT = _E // _NS
_C = 125
_CH = _EPT // _C
_NB = 4
_RPT = 624
_TAIL0 = _NS * _RPT
_TAILN = _N - _TAIL0


def _sc_aggregate(x_split, et):
  mesh = plsc.VectorSubcoreMesh(core_axis_name="c", subcore_axis_name="s")

  @functools.partial(
      pl.kernel,
      out_type=jax.ShapeDtypeStruct((_NC, _N, _HD), jnp.float32),
      mesh=mesh,
      compiler_params=pltpu.CompilerParams(use_tc_tiling_on_sc=False),
      scratch_types=[
          pltpu.VMEM((_CH, _C), jnp.int32),
          pltpu.VMEM((_CH, _C), jnp.int32),
          pltpu.VMEM((_NB, _C, _HD), jnp.float32),
          pltpu.VMEM_SHARED((_N, _HD), jnp.float32),
          pltpu.SemaphoreType.DMA((_NB,)),
      ],
  )
  def agg_kernel(x_hbm, et_hbm, out_hbm, src_v, dst_v, rows_v,
                 agg_sh, gsem):
    c = lax.axis_index("c")
    s = lax.axis_index("s")
    xc = x_hbm.at[c]

    pltpu.sync_copy(et_hbm.at[0, s], src_v)
    pltpu.sync_copy(et_hbm.at[1, s], dst_v)

    r0 = s * _RPT
    pltpu.sync_copy(xc.at[pl.ds(r0, _RPT)], agg_sh.at[pl.ds(r0, _RPT)])

    @pl.when(s == _NS - 1)
    def _():
      pltpu.sync_copy(xc.at[pl.ds(_TAIL0, _TAILN)],
                      agg_sh.at[pl.ds(_TAIL0, _TAILN)])

    plsc.subcore_barrier()

    for b in range(_NB):
      pltpu.async_copy(xc.at[src_v.at[b]], rows_v.at[b], gsem.at[b])

    @pl.loop(0, _CH, step=_NB)
    def _(j0):
      for b in range(_NB):
        j = j0 + b
        pltpu.make_async_copy(xc.at[src_v.at[b]], rows_v.at[b],
                              gsem.at[b]).wait()
        pltpu.sync_copy(rows_v.at[b], agg_sh.at[dst_v.at[j]], add=True)
        nj = j + _NB

        @pl.when(nj < _CH)
        def _():
          pltpu.async_copy(xc.at[src_v.at[nj]], rows_v.at[b], gsem.at[b])

    plsc.subcore_barrier()

    pltpu.sync_copy(agg_sh.at[pl.ds(r0, _RPT)], out_hbm.at[c, pl.ds(r0, _RPT)])

    @pl.when(s == _NS - 1)
    def _():
      pltpu.sync_copy(agg_sh.at[pl.ds(_TAIL0, _TAILN)],
                      out_hbm.at[c, pl.ds(_TAIL0, _TAILN)])

  return agg_kernel(x_split, et)


def _mlp_bn(agg, W1, b1, W2, b2, g, be, split_out):

  if split_out:
    zero = jnp.zeros((_HD, _D), jnp.float32)
    W1a, W1b = W1[:_HD, :], W1[_HD:, :]
    B0 = jnp.concatenate([jnp.concatenate([W1a, zero], 1),
                          jnp.concatenate([zero, W1a], 1)], 0)
    B1 = jnp.concatenate([jnp.concatenate([W1b, zero], 1),
                          jnp.concatenate([zero, W1b], 1)], 0)
    zero2 = jnp.zeros((_D, _D), jnp.float32)
    W2d = jnp.concatenate([jnp.concatenate([W2, zero2], 1),
                           jnp.concatenate([zero2, W2], 1)], 0)
    b1t = jnp.concatenate([b1, b1]).reshape(1, 2 * _D)
    b2t = jnp.concatenate([b2, b2]).reshape(1, 2 * _D)
    gt = jnp.concatenate([g, g]).reshape(1, 2 * _D)
    bet = jnp.concatenate([be, be]).reshape(1, 2 * _D)

    def body(a, B0r, B1r, W2r, b1r, b2r, gr, ber, out):
      z = jnp.dot(a[0], B0r[...]) + jnp.dot(a[1], B1r[...])
      z = jnp.maximum(z + b1r[...], 0.0)
      z = jnp.dot(z, W2r[...]) + b2r[...]
      m2 = jnp.mean(z, axis=0, keepdims=True)
      mu = (m2[:, :_D] + m2[:, _D:]) * 0.5
      mut = jnp.concatenate([mu, mu], axis=1)
      d = z - mut
      v2 = jnp.mean(d * d, axis=0, keepdims=True)
      var = (v2[:, :_D] + v2[:, _D:]) * 0.5
      vart = jnp.concatenate([var, var], axis=1)
      zn = d * lax.rsqrt(vart + 1e-5) * gr[...] + ber[...]
      zn = jnp.maximum(zn, 0.0)
      out[0] = jnp.concatenate([zn[:, :_HD], zn[:, _D:_D + _HD]], axis=1)
      out[1] = jnp.concatenate([zn[:, _HD:_D], zn[:, _D + _HD:]], axis=1)

    return pl.pallas_call(
        body,
        out_shape=jax.ShapeDtypeStruct((_NC, _N // 2, _D), jnp.float32),
    )(agg.reshape(_NC, _N // 2, _D), B0, B1, W2d, b1t, b2t, gt, bet)

  def body(a, W1r, b1r, W2r, b2r, gr, ber, out):
    z = jnp.dot(a[0], W1r[:_HD, :]) + jnp.dot(a[1], W1r[_HD:, :])
    z = jnp.maximum(z + b1r[...], 0.0)
    z = jnp.dot(z, W2r[...]) + b2r[...]
    mu = jnp.mean(z, axis=0, keepdims=True)
    var = jnp.mean((z - mu) * (z - mu), axis=0, keepdims=True)
    zn = (z - mu) * lax.rsqrt(var + 1e-5) * gr[...] + ber[...]
    zn = jnp.maximum(zn, 0.0)
    out[...] = zn

  return pl.pallas_call(
      body,
      out_shape=jax.ShapeDtypeStruct((_N, _D), jnp.float32),
  )(agg, W1, b1.reshape(1, _D), W2, b2.reshape(1, _D),
    g.reshape(1, _D), be.reshape(1, _D))


def kernel(x, edge_index, W1_0, b1_0, W2_0, b2_0, g_0, be_0, W1_1, b1_1,
           W2_1, b2_1, g_1, be_1, W1_2, b1_2, W2_2, b2_2, g_2, be_2):
  x = x.astype(jnp.bfloat16).astype(jnp.float32)
  et = edge_index.reshape(2, _NS, _CH, _C)
  params = [(W1_0, b1_0, W2_0, b2_0, g_0, be_0),
            (W1_1, b1_1, W2_1, b2_1, g_1, be_1),
            (W1_2, b1_2, W2_2, b2_2, g_2, be_2)]
  xs = jnp.stack([x[:, :_HD].reshape(_N // 2, _D),
                  x[:, _HD:].reshape(_N // 2, _D)])
  for l, (W1, b1, W2, b2, g, be) in enumerate(params):
    agg = _sc_aggregate(xs.reshape(_NC, _N, _HD), et)
    last = l == len(params) - 1
    xs = _mlp_bn(agg, W1, b1, W2, b2, g, be, split_out=not last)
  return xs

# --- scband reference (transcript-rebuilt; emitter-appended) ---
"""Pipeline reference for scband-ginencoder-43533788512503 (READ-ONLY COPY).

The authoritative reference and input builder live on the scoring server;
editing this copy changes nothing except your own understanding.
"""

import jax, jax.numpy as jnp
import numpy as np

N = 10000
E = 320000
D = 128
H = 128
L = 3

def setup_inputs(seed: int = 0):
    key = jax.random.key(seed)
    inp = {}
    inp["x"] = jax.random.normal(jax.random.fold_in(key, 0), (N, D), dtype=jnp.float32)
    inp["edge_index"] = jax.random.randint(jax.random.fold_in(key, 1), (2, E), 0, N, dtype=jnp.int32)
    for l in range(L):
        din = D if l == 0 else H
        inp["W1_%d" % l] = jax.random.normal(jax.random.fold_in(key, 10 + l), (din, H), dtype=jnp.float32) * (1.0 / np.sqrt(din))
        inp["b1_%d" % l] = jnp.zeros((H,), dtype=jnp.float32)
        inp["W2_%d" % l] = jax.random.normal(jax.random.fold_in(key, 20 + l), (H, H), dtype=jnp.float32) * (1.0 / np.sqrt(H))
        inp["b2_%d" % l] = jnp.zeros((H,), dtype=jnp.float32)
        inp["g_%d" % l] = jnp.ones((H,), dtype=jnp.float32)
        inp["be_%d" % l] = jnp.zeros((H,), dtype=jnp.float32)
    return inp

def _gin_layer(x, src, dst, W1, b1, W2, b2, g, be):
    # GINConv with eps=0: h = MLP(x + sum_{j in N(i)} x_j)
    agg = jnp.zeros((x.shape[0], x.shape[1]), dtype=x.dtype).at[dst].add(x[src])
    h = x + agg
    h = jax.nn.relu(h @ W1 + b1) @ W2 + b2
    # BatchNorm1d in training mode (batch statistics)
    mu = jnp.mean(h, axis=0)
    var = jnp.var(h, axis=0)
    h = (h - mu) / jnp.sqrt(var + 1e-5) * g + be
    return jax.nn.relu(h)

def reference(x, edge_index, W1_0, b1_0, W2_0, b2_0, g_0, be_0, W1_1, b1_1, W2_1, b2_1, g_1, be_1, W1_2, b1_2, W2_2, b2_2, g_2, be_2):
    # forward casts x to bfloat16; mimic the precision loss then compute in fp32
    x = x.astype(jnp.bfloat16).astype(jnp.float32)
    src = edge_index[0]
    dst = edge_index[1]
    params = [(W1_0, b1_0, W2_0, b2_0, g_0, be_0),
              (W1_1, b1_1, W2_1, b2_1, g_1, be_1),
              (W1_2, b1_2, W2_2, b2_2, g_2, be_2)]
    for (W1, b1, W2, b2, g, be) in params:
        x = _gin_layer(x, src, dst, W1, b1, W2, b2, g, be)
    return x

if __name__ == "__main__":
    import jax
    _d = setup_inputs()
    print(jax.jit(kernel)(*tuple(_d.values())))

</pallas_src>

<mosaic_0001>
#map = affine_map<(d0, d1) -> (0, 0, 0)>
#map1 = affine_map<(d0, d1) -> (0, 0, 0, 0)>
module attributes {stable_mosaic.version = 14 : i64} {
  func.func @agg_kernel(%arg0: i32, %arg1: i32, %arg2: memref<2x10000x64xf32, #tpu.memory_space<hbm>>, %arg3: memref<2x16x160x125xi32, #tpu.memory_space<hbm>>, %arg4: memref<2x10000x64xf32, #tpu.memory_space<hbm>>, %arg5: memref<160x125xi32, #tpu.memory_space<vmem>>, %arg6: memref<160x125xi32, #tpu.memory_space<vmem>>, %arg7: memref<4x125x64xf32, #tpu.memory_space<vmem>>, %arg8: memref<10000x64xf32, #tpu.memory_space<vmem_shared>>, %arg9: memref<4x!tpu.dma_semaphore, #tpu.memory_space<semaphore_mem>>) attributes {dimension_semantics = [#tpu.dimension_semantics<core_parallel>, #tpu.dimension_semantics<subcore_parallel>], iteration_bounds = array<i64: 2, 16>, scalar_prefetch = 0 : i64, scratch_operands = 5 : i64, tpu.core_type = #tpu.core_type<sc_vector_subcore>, window_params = [{transform_indices = #map}, {transform_indices = #map1}, {transform_indices = #map}]} {
    %run_scoped3A = arith.constant 0 : i32
    "tpu.region"() ({
      %run_scoped3A_89 = tpu.sem_alloc : memref<!tpu.dma_semaphore, #tpu.memory_space<semaphore_mem>>
      %dma_start3A_90 = arith.constant 0 : i32
      %dma_start3A_91 = arith.constant 0 : i32
      %dma_start3A_92 = tpu.memref_slice %arg3[%run_scoped3A, %arg1, %dma_start3A_90, %dma_start3A_91] : memref<2x16x160x125xi32, #tpu.memory_space<hbm>> -> memref<1x1x160x125xi32, #tpu.memory_space<hbm>>
      %dma_start3A_93 = tpu.memref_squeeze %dma_start3A_92 : memref<1x1x160x125xi32, #tpu.memory_space<hbm>> -> memref<160x125xi32, #tpu.memory_space<hbm>>
      %dma_start3A_94 = arith.constant 0 : i32
      %dma_start3A_95 = arith.constant 0 : i32
      %dma_start3A_96 = tpu.memref_slice %arg3[%run_scoped3A, %arg1, %dma_start3A_94, %dma_start3A_95] : memref<2x16x160x125xi32, #tpu.memory_space<hbm>> -> memref<1x1x160x125xi32, #tpu.memory_space<hbm>>
      %dma_start3A_97 = tpu.memref_squeeze %dma_start3A_96 : memref<1x1x160x125xi32, #tpu.memory_space<hbm>> -> memref<160x125xi32, #tpu.memory_space<hbm>>
      tpu.enqueue_dma source(%dma_start3A_97 : memref<160x125xi32, #tpu.memory_space<hbm>>) target(%arg5 : memref<160x125xi32, #tpu.memory_space<vmem>>) target_semaphore(%run_scoped3A_89 : memref<!tpu.dma_semaphore, #tpu.memory_space<semaphore_mem>>)
      %dma_wait3A = arith.constant 0 : i32
      %dma_wait3A_98 = arith.constant 0 : i32
      %dma_wait3A_99 = tpu.memref_slice %arg3[%run_scoped3A, %arg1, %dma_wait3A, %dma_wait3A_98] : memref<2x16x160x125xi32, #tpu.memory_space<hbm>> -> memref<1x1x160x125xi32, #tpu.memory_space<hbm>>
      %dma_wait3A_100 = tpu.memref_squeeze %dma_wait3A_99 : memref<1x1x160x125xi32, #tpu.memory_space<hbm>> -> memref<160x125xi32, #tpu.memory_space<hbm>>
      %dma_wait3A_101 = arith.constant 0 : i32
      %dma_wait3A_102 = arith.constant 0 : i32
      %dma_wait3A_103 = tpu.memref_slice %arg3[%run_scoped3A, %arg1, %dma_wait3A_101, %dma_wait3A_102] : memref<2x16x160x125xi32, #tpu.memory_space<hbm>> -> memref<1x1x160x125xi32, #tpu.memory_space<hbm>>
      %dma_wait3A_104 = tpu.memref_squeeze %dma_wait3A_103 : memref<1x1x160x125xi32, #tpu.memory_space<hbm>> -> memref<160x125xi32, #tpu.memory_space<hbm>>
      tpu.wait_dma2 semaphore(%run_scoped3A_89 : memref<!tpu.dma_semaphore, #tpu.memory_space<semaphore_mem>>) src(%dma_wait3A_104 : memref<160x125xi32, #tpu.memory_space<hbm>>) dst(%arg5 : memref<160x125xi32, #tpu.memory_space<vmem>>)
      tpu.yield
    }) : () -> ()
    %run_scoped3A_0 = arith.constant 1 : i32
    "tpu.region"() ({
      %run_scoped3A_89 = tpu.sem_alloc : memref<!tpu.dma_semaphore, #tpu.memory_space<semaphore_mem>>
      %dma_start3A_90 = arith.constant 0 : i32
      %dma_start3A_91 = arith.constant 0 : i32
      %dma_start3A_92 = tpu.memref_slice %arg3[%run_scoped3A_0, %arg1, %dma_start3A_90, %dma_start3A_91] : memref<2x16x160x125xi32, #tpu.memory_space<hbm>> -> memref<1x1x160x125xi32, #tpu.memory_space<hbm>>
      %dma_start3A_93 = tpu.memref_squeeze %dma_start3A_92 : memref<1x1x160x125xi32, #tpu.memory_space<hbm>> -> memref<160x125xi32, #tpu.memory_space<hbm>>
      %dma_start3A_94 = arith.constant 0 : i32
      %dma_start3A_95 = arith.constant 0 : i32
      %dma_start3A_96 = tpu.memref_slice %arg3[%run_scoped3A_0, %arg1, %dma_start3A_94, %dma_start3A_95] : memref<2x16x160x125xi32, #tpu.memory_space<hbm>> -> memref<1x1x160x125xi32, #tpu.memory_space<hbm>>
      %dma_start3A_97 = tpu.memref_squeeze %dma_start3A_96 : memref<1x1x160x125xi32, #tpu.memory_space<hbm>> -> memref<160x125xi32, #tpu.memory_space<hbm>>
      tpu.enqueue_dma source(%dma_start3A_97 : memref<160x125xi32, #tpu.memory_space<hbm>>) target(%arg6 : memref<160x125xi32, #tpu.memory_space<vmem>>) target_semaphore(%run_scoped3A_89 : memref<!tpu.dma_semaphore, #tpu.memory_space<semaphore_mem>>)
      %dma_wait3A = arith.constant 0 : i32
      %dma_wait3A_98 = arith.constant 0 : i32
      %dma_wait3A_99 = tpu.memref_slice %arg3[%run_scoped3A_0, %arg1, %dma_wait3A, %dma_wait3A_98] : memref<2x16x160x125xi32, #tpu.memory_space<hbm>> -> memref<1x1x160x125xi32, #tpu.memory_space<hbm>>
      %dma_wait3A_100 = tpu.memref_squeeze %dma_wait3A_99 : memref<1x1x160x125xi32, #tpu.memory_space<hbm>> -> memref<160x125xi32, #tpu.memory_space<hbm>>
      %dma_wait3A_101 = arith.constant 0 : i32
      %dma_wait3A_102 = arith.constant 0 : i32
      %dma_wait3A_103 = tpu.memref_slice %arg3[%run_scoped3A_0, %arg1, %dma_wait3A_101, %dma_wait3A_102] : memref<2x16x160x125xi32, #tpu.memory_space<hbm>> -> memref<1x1x160x125xi32, #tpu.memory_space<hbm>>
      %dma_wait3A_104 = tpu.memref_squeeze %dma_wait3A_103 : memref<1x1x160x125xi32, #tpu.memory_space<hbm>> -> memref<160x125xi32, #tpu.memory_space<hbm>>
      tpu.wait_dma2 semaphore(%run_scoped3A_89 : memref<!tpu.dma_semaphore, #tpu.memory_space<semaphore_mem>>) src(%dma_wait3A_104 : memref<160x125xi32, #tpu.memory_space<hbm>>) dst(%arg6 : memref<160x125xi32, #tpu.memory_space<vmem>>)
      tpu.yield
    }) : () -> ()
    %mul3A = arith.constant 624 : i32
    %mul3A_1 = arith.muli %arg1, %mul3A : i32
    "tpu.region"() ({
      %run_scoped3A_89 = tpu.sem_alloc : memref<!tpu.dma_semaphore, #tpu.memory_space<semaphore_mem>>
      %dma_start3A_90 = arith.constant 0 : i32
      %dma_start3A_91 = tpu.memref_slice %arg8[%mul3A_1, %dma_start3A_90] : memref<10000x64xf32, #tpu.memory_space<vmem_shared>> -> memref<624x64xf32, #tpu.memory_space<vmem_shared>>
      %dma_start3A_92 = arith.constant 0 : i32
      %dma_start3A_93 = arith.constant 0 : i32
      %dma_start3A_94 = tpu.memref_slice %arg2[%arg0, %dma_start3A_92, %dma_start3A_93] : memref<2x10000x64xf32, #tpu.memory_space<hbm>> -> memref<1x10000x64xf32, #tpu.memory_space<hbm>>
      %dma_start3A_95 = tpu.memref_squeeze %dma_start3A_94 : memref<1x10000x64xf32, #tpu.memory_space<hbm>> -> memref<10000x64xf32, #tpu.memory_space<hbm>>
      %dma_start3A_96 = arith.constant 0 : i32
      %dma_start3A_97 = tpu.memref_slice %dma_start3A_95[%mul3A_1, %dma_start3A_96] : memref<10000x64xf32, #tpu.memory_space<hbm>> -> memref<624x64xf32, #tpu.memory_space<hbm>>
      tpu.enqueue_dma source(%dma_start3A_97 : memref<624x64xf32, #tpu.memory_space<hbm>>) target(%dma_start3A_91 : memref<624x64xf32, #tpu.memory_space<vmem_shared>>) target_semaphore(%run_scoped3A_89 : memref<!tpu.dma_semaphore, #tpu.memory_space<semaphore_mem>>)
      %dma_wait3A = arith.constant 0 : i32
      %dma_wait3A_98 = tpu.memref_slice %arg8[%mul3A_1, %dma_wait3A] : memref<10000x64xf32, #tpu.memory_space<vmem_shared>> -> memref<624x64xf32, #tpu.memory_space<vmem_shared>>
      %dma_wait3A_99 = arith.constant 0 : i32
      %dma_wait3A_100 = arith.constant 0 : i32
      %dma_wait3A_101 = tpu.memref_slice %arg2[%arg0, %dma_wait3A_99, %dma_wait3A_100] : memref<2x10000x64xf32, #tpu.memory_space<hbm>> -> memref<1x10000x64xf32, #tpu.memory_space<hbm>>
      %dma_wait3A_102 = tpu.memref_squeeze %dma_wait3A_101 : memref<1x10000x64xf32, #tpu.memory_space<hbm>> -> memref<10000x64xf32, #tpu.memory_space<hbm>>
      %dma_wait3A_103 = arith.constant 0 : i32
      %dma_wait3A_104 = tpu.memref_slice %dma_wait3A_102[%mul3A_1, %dma_wait3A_103] : memref<10000x64xf32, #tpu.memory_space<hbm>> -> memref<624x64xf32, #tpu.memory_space<hbm>>
      tpu.wait_dma2 semaphore(%run_scoped3A_89 : memref<!tpu.dma_semaphore, #tpu.memory_space<semaphore_mem>>) src(%dma_wait3A_104 : memref<624x64xf32, #tpu.memory_space<hbm>>) dst(%dma_wait3A_98 : memref<624x64xf32, #tpu.memory_space<vmem_shared>>)
      tpu.yield
    }) : () -> ()
    %eq3A = arith.constant 15 : i32
    %eq3A_2 = arith.cmpi eq, %arg1, %eq3A : i32
    %convert_element_type3A = arith.extui %eq3A_2 : i1 to i32
    %cond3A = arith.constant 0 : i32
    %cond3A_3 = arith.cmpi ne, %convert_element_type3A, %cond3A : i32
    scf.if %cond3A_3 {
      "tpu.region"() ({
        %run_scoped3A_89 = tpu.sem_alloc : memref<!tpu.dma_semaphore, #tpu.memory_space<semaphore_mem>>
        %dma_start3A_90 = arith.constant 9984 : i32
        %dma_start3A_91 = arith.constant 0 : i32
        %dma_start3A_92 = tpu.memref_slice %arg8[%dma_start3A_90, %dma_start3A_91] : memref<10000x64xf32, #tpu.memory_space<vmem_shared>> -> memref<16x64xf32, #tpu.memory_space<vmem_shared>>
        %dma_start3A_93 = arith.constant 0 : i32
        %dma_start3A_94 = arith.constant 0 : i32
        %dma_start3A_95 = tpu.memref_slice %arg2[%arg0, %dma_start3A_93, %dma_start3A_94] : memref<2x10000x64xf32, #tpu.memory_space<hbm>> -> memref<1x10000x64xf32, #tpu.memory_space<hbm>>
        %dma_start3A_96 = tpu.memref_squeeze %dma_start3A_95 : memref<1x10000x64xf32, #tpu.memory_space<hbm>> -> memref<10000x64xf32, #tpu.memory_space<hbm>>
        %dma_start3A_97 = arith.constant 9984 : i32
        %dma_start3A_98 = arith.constant 0 : i32
        %dma_start3A_99 = tpu.memref_slice %dma_start3A_96[%dma_start3A_97, %dma_start3A_98] : memref<10000x64xf32, #tpu.memory_space<hbm>> -> memref<16x64xf32, #tpu.memory_space<hbm>>
        tpu.enqueue_dma source(%dma_start3A_99 : memref<16x64xf32, #tpu.memory_space<hbm>>) target(%dma_start3A_92 : memref<16x64xf32, #tpu.memory_space<vmem_shared>>) target_semaphore(%run_scoped3A_89 : memref<!tpu.dma_semaphore, #tpu.memory_space<semaphore_mem>>)
        %dma_wait3A = arith.constant 9984 : i32
        %dma_wait3A_100 = arith.constant 0 : i32
        %dma_wait3A_101 = tpu.memref_slice %arg8[%dma_wait3A, %dma_wait3A_100] : memref<10000x64xf32, #tpu.memory_space<vmem_shared>> -> memref<16x64xf32, #tpu.memory_space<vmem_shared>>
        %dma_wait3A_102 = arith.constant 0 : i32
        %dma_wait3A_103 = arith.constant 0 : i32
        %dma_wait3A_104 = tpu.memref_slice %arg2[%arg0, %dma_wait3A_102, %dma_wait3A_103] : memref<2x10000x64xf32, #tpu.memory_space<hbm>> -> memref<1x10000x64xf32, #tpu.memory_space<hbm>>
        %dma_wait3A_105 = tpu.memref_squeeze %dma_wait3A_104 : memref<1x10000x64xf32, #tpu.memory_space<hbm>> -> memref<10000x64xf32, #tpu.memory_space<hbm>>
        %dma_wait3A_106 = arith.constant 9984 : i32
        %dma_wait3A_107 = arith.constant 0 : i32
        %dma_wait3A_108 = tpu.memref_slice %dma_wait3A_105[%dma_wait3A_106, %dma_wait3A_107] : memref<10000x64xf32, #tpu.memory_space<hbm>> -> memref<16x64xf32, #tpu.memory_space<hbm>>
        tpu.wait_dma2 semaphore(%run_scoped3A_89 : memref<!tpu.dma_semaphore, #tpu.memory_space<semaphore_mem>>) src(%dma_wait3A_108 : memref<16x64xf32, #tpu.memory_space<hbm>>) dst(%dma_wait3A_101 : memref<16x64xf32, #tpu.memory_space<vmem_shared>>)
        tpu.yield
      }) : () -> ()
    } else {
    }
    %barrier3A = arith.constant 0 : index
    tpu.barrier barrier_id(%barrier3A)
    %dma_start3A = arith.constant 0 : i32
    %dma_start3A_4 = arith.constant 0 : i32
    %dma_start3A_5 = arith.constant 0 : i32
    %dma_start3A_6 = arith.constant 0 : i32
    %dma_start3A_7 = arith.constant 0 : i32
    %dma_start3A_8 = tpu.memref_slice %arg7[%dma_start3A_4, %dma_start3A_6, %dma_start3A_7] : memref<4x125x64xf32, #tpu.memory_space<vmem>> -> memref<1x125x64xf32, #tpu.memory_space<vmem>>
    %dma_start3A_9 = tpu.memref_squeeze %dma_start3A_8 : memref<1x125x64xf32, #tpu.memory_space<vmem>> -> memref<125x64xf32, #tpu.memory_space<vmem>>
    %dma_start3A_10 = arith.constant 0 : i32
    %dma_start3A_11 = tpu.memref_slice %arg5[%dma_start3A, %dma_start3A_10] : memref<160x125xi32, #tpu.memory_space<vmem>> -> memref<1x125xi32, #tpu.memory_space<vmem>>
    %dma_start3A_12 = tpu.memref_squeeze %dma_start3A_11 : memref<1x125xi32, #tpu.memory_space<vmem>> -> memref<125xi32, #tpu.memory_space<vmem>>
    %dma_start3A_13 = arith.constant 0 : i32
    %dma_start3A_14 = arith.constant 0 : i32
    %dma_start3A_15 = tpu.memref_slice %arg2[%arg0, %dma_start3A_13, %dma_start3A_14] : memref<2x10000x64xf32, #tpu.memory_space<hbm>> -> memref<1x10000x64xf32, #tpu.memory_space<hbm>>
    %dma_start3A_16 = tpu.memref_squeeze %dma_start3A_15 : memref<1x10000x64xf32, #tpu.memory_space<hbm>> -> memref<10000x64xf32, #tpu.memory_space<hbm>>
    %dma_start3A_17 = arith.constant 0 : i32
    %dma_start3A_18 = arith.constant 0 : i32
    %dma_start3A_19 = tpu.memref_slice %dma_start3A_16[%dma_start3A_17, %dma_start3A_18] : memref<10000x64xf32, #tpu.memory_space<hbm>> -> memref<10000x64xf32, #tpu.memory_space<hbm>>
    %dma_start3A_20 = tpu.memref_slice %arg9[%dma_start3A_5] : memref<4x!tpu.dma_semaphore, #tpu.memory_space<semaphore_mem>> -> memref<1x!tpu.dma_semaphore, #tpu.memory_space<semaphore_mem>>
    %dma_start3A_21 = tpu.memref_squeeze %dma_start3A_20 : memref<1x!tpu.dma_semaphore, #tpu.memory_space<semaphore_mem>> -> memref<!tpu.dma_semaphore, #tpu.memory_space<semaphore_mem>>
    tpu.enqueue_indirect_dma source(%dma_start3A_19 : memref<10000x64xf32, #tpu.memory_space<hbm>>) target(%dma_start3A_9 : memref<125x64xf32, #tpu.memory_space<vmem>>) offsets(%dma_start3A_12 : memref<125xi32, #tpu.memory_space<vmem>>) semaphore(%dma_start3A_21 : memref<!tpu.dma_semaphore, #tpu.memory_space<semaphore_mem>>)
    %dma_start3A_22 = arith.constant 1 : i32
    %dma_start3A_23 = arith.constant 1 : i32
    %dma_start3A_24 = arith.constant 1 : i32
    %dma_start3A_25 = arith.constant 0 : i32
    %dma_start3A_26 = arith.constant 0 : i32
    %dma_start3A_27 = tpu.memref_slice %arg7[%dma_start3A_23, %dma_start3A_25, %dma_start3A_26] : memref<4x125x64xf32, #tpu.memory_space<vmem>> -> memref<1x125x64xf32, #tpu.memory_space<vmem>>
    %dma_start3A_28 = tpu.memref_squeeze %dma_start3A_27 : memref<1x125x64xf32, #tpu.memory_space<vmem>> -> memref<125x64xf32, #tpu.memory_space<vmem>>
    %dma_start3A_29 = arith.constant 0 : i32
    %dma_start3A_30 = tpu.memref_slice %arg5[%dma_start3A_22, %dma_start3A_29] : memref<160x125xi32, #tpu.memory_space<vmem>> -> memref<1x125xi32, #tpu.memory_space<vmem>>
    %dma_start3A_31 = tpu.memref_squeeze %dma_start3A_30 : memref<1x125xi32, #tpu.memory_space<vmem>> -> memref<125xi32, #tpu.memory_space<vmem>>
    %dma_start3A_32 = arith.constant 0 : i32
    %dma_start3A_33 = arith.constant 0 : i32
    %dma_start3A_34 = tpu.memref_slice %arg2[%arg0, %dma_start3A_32, %dma_start3A_33] : memref<2x10000x64xf32, #tpu.memory_space<hbm>> -> memref<1x10000x64xf32, #tpu.memory_space<hbm>>
    %dma_start3A_35 = tpu.memref_squeeze %dma_start3A_34 : memref<1x10000x64xf32, #tpu.memory_space<hbm>> -> memref<10000x64xf32, #tpu.memory_space<hbm>>
    %dma_start3A_36 = arith.constant 0 : i32
    %dma_start3A_37 = arith.constant 0 : i32
    %dma_start3A_38 = tpu.memref_slice %dma_start3A_35[%dma_start3A_36, %dma_start3A_37] : memref<10000x64xf32, #tpu.memory_space<hbm>> -> memref<10000x64xf32, #tpu.memory_space<hbm>>
    %dma_start3A_39 = tpu.memref_slice %arg9[%dma_start3A_24] : memref<4x!tpu.dma_semaphore, #tpu.memory_space<semaphore_mem>> -> memref<1x!tpu.dma_semaphore, #tpu.memory_space<semaphore_mem>>
    %dma_start3A_40 = tpu.memref_squeeze %dma_start3A_39 : memref<1x!tpu.dma_semaphore, #tpu.memory_space<semaphore_mem>> -> memref<!tpu.dma_semaphore, #tpu.memory_space<semaphore_mem>>
    tpu.enqueue_indirect_dma source(%dma_start3A_38 : memref<10000x64xf32, #tpu.memory_space<hbm>>) target(%dma_start3A_28 : memref<125x64xf32, #tpu.memory_space<vmem>>) offsets(%dma_start3A_31 : memref<125xi32, #tpu.memory_space<vmem>>) semaphore(%dma_start3A_40 : memref<!tpu.dma_semaphore, #tpu.memory_space<semaphore_mem>>)
    %dma_start3A_41 = arith.constant 2 : i32
    %dma_start3A_42 = arith.constant 2 : i32
    %dma_start3A_43 = arith.constant 2 : i32
    %dma_start3A_44 = arith.constant 0 : i32
    %dma_start3A_45 = arith.constant 0 : i32
    %dma_start3A_46 = tpu.memref_slice %arg7[%dma_start3A_42, %dma_start3A_44, %dma_start3A_45] : memref<4x125x64xf32, #tpu.memory_space<vmem>> -> memref<1x125x64xf32, #tpu.memory_space<vmem>>
    %dma_start3A_47 = tpu.memref_squeeze %dma_start3A_46 : memref<1x125x64xf32, #tpu.memory_space<vmem>> -> memref<125x64xf32, #tpu.memory_space<vmem>>
    %dma_start3A_48 = arith.constant 0 : i32
    %dma_start3A_49 = tpu.memref_slice %arg5[%dma_start3A_41, %dma_start3A_48] : memref<160x125xi32, #tpu.memory_space<vmem>> -> memref<1x125xi32, #tpu.memory_space<vmem>>
    %dma_start3A_50 = tpu.memref_squeeze %dma_start3A_49 : memref<1x125xi32, #tpu.memory_space<vmem>> -> memref<125xi32, #tpu.memory_space<vmem>>
    %dma_start3A_51 = arith.constant 0 : i32
    %dma_start3A_52 = arith.constant 0 : i32
    %dma_start3A_53 = tpu.memref_slice %arg2[%arg0, %dma_start3A_51, %dma_start3A_52] : memref<2x10000x64xf32, #tpu.memory_space<hbm>> -> memref<1x10000x64xf32, #tpu.memory_space<hbm>>
    %dma_start3A_54 = tpu.memref_squeeze %dma_start3A_53 : memref<1x10000x64xf32, #tpu.memory_space<hbm>> -> memref<10000x64xf32, #tpu.memory_space<hbm>>
    %dma_start3A_55 = arith.constant 0 : i32
    %dma_start3A_56 = arith.constant 0 : i32
    %dma_start3A_57 = tpu.memref_slice %dma_start3A_54[%dma_start3A_55, %dma_start3A_56] : memref<10000x64xf32, #tpu.memory_space<hbm>> -> memref<10000x64xf32, #tpu.memory_space<hbm>>
    %dma_start3A_58 = tpu.memref_slice %arg9[%dma_start3A_43] : memref<4x!tpu.dma_semaphore, #tpu.memory_space<semaphore_mem>> -> memref<1x!tpu.dma_semaphore, #tpu.memory_space<semaphore_mem>>
    %dma_start3A_59 = tpu.memref_squeeze %dma_start3A_58 : memref<1x!tpu.dma_semaphore, #tpu.memory_space<semaphore_mem>> -> memref<!tpu.dma_semaphore, #tpu.memory_space<semaphore_mem>>
    tpu.enqueue_indirect_dma source(%dma_start3A_57 : memref<10000x64xf32, #tpu.memory_space<hbm>>) target(%dma_start3A_47 : memref<125x64xf32, #tpu.memory_space<vmem>>) offsets(%dma_start3A_50 : memref<125xi32, #tpu.memory_space<vmem>>) semaphore(%dma_start3A_59 : memref<!tpu.dma_semaphore, #tpu.memory_space<semaphore_mem>>)
    %dma_start3A_60 = arith.constant 3 : i32
    %dma_start3A_61 = arith.constant 3 : i32
    %dma_start3A_62 = arith.constant 3 : i32
    %dma_start3A_63 = arith.constant 0 : i32
    %dma_start3A_64 = arith.constant 0 : i32
    %dma_start3A_65 = tpu.memref_slice %arg7[%dma_start3A_61, %dma_start3A_63, %dma_start3A_64] : memref<4x125x64xf32, #tpu.memory_space<vmem>> -> memref<1x125x64xf32, #tpu.memory_space<vmem>>
    %dma_start3A_66 = tpu.memref_squeeze %dma_start3A_65 : memref<1x125x64xf32, #tpu.memory_space<vmem>> -> memref<125x64xf32, #tpu.memory_space<vmem>>
    %dma_start3A_67 = arith.constant 0 : i32
    %dma_start3A_68 = tpu.memref_slice %arg5[%dma_start3A_60, %dma_start3A_67] : memref<160x125xi32, #tpu.memory_space<vmem>> -> memref<1x125xi32, #tpu.memory_space<vmem>>
    %dma_start3A_69 = tpu.memref_squeeze %dma_start3A_68 : memref<1x125xi32, #tpu.memory_space<vmem>> -> memref<125xi32, #tpu.memory_space<vmem>>
    %dma_start3A_70 = arith.constant 0 : i32
    %dma_start3A_71 = arith.constant 0 : i32
    %dma_start3A_72 = tpu.memref_slice %arg2[%arg0, %dma_start3A_70, %dma_start3A_71] : memref<2x10000x64xf32, #tpu.memory_space<hbm>> -> memref<1x10000x64xf32, #tpu.memory_space<hbm>>
    %dma_start3A_73 = tpu.memref_squeeze %dma_start3A_72 : memref<1x10000x64xf32, #tpu.memory_space<hbm>> -> memref<10000x64xf32, #tpu.memory_space<hbm>>
    %dma_start3A_74 = arith.constant 0 : i32
    %dma_start3A_75 = arith.constant 0 : i32
    %dma_start3A_76 = tpu.memref_slice %dma_start3A_73[%dma_start3A_74, %dma_start3A_75] : memref<10000x64xf32, #tpu.memory_space<hbm>> -> memref<10000x64xf32, #tpu.memory_space<hbm>>
    %dma_start3A_77 = tpu.memref_slice %arg9[%dma_start3A_62] : memref<4x!tpu.dma_semaphore, #tpu.memory_space<semaphore_mem>> -> memref<1x!tpu.dma_semaphore, #tpu.memory_space<semaphore_mem>>
    %dma_start3A_78 = tpu.memref_squeeze %dma_start3A_77 : memref<1x!tpu.dma_semaphore, #tpu.memory_space<semaphore_mem>> -> memref<!tpu.dma_semaphore, #tpu.memory_space<semaphore_mem>>
    tpu.enqueue_indirect_dma source(%dma_start3A_76 : memref<10000x64xf32, #tpu.memory_space<hbm>>) target(%dma_start3A_66 : memref<125x64xf32, #tpu.memory_space<vmem>>) offsets(%dma_start3A_69 : memref<125xi32, #tpu.memory_space<vmem>>) semaphore(%dma_start3A_78 : memref<!tpu.dma_semaphore, #tpu.memory_space<semaphore_mem>>)
    %scan3A = arith.constant 0 : i32
    %scan3A_79 = arith.constant 40 : i32
    %scan3A_80 = arith.addi %scan3A, %scan3A_79 : i32
    %scan3A_81 = arith.constant 1 : i32
    scf.for %scan3A_89 = %scan3A to %scan3A_80 step %scan3A_81  : i32 {
      %mul3A_90 = arith.constant 4 : i32
      %mul3A_91 = arith.muli %scan3A_89, %mul3A_90 : i32
      %add3A = arith.constant 0 : i32
      %add3A_92 = arith.addi %add3A, %mul3A_91 : i32
      %add3A_93 = arith.constant 0 : i32
      %add3A_94 = arith.addi %add3A_92, %add3A_93 : i32
      %dma_wait3A = arith.constant 0 : i32
      %dma_wait3A_95 = arith.constant 0 : i32
      %dma_wait3A_96 = arith.constant 0 : i32
      %dma_wait3A_97 = arith.constant 0 : i32
      %dma_wait3A_98 = arith.constant 0 : i32
      %dma_wait3A_99 = tpu.memref_slice %arg7[%dma_wait3A_95, %dma_wait3A_97, %dma_wait3A_98] : memref<4x125x64xf32, #tpu.memory_space<vmem>> -> memref<1x125x64xf32, #tpu.memory_space<vmem>>
      %dma_wait3A_100 = tpu.memref_squeeze %dma_wait3A_99 : memref<1x125x64xf32, #tpu.memory_space<vmem>> -> memref<125x64xf32, #tpu.memory_space<vmem>>
      %dma_wait3A_101 = arith.constant 0 : i32
      %dma_wait3A_102 = tpu.memref_slice %arg5[%dma_wait3A, %dma_wait3A_101] : memref<160x125xi32, #tpu.memory_space<vmem>> -> memref<1x125xi32, #tpu.memory_space<vmem>>
      %dma_wait3A_103 = tpu.memref_squeeze %dma_wait3A_102 : memref<1x125xi32, #tpu.memory_space<vmem>> -> memref<125xi32, #tpu.memory_space<vmem>>
      %dma_wait3A_104 = arith.constant 0 : i32
      %dma_wait3A_105 = arith.constant 0 : i32
      %dma_wait3A_106 = tpu.memref_slice %arg2[%arg0, %dma_wait3A_104, %dma_wait3A_105] : memref<2x10000x64xf32, #tpu.memory_space<hbm>> -> memref<1x10000x64xf32, #tpu.memory_space<hbm>>
      %dma_wait3A_107 = tpu.memref_squeeze %dma_wait3A_106 : memref<1x10000x64xf32, #tpu.memory_space<hbm>> -> memref<10000x64xf32, #tpu.memory_space<hbm>>
      %dma_wait3A_108 = arith.constant 0 : i32
      %dma_wait3A_109 = arith.constant 0 : i32
      %dma_wait3A_110 = tpu.memref_slice %dma_wait3A_107[%dma_wait3A_108, %dma_wait3A_109] : memref<10000x64xf32, #tpu.memory_space<hbm>> -> memref<10000x64xf32, #tpu.memory_space<hbm>>
      %dma_wait3A_111 = tpu.memref_slice %arg9[%dma_wait3A_96] : memref<4x!tpu.dma_semaphore, #tpu.memory_space<semaphore_mem>> -> memref<1x!tpu.dma_semaphore, #tpu.memory_space<semaphore_mem>>
      %dma_wait3A_112 = tpu.memref_squeeze %dma_wait3A_111 : memref<1x!tpu.dma_semaphore, #tpu.memory_space<semaphore_mem>> -> memref<!tpu.dma_semaphore, #tpu.memory_space<semaphore_mem>>
      tpu.wait_indirect_dma semaphore(%dma_wait3A_112 : memref<!tpu.dma_semaphore, #tpu.memory_space<semaphore_mem>>) src(%dma_wait3A_110 : memref<10000x64xf32, #tpu.memory_space<hbm>>) dst(%dma_wait3A_100 : memref<125x64xf32, #tpu.memory_space<vmem>>)
      %run_scoped3A_113 = arith.constant 0 : i32
      "tpu.region"() ({
        %run_scoped3A_207 = tpu.sem_alloc : memref<!tpu.dma_semaphore, #tpu.memory_space<semaphore_mem>>
        %dma_start3A_208 = arith.constant 0 : i32
        %dma_start3A_209 = arith.constant 0 : i32
        %dma_start3A_210 = tpu.memref_slice %arg7[%run_scoped3A_113, %dma_start3A_208, %dma_start3A_209] : memref<4x125x64xf32, #tpu.memory_space<vmem>> -> memref<1x125x64xf32, #tpu.memory_space<vmem>>
        %dma_start3A_211 = tpu.memref_squeeze %dma_start3A_210 : memref<1x125x64xf32, #tpu.memory_space<vmem>> -> memref<125x64xf32, #tpu.memory_space<vmem>>
        %dma_start3A_212 = arith.constant 0 : i32
        %dma_start3A_213 = tpu.memref_slice %arg6[%add3A_94, %dma_start3A_212] : memref<160x125xi32, #tpu.memory_space<vmem>> -> memref<1x125xi32, #tpu.memory_space<vmem>>
        %dma_start3A_214 = tpu.memref_squeeze %dma_start3A_213 : memref<1x125xi32, #tpu.memory_space<vmem>> -> memref<125xi32, #tpu.memory_space<vmem>>
        %dma_start3A_215 = arith.constant 0 : i32
        %dma_start3A_216 = arith.constant 0 : i32
        %dma_start3A_217 = tpu.memref_slice %arg8[%dma_start3A_215, %dma_start3A_216] : memref<10000x64xf32, #tpu.memory_space<vmem_shared>> -> memref<10000x64xf32, #tpu.memory_space<vmem_shared>>
        tpu.enqueue_indirect_dma source(%dma_start3A_211 : memref<125x64xf32, #tpu.memory_space<vmem>>) target(%dma_start3A_217 : memref<10000x64xf32, #tpu.memory_space<vmem_shared>>) offsets(%dma_start3A_214 : memref<125xi32, #tpu.memory_space<vmem>>) semaphore(%run_scoped3A_207 : memref<!tpu.dma_semaphore, #tpu.memory_space<semaphore_mem>>) {add = true}
        %dma_wait3A_218 = arith.constant 0 : i32
        %dma_wait3A_219 = arith.constant 0 : i32
        %dma_wait3A_220 = tpu.memref_slice %arg7[%run_scoped3A_113, %dma_wait3A_218, %dma_wait3A_219] : memref<4x125x64xf32, #tpu.memory_space<vmem>> -> memref<1x125x64xf32, #tpu.memory_space<vmem>>
        %dma_wait3A_221 = tpu.memref_squeeze %dma_wait3A_220 : memref<1x125x64xf32, #tpu.memory_space<vmem>> -> memref<125x64xf32, #tpu.memory_space<vmem>>
        %dma_wait3A_222 = arith.constant 0 : i32
        %dma_wait3A_223 = tpu.memref_slice %arg6[%add3A_94, %dma_wait3A_222] : memref<160x125xi32, #tpu.memory_space<vmem>> -> memref<1x125xi32, #tpu.memory_space<vmem>>
        %dma_wait3A_224 = tpu.memref_squeeze %dma_wait3A_223 : memref<1x125xi32, #tpu.memory_space<vmem>> -> memref<125xi32, #tpu.memory_space<vmem>>
        %dma_wait3A_225 = arith.constant 0 : i32
        %dma_wait3A_226 = arith.constant 0 : i32
        %dma_wait3A_227 = tpu.memref_slice %arg8[%dma_wait3A_225, %dma_wait3A_226] : memref<10000x64xf32, #tpu.memory_space<vmem_shared>> -> memref<10000x64xf32, #tpu.memory_space<vmem_shared>>
        tpu.wait_indirect_dma semaphore(%run_scoped3A_207 : memref<!tpu.dma_semaphore, #tpu.memory_space<semaphore_mem>>) src(%dma_wait3A_221 : memref<125x64xf32, #tpu.memory_space<vmem>>) dst(%dma_wait3A_227 : memref<10000x64xf32, #tpu.memory_space<vmem_shared>>)
        tpu.yield
      }) : () -> ()
      %add3A_114 = arith.constant 4 : i32
      %add3A_115 = arith.addi %add3A_94, %add3A_114 : i32
      %lt3A = arith.constant 160 : i32
      %lt3A_116 = arith.cmpi slt, %add3A_115, %lt3A : i32
      %convert_element_type3A_117 = arith.extui %lt3A_116 : i1 to i32
      %cond3A_118 = arith.constant 0 : i32
      %cond3A_119 = arith.cmpi ne, %convert_element_type3A_117, %cond3A_118 : i32
      scf.if %cond3A_119 {
        %dma_start3A_207 = arith.constant 0 : i32
        %dma_start3A_208 = arith.constant 0 : i32
        %dma_start3A_209 = arith.constant 0 : i32
        %dma_start3A_210 = arith.constant 0 : i32
        %dma_start3A_211 = tpu.memref_slice %arg7[%dma_start3A_207, %dma_start3A_209, %dma_start3A_210] : memref<4x125x64xf32, #tpu.memory_space<vmem>> -> memref<1x125x64xf32, #tpu.memory_space<vmem>>
        %dma_start3A_212 = tpu.memref_squeeze %dma_start3A_211 : memref<1x125x64xf32, #tpu.memory_space<vmem>> -> memref<125x64xf32, #tpu.memory_space<vmem>>
        %dma_start3A_213 = arith.constant 0 : i32
        %dma_start3A_214 = tpu.memref_slice %arg5[%add3A_115, %dma_start3A_213] : memref<160x125xi32, #tpu.memory_space<vmem>> -> memref<1x125xi32, #tpu.memory_space<vmem>>
        %dma_start3A_215 = tpu.memref_squeeze %dma_start3A_214 : memref<1x125xi32, #tpu.memory_space<vmem>> -> memref<125xi32, #tpu.memory_space<vmem>>
        %dma_start3A_216 = arith.constant 0 : i32
        %dma_start3A_217 = arith.constant 0 : i32
        %dma_start3A_218 = tpu.memref_slice %arg2[%arg0, %dma_start3A_216, %dma_start3A_217] : memref<2x10000x64xf32, #tpu.memory_space<hbm>> -> memref<1x10000x64xf32, #tpu.memory_space<hbm>>
        %dma_start3A_219 = tpu.memref_squeeze %dma_start3A_218 : memref<1x10000x64xf32, #tpu.memory_space<hbm>> -> memref<10000x64xf32, #tpu.memory_space<hbm>>
        %dma_start3A_220 = arith.constant 0 : i32
        %dma_start3A_221 = arith.constant 0 : i32
        %dma_start3A_222 = tpu.memref_slice %dma_start3A_219[%dma_start3A_220, %dma_start3A_221] : memref<10000x64xf32, #tpu.memory_space<hbm>> -> memref<10000x64xf32, #tpu.memory_space<hbm>>
        %dma_start3A_223 = tpu.memref_slice %arg9[%dma_start3A_208] : memref<4x!tpu.dma_semaphore, #tpu.memory_space<semaphore_mem>> -> memref<1x!tpu.dma_semaphore, #tpu.memory_space<semaphore_mem>>
        %dma_start3A_224 = tpu.memref_squeeze %dma_start3A_223 : memref<1x!tpu.dma_semaphore, #tpu.memory_space<semaphore_mem>> -> memref<!tpu.dma_semaphore, #tpu.memory_space<semaphore_mem>>
        tpu.enqueue_indirect_dma source(%dma_start3A_222 : memref<10000x64xf32, #tpu.memory_space<hbm>>) target(%dma_start3A_212 : memref<125x64xf32, #tpu.memory_space<vmem>>) offsets(%dma_start3A_215 : memref<125xi32, #tpu.memory_space<vmem>>) semaphore(%dma_start3A_224 : memref<!tpu.dma_semaphore, #tpu.memory_space<semaphore_mem>>)
      } else {
      }
      %add3A_120 = arith.constant 1 : i32
      %add3A_121 = arith.addi %add3A_92, %add3A_120 : i32
      %dma_wait3A_122 = arith.constant 1 : i32
      %dma_wait3A_123 = arith.constant 1 : i32
      %dma_wait3A_124 = arith.constant 1 : i32
      %dma_wait3A_125 = arith.constant 0 : i32
      %dma_wait3A_126 = arith.constant 0 : i32
      %dma_wait3A_127 = tpu.memref_slice %arg7[%dma_wait3A_123, %dma_wait3A_125, %dma_wait3A_126] : memref<4x125x64xf32, #tpu.memory_space<vmem>> -> memref<1x125x64xf32, #tpu.memory_space<vmem>>
      %dma_wait3A_128 = tpu.memref_squeeze %dma_wait3A_127 : memref<1x125x64xf32, #tpu.memory_space<vmem>> -> memref<125x64xf32, #tpu.memory_space<vmem>>
      %dma_wait3A_129 = arith.constant 0 : i32
      %dma_wait3A_130 = tpu.memref_slice %arg5[%dma_wait3A_122, %dma_wait3A_129] : memref<160x125xi32, #tpu.memory_space<vmem>> -> memref<1x125xi32, #tpu.memory_space<vmem>>
      %dma_wait3A_131 = tpu.memref_squeeze %dma_wait3A_130 : memref<1x125xi32, #tpu.memory_space<vmem>> -> memref<125xi32, #tpu.memory_space<vmem>>
      %dma_wait3A_132 = arith.constant 0 : i32
      %dma_wait3A_133 = arith.constant 0 : i32
      %dma_wait3A_134 = tpu.memref_slice %arg2[%arg0, %dma_wait3A_132, %dma_wait3A_133] : memref<2x10000x64xf32, #tpu.memory_space<hbm>> -> memref<1x10000x64xf32, #tpu.memory_space<hbm>>
      %dma_wait3A_135 = tpu.memref_squeeze %dma_wait3A_134 : memref<1x10000x64xf32, #tpu.memory_space<hbm>> -> memref<10000x64xf32, #tpu.memory_space<hbm>>
      %dma_wait3A_136 = arith.constant 0 : i32
      %dma_wait3A_137 = arith.constant 0 : i32
      %dma_wait3A_138 = tpu.memref_slice %dma_wait3A_135[%dma_wait3A_136, %dma_wait3A_137] : memref<10000x64xf32, #tpu.memory_space<hbm>> -> memref<10000x64xf32, #tpu.memory_space<hbm>>
      %dma_wait3A_139 = tpu.memref_slice %arg9[%dma_wait3A_124] : memref<4x!tpu.dma_semaphore, #tpu.memory_space<semaphore_mem>> -> memref<1x!tpu.dma_semaphore, #tpu.memory_space<semaphore_mem>>
      %dma_wait3A_140 = tpu.memref_squeeze %dma_wait3A_139 : memref<1x!tpu.dma_semaphore, #tpu.memory_space<semaphore_mem>> -> memref<!tpu.dma_semaphore, #tpu.memory_space<semaphore_mem>>
      tpu.wait_indirect_dma semaphore(%dma_wait3A_140 : memref<!tpu.dma_semaphore, #tpu.memory_space<semaphore_mem>>) src(%dma_wait3A_138 : memref<10000x64xf32, #tpu.memory_space<hbm>>) dst(%dma_wait3A_128 : memref<125x64xf32, #tpu.memory_space<vmem>>)
      %run_scoped3A_141 = arith.constant 1 : i32
      "tpu.region"() ({
        %run_scoped3A_207 = tpu.sem_alloc : memref<!tpu.dma_semaphore, #tpu.memory_space<semaphore_mem>>
        %dma_start3A_208 = arith.constant 0 : i32
        %dma_start3A_209 = arith.constant 0 : i32
        %dma_start3A_210 = tpu.memref_slice %arg7[%run_scoped3A_141, %dma_start3A_208, %dma_start3A_209] : memref<4x125x64xf32, #tpu.memory_space<vmem>> -> memref<1x125x64xf32, #tpu.memory_space<vmem>>
        %dma_start3A_211 = tpu.memref_squeeze %dma_start3A_210 : memref<1x125x64xf32, #tpu.memory_space<vmem>> -> memref<125x64xf32, #tpu.memory_space<vmem>>
        %dma_start3A_212 = arith.constant 0 : i32
        %dma_start3A_213 = tpu.memref_slice %arg6[%add3A_121, %dma_start3A_212] : memref<160x125xi32, #tpu.memory_space<vmem>> -> memref<1x125xi32, #tpu.memory_space<vmem>>
        %dma_start3A_214 = tpu.memref_squeeze %dma_start3A_213 : memref<1x125xi32, #tpu.memory_space<vmem>> -> memref<125xi32, #tpu.memory_space<vmem>>
        %dma_start3A_215 = arith.constant 0 : i32
        %dma_start3A_216 = arith.constant 0 : i32
        %dma_start3A_217 = tpu.memref_slice %arg8[%dma_start3A_215, %dma_start3A_216] : memref<10000x64xf32, #tpu.memory_space<vmem_shared>> -> memref<10000x64xf32, #tpu.memory_space<vmem_shared>>
        tpu.enqueue_indirect_dma source(%dma_start3A_211 : memref<125x64xf32, #tpu.memory_space<vmem>>) target(%dma_start3A_217 : memref<10000x64xf32, #tpu.memory_space<vmem_shared>>) offsets(%dma_start3A_214 : memref<125xi32, #tpu.memory_space<vmem>>) semaphore(%run_scoped3A_207 : memref<!tpu.dma_semaphore, #tpu.memory_space<semaphore_mem>>) {add = true}
        %dma_wait3A_218 = arith.constant 0 : i32
        %dma_wait3A_219 = arith.constant 0 : i32
        %dma_wait3A_220 = tpu.memref_slice %arg7[%run_scoped3A_141, %dma_wait3A_218, %dma_wait3A_219] : memref<4x125x64xf32, #tpu.memory_space<vmem>> -> memref<1x125x64xf32, #tpu.memory_space<vmem>>
        %dma_wait3A_221 = tpu.memref_squeeze %dma_wait3A_220 : memref<1x125x64xf32, #tpu.memory_space<vmem>> -> memref<125x64xf32, #tpu.memory_space<vmem>>
        %dma_wait3A_222 = arith.constant 0 : i32
        %dma_wait3A_223 = tpu.memref_slice %arg6[%add3A_121, %dma_wait3A_222] : memref<160x125xi32, #tpu.memory_space<vmem>> -> memref<1x125xi32, #tpu.memory_space<vmem>>
        %dma_wait3A_224 = tpu.memref_squeeze %dma_wait3A_223 : memref<1x125xi32, #tpu.memory_space<vmem>> -> memref<125xi32, #tpu.memory_space<vmem>>
        %dma_wait3A_225 = arith.constant 0 : i32
        %dma_wait3A_226 = arith.constant 0 : i32
        %dma_wait3A_227 = tpu.memref_slice %arg8[%dma_wait3A_225, %dma_wait3A_226] : memref<10000x64xf32, #tpu.memory_space<vmem_shared>> -> memref<10000x64xf32, #tpu.memory_space<vmem_shared>>
        tpu.wait_indirect_dma semaphore(%run_scoped3A_207 : memref<!tpu.dma_semaphore, #tpu.memory_space<semaphore_mem>>) src(%dma_wait3A_221 : memref<125x64xf32, #tpu.memory_space<vmem>>) dst(%dma_wait3A_227 : memref<10000x64xf32, #tpu.memory_space<vmem_shared>>)
        tpu.yield
      }) : () -> ()
      %add3A_142 = arith.constant 4 : i32
      %add3A_143 = arith.addi %add3A_121, %add3A_142 : i32
      %lt3A_144 = arith.constant 160 : i32
      %lt3A_145 = arith.cmpi slt, %add3A_143, %lt3A_144 : i32
      %convert_element_type3A_146 = arith.extui %lt3A_145 : i1 to i32
      %cond3A_147 = arith.constant 0 : i32
      %cond3A_148 = arith.cmpi ne, %convert_element_type3A_146, %cond3A_147 : i32
      scf.if %cond3A_148 {
        %dma_start3A_207 = arith.constant 1 : i32
        %dma_start3A_208 = arith.constant 1 : i32
        %dma_start3A_209 = arith.constant 0 : i32
        %dma_start3A_210 = arith.constant 0 : i32
        %dma_start3A_211 = tpu.memref_slice %arg7[%dma_start3A_207, %dma_start3A_209, %dma_start3A_210] : memref<4x125x64xf32, #tpu.memory_space<vmem>> -> memref<1x125x64xf32, #tpu.memory_space<vmem>>
        %dma_start3A_212 = tpu.memref_squeeze %dma_start3A_211 : memref<1x125x64xf32, #tpu.memory_space<vmem>> -> memref<125x64xf32, #tpu.memory_space<vmem>>
        %dma_start3A_213 = arith.constant 0 : i32
        %dma_start3A_214 = tpu.memref_slice %arg5[%add3A_143, %dma_start3A_213] : memref<160x125xi32, #tpu.memory_space<vmem>> -> memref<1x125xi32, #tpu.memory_space<vmem>>
        %dma_start3A_215 = tpu.memref_squeeze %dma_start3A_214 : memref<1x125xi32, #tpu.memory_space<vmem>> -> memref<125xi32, #tpu.memory_space<vmem>>
        %dma_start3A_216 = arith.constant 0 : i32
        %dma_start3A_217 = arith.constant 0 : i32
        %dma_start3A_218 = tpu.memref_slice %arg2[%arg0, %dma_start3A_216, %dma_start3A_217] : memref<2x10000x64xf32, #tpu.memory_space<hbm>> -> memref<1x10000x64xf32, #tpu.memory_space<hbm>>
        %dma_start3A_219 = tpu.memref_squeeze %dma_start3A_218 : memref<1x10000x64xf32, #tpu.memory_space<hbm>> -> memref<10000x64xf32, #tpu.memory_space<hbm>>
        %dma_start3A_220 = arith.constant 0 : i32
        %dma_start3A_221 = arith.constant 0 : i32
        %dma_start3A_222 = tpu.memref_slice %dma_start3A_219[%dma_start3A_220, %dma_start3A_221] : memref<10000x64xf32, #tpu.memory_space<hbm>> -> memref<10000x64xf32, #tpu.memory_space<hbm>>
        %dma_start3A_223 = tpu.memref_slice %arg9[%dma_start3A_208] : memref<4x!tpu.dma_semaphore, #tpu.memory_space<semaphore_mem>> -> memref<1x!tpu.dma_semaphore, #tpu.memory_space<semaphore_mem>>
        %dma_start3A_224 = tpu.memref_squeeze %dma_start3A_223 : memref<1x!tpu.dma_semaphore, #tpu.memory_space<semaphore_mem>> -> memref<!tpu.dma_semaphore, #tpu.memory_space<semaphore_mem>>
        tpu.enqueue_indirect_dma source(%dma_start3A_222 : memref<10000x64xf32, #tpu.memory_space<hbm>>) target(%dma_start3A_212 : memref<125x64xf32, #tpu.memory_space<vmem>>) offsets(%dma_start3A_215 : memref<125xi32, #tpu.memory_space<vmem>>) semaphore(%dma_start3A_224 : memref<!tpu.dma_semaphore, #tpu.memory_space<semaphore_mem>>)
      } else {
      }
      %add3A_149 = arith.constant 2 : i32
      %add3A_150 = arith.addi %add3A_92, %add3A_149 : i32
      %dma_wait3A_151 = arith.constant 2 : i32
      %dma_wait3A_152 = arith.constant 2 : i32
      %dma_wait3A_153 = arith.constant 2 : i32
      %dma_wait3A_154 = arith.constant 0 : i32
      %dma_wait3A_155 = arith.constant 0 : i32
      %dma_wait3A_156 = tpu.memref_slice %arg7[%dma_wait3A_152, %dma_wait3A_154, %dma_wait3A_155] : memref<4x125x64xf32, #tpu.memory_space<vmem>> -> memref<1x125x64xf32, #tpu.memory_space<vmem>>
      %dma_wait3A_157 = tpu.memref_squeeze %dma_wait3A_156 : memref<1x125x64xf32, #tpu.memory_space<vmem>> -> memref<125x64xf32, #tpu.memory_space<vmem>>
      %dma_wait3A_158 = arith.constant 0 : i32
      %dma_wait3A_159 = tpu.memref_slice %arg5[%dma_wait3A_151, %dma_wait3A_158] : memref<160x125xi32, #tpu.memory_space<vmem>> -> memref<1x125xi32, #tpu.memory_space<vmem>>
      %dma_wait3A_160 = tpu.memref_squeeze %dma_wait3A_159 : memref<1x125xi32, #tpu.memory_space<vmem>> -> memref<125xi32, #tpu.memory_space<vmem>>
      %dma_wait3A_161 = arith.constant 0 : i32
      %dma_wait3A_162 = arith.constant 0 : i32
      %dma_wait3A_163 = tpu.memref_slice %arg2[%arg0, %dma_wait3A_161, %dma_wait3A_162] : memref<2x10000x64xf32, #tpu.memory_space<hbm>> -> memref<1x10000x64xf32, #tpu.memory_space<hbm>>
      %dma_wait3A_164 = tpu.memref_squeeze %dma_wait3A_163 : memref<1x10000x64xf32, #tpu.memory_space<hbm>> -> memref<10000x64xf32, #tpu.memory_space<hbm>>
      %dma_wait3A_165 = arith.constant 0 : i32
      %dma_wait3A_166 = arith.constant 0 : i32
      %dma_wait3A_167 = tpu.memref_slice %dma_wait3A_164[%dma_wait3A_165, %dma_wait3A_166] : memref<10000x64xf32, #tpu.memory_space<hbm>> -> memref<10000x64xf32, #tpu.memory_space<hbm>>
      %dma_wait3A_168 = tpu.memref_slice %arg9[%dma_wait3A_153] : memref<4x!tpu.dma_semaphore, #tpu.memory_space<semaphore_mem>> -> memref<1x!tpu.dma_semaphore, #tpu.memory_space<semaphore_mem>>
      %dma_wait3A_169 = tpu.memref_squeeze %dma_wait3A_168 : memref<1x!tpu.dma_semaphore, #tpu.memory_space<semaphore_mem>> -> memref<!tpu.dma_semaphore, #tpu.memory_space<semaphore_mem>>
      tpu.wait_indirect_dma semaphore(%dma_wait3A_169 : memref<!tpu.dma_semaphore, #tpu.memory_space<semaphore_mem>>) src(%dma_wait3A_167 : memref<10000x64xf32, #tpu.memory_space<hbm>>) dst(%dma_wait3A_157 : memref<125x64xf32, #tpu.memory_space<vmem>>)
      %run_scoped3A_170 = arith.constant 2 : i32
      "tpu.region"() ({
        %run_scoped3A_207 = tpu.sem_alloc : memref<!tpu.dma_semaphore, #tpu.memory_space<semaphore_mem>>
        %dma_start3A_208 = arith.constant 0 : i32
        %dma_start3A_209 = arith.constant 0 : i32
        %dma_start3A_210 = tpu.memref_slice %arg7[%run_scoped3A_170, %dma_start3A_208, %dma_start3A_209] : memref<4x125x64xf32, #tpu.memory_space<vmem>> -> memref<1x125x64xf32, #tpu.memory_space<vmem>>
        %dma_start3A_211 = tpu.memref_squeeze %dma_start3A_210 : memref<1x125x64xf32, #tpu.memory_space<vmem>> -> memref<125x64xf32, #tpu.memory_space<vmem>>
        %dma_start3A_212 = arith.constant 0 : i32
        %dma_start3A_213 = tpu.memref_slice %arg6[%add3A_150, %dma_start3A_212] : memref<160x125xi32, #tpu.memory_space<vmem>> -> memref<1x125xi32, #tpu.memory_space<vmem>>
        %dma_start3A_214 = tpu.memref_squeeze %dma_start3A_213 : memref<1x125xi32, #tpu.memory_space<vmem>> -> memref<125xi32, #tpu.memory_space<vmem>>
        %dma_start3A_215 = arith.constant 0 : i32
        %dma_start3A_216 = arith.constant 0 : i32
        %dma_start3A_217 = tpu.memref_slice %arg8[%dma_start3A_215, %dma_start3A_216] : memref<10000x64xf32, #tpu.memory_space<vmem_shared>> -> memref<10000x64xf32, #tpu.memory_space<vmem_shared>>
        tpu.enqueue_indirect_dma source(%dma_start3A_211 : memref<125x64xf32, #tpu.memory_space<vmem>>) target(%dma_start3A_217 : memref<10000x64xf32, #tpu.memory_space<vmem_shared>>) offsets(%dma_start3A_214 : memref<125xi32, #tpu.memory_space<vmem>>) semaphore(%run_scoped3A_207 : memref<!tpu.dma_semaphore, #tpu.memory_space<semaphore_mem>>) {add = true}
        %dma_wait3A_218 = arith.constant 0 : i32
        %dma_wait3A_219 = arith.constant 0 : i32
        %dma_wait3A_220 = tpu.memref_slice %arg7[%run_scoped3A_170, %dma_wait3A_218, %dma_wait3A_219] : memref<4x125x64xf32, #tpu.memory_space<vmem>> -> memref<1x125x64xf32, #tpu.memory_space<vmem>>
        %dma_wait3A_221 = tpu.memref_squeeze %dma_wait3A_220 : memref<1x125x64xf32, #tpu.memory_space<vmem>> -> memref<125x64xf32, #tpu.memory_space<vmem>>
        %dma_wait3A_222 = arith.constant 0 : i32
        %dma_wait3A_223 = tpu.memref_slice %arg6[%add3A_150, %dma_wait3A_222] : memref<160x125xi32, #tpu.memory_space<vmem>> -> memref<1x125xi32, #tpu.memory_space<vmem>>
        %dma_wait3A_224 = tpu.memref_squeeze %dma_wait3A_223 : memref<1x125xi32, #tpu.memory_space<vmem>> -> memref<125xi32, #tpu.memory_space<vmem>>
        %dma_wait3A_225 = arith.constant 0 : i32
        %dma_wait3A_226 = arith.constant 0 : i32
        %dma_wait3A_227 = tpu.memref_slice %arg8[%dma_wait3A_225, %dma_wait3A_226] : memref<10000x64xf32, #tpu.memory_space<vmem_shared>> -> memref<10000x64xf32, #tpu.memory_space<vmem_shared>>
        tpu.wait_indirect_dma semaphore(%run_scoped3A_207 : memref<!tpu.dma_semaphore, #tpu.memory_space<semaphore_mem>>) src(%dma_wait3A_221 : memref<125x64xf32, #tpu.memory_space<vmem>>) dst(%dma_wait3A_227 : memref<10000x64xf32, #tpu.memory_space<vmem_shared>>)
        tpu.yield
      }) : () -> ()
      %add3A_171 = arith.constant 4 : i32
      %add3A_172 = arith.addi %add3A_150, %add3A_171 : i32
      %lt3A_173 = arith.constant 160 : i32
      %lt3A_174 = arith.cmpi slt, %add3A_172, %lt3A_173 : i32
      %convert_element_type3A_175 = arith.extui %lt3A_174 : i1 to i32
      %cond3A_176 = arith.constant 0 : i32
      %cond3A_177 = arith.cmpi ne, %convert_element_type3A_175, %cond3A_176 : i32
      scf.if %cond3A_177 {
        %dma_start3A_207 = arith.constant 2 : i32
        %dma_start3A_208 = arith.constant 2 : i32
        %dma_start3A_209 = arith.constant 0 : i32
        %dma_start3A_210 = arith.constant 0 : i32
        %dma_start3A_211 = tpu.memref_slice %arg7[%dma_start3A_207, %dma_start3A_209, %dma_start3A_210] : memref<4x125x64xf32, #tpu.memory_space<vmem>> -> memref<1x125x64xf32, #tpu.memory_space<vmem>>
        %dma_start3A_212 = tpu.memref_squeeze %dma_start3A_211 : memref<1x125x64xf32, #tpu.memory_space<vmem>> -> memref<125x64xf32, #tpu.memory_space<vmem>>
        %dma_start3A_213 = arith.constant 0 : i32
        %dma_start3A_214 = tpu.memref_slice %arg5[%add3A_172, %dma_start3A_213] : memref<160x125xi32, #tpu.memory_space<vmem>> -> memref<1x125xi32, #tpu.memory_space<vmem>>
        %dma_start3A_215 = tpu.memref_squeeze %dma_start3A_214 : memref<1x125xi32, #tpu.memory_space<vmem>> -> memref<125xi32, #tpu.memory_space<vmem>>
        %dma_start3A_216 = arith.constant 0 : i32
        %dma_start3A_217 = arith.constant 0 : i32
        %dma_start3A_218 = tpu.memref_slice %arg2[%arg0, %dma_start3A_216, %dma_start3A_217] : memref<2x10000x64xf32, #tpu.memory_space<hbm>> -> memref<1x10000x64xf32, #tpu.memory_space<hbm>>
        %dma_start3A_219 = tpu.memref_squeeze %dma_start3A_218 : memref<1x10000x64xf32, #tpu.memory_space<hbm>> -> memref<10000x64xf32, #tpu.memory_space<hbm>>
        %dma_start3A_220 = arith.constant 0 : i32
        %dma_start3A_221 = arith.constant 0 : i32
        %dma_start3A_222 = tpu.memref_slice %dma_start3A_219[%dma_start3A_220, %dma_start3A_221] : memref<10000x64xf32, #tpu.memory_space<hbm>> -> memref<10000x64xf32, #tpu.memory_space<hbm>>
        %dma_start3A_223 = tpu.memref_slice %arg9[%dma_start3A_208] : memref<4x!tpu.dma_semaphore, #tpu.memory_space<semaphore_mem>> -> memref<1x!tpu.dma_semaphore, #tpu.memory_space<semaphore_mem>>
        %dma_start3A_224 = tpu.memref_squeeze %dma_start3A_223 : memref<1x!tpu.dma_semaphore, #tpu.memory_space<semaphore_mem>> -> memref<!tpu.dma_semaphore, #tpu.memory_space<semaphore_mem>>
        tpu.enqueue_indirect_dma source(%dma_start3A_222 : memref<10000x64xf32, #tpu.memory_space<hbm>>) target(%dma_start3A_212 : memref<125x64xf32, #tpu.memory_space<vmem>>) offsets(%dma_start3A_215 : memref<125xi32, #tpu.memory_space<vmem>>) semaphore(%dma_start3A_224 : memref<!tpu.dma_semaphore, #tpu.memory_space<semaphore_mem>>)
      } else {
      }
      %add3A_178 = arith.constant 3 : i32
      %add3A_179 = arith.addi %add3A_92, %add3A_178 : i32
      %dma_wait3A_180 = arith.constant 3 : i32
      %dma_wait3A_181 = arith.constant 3 : i32
      %dma_wait3A_182 = arith.constant 3 : i32
      %dma_wait3A_183 = arith.constant 0 : i32
      %dma_wait3A_184 = arith.constant 0 : i32
      %dma_wait3A_185 = tpu.memref_slice %arg7[%dma_wait3A_181, %dma_wait3A_183, %dma_wait3A_184] : memref<4x125x64xf32, #tpu.memory_space<vmem>> -> memref<1x125x64xf32, #tpu.memory_space<vmem>>
      %dma_wait3A_186 = tpu.memref_squeeze %dma_wait3A_185 : memref<1x125x64xf32, #tpu.memory_space<vmem>> -> memref<125x64xf32, #tpu.memory_space<vmem>>
      %dma_wait3A_187 = arith.constant 0 : i32
      %dma_wait3A_188 = tpu.memref_slice %arg5[%dma_wait3A_180, %dma_wait3A_187] : memref<160x125xi32, #tpu.memory_space<vmem>> -> memref<1x125xi32, #tpu.memory_space<vmem>>
      %dma_wait3A_189 = tpu.memref_squeeze %dma_wait3A_188 : memref<1x125xi32, #tpu.memory_space<vmem>> -> memref<125xi32, #tpu.memory_space<vmem>>
      %dma_wait3A_190 = arith.constant 0 : i32
      %dma_wait3A_191 = arith.constant 0 : i32
      %dma_wait3A_192 = tpu.memref_slice %arg2[%arg0, %dma_wait3A_190, %dma_wait3A_191] : memref<2x10000x64xf32, #tpu.memory_space<hbm>> -> memref<1x10000x64xf32, #tpu.memory_space<hbm>>
      %dma_wait3A_193 = tpu.memref_squeeze %dma_wait3A_192 : memref<1x10000x64xf32, #tpu.memory_space<hbm>> -> memref<10000x64xf32, #tpu.memory_space<hbm>>
      %dma_wait3A_194 = arith.constant 0 : i32
      %dma_wait3A_195 = arith.constant 0 : i32
      %dma_wait3A_196 = tpu.memref_slice %dma_wait3A_193[%dma_wait3A_194, %dma_wait3A_195] : memref<10000x64xf32, #tpu.memory_space<hbm>> -> memref<10000x64xf32, #tpu.memory_space<hbm>>
      %dma_wait3A_197 = tpu.memref_slice %arg9[%dma_wait3A_182] : memref<4x!tpu.dma_semaphore, #tpu.memory_space<semaphore_mem>> -> memref<1x!tpu.dma_semaphore, #tpu.memory_space<semaphore_mem>>
      %dma_wait3A_198 = tpu.memref_squeeze %dma_wait3A_197 : memref<1x!tpu.dma_semaphore, #tpu.memory_space<semaphore_mem>> -> memref<!tpu.dma_semaphore, #tpu.memory_space<semaphore_mem>>
      tpu.wait_indirect_dma semaphore(%dma_wait3A_198 : memref<!tpu.dma_semaphore, #tpu.memory_space<semaphore_mem>>) src(%dma_wait3A_196 : memref<10000x64xf32, #tpu.memory_space<hbm>>) dst(%dma_wait3A_186 : memref<125x64xf32, #tpu.memory_space<vmem>>)
      %run_scoped3A_199 = arith.constant 3 : i32
      "tpu.region"() ({
        %run_scoped3A_207 = tpu.sem_alloc : memref<!tpu.dma_semaphore, #tpu.memory_space<semaphore_mem>>
        %dma_start3A_208 = arith.constant 0 : i32
        %dma_start3A_209 = arith.constant 0 : i32
        %dma_start3A_210 = tpu.memref_slice %arg7[%run_scoped3A_199, %dma_start3A_208, %dma_start3A_209] : memref<4x125x64xf32, #tpu.memory_space<vmem>> -> memref<1x125x64xf32, #tpu.memory_space<vmem>>
        %dma_start3A_211 = tpu.memref_squeeze %dma_start3A_210 : memref<1x125x64xf32, #tpu.memory_space<vmem>> -> memref<125x64xf32, #tpu.memory_space<vmem>>
        %dma_start3A_212 = arith.constant 0 : i32
        %dma_start3A_213 = tpu.memref_slice %arg6[%add3A_179, %dma_start3A_212] : memref<160x125xi32, #tpu.memory_space<vmem>> -> memref<1x125xi32, #tpu.memory_space<vmem>>
        %dma_start3A_214 = tpu.memref_squeeze %dma_start3A_213 : memref<1x125xi32, #tpu.memory_space<vmem>> -> memref<125xi32, #tpu.memory_space<vmem>>
        %dma_start3A_215 = arith.constant 0 : i32
        %dma_start3A_216 = arith.constant 0 : i32
        %dma_start3A_217 = tpu.memref_slice %arg8[%dma_start3A_215, %dma_start3A_216] : memref<10000x64xf32, #tpu.memory_space<vmem_shared>> -> memref<10000x64xf32, #tpu.memory_space<vmem_shared>>
        tpu.enqueue_indirect_dma source(%dma_start3A_211 : memref<125x64xf32, #tpu.memory_space<vmem>>) target(%dma_start3A_217 : memref<10000x64xf32, #tpu.memory_space<vmem_shared>>) offsets(%dma_start3A_214 : memref<125xi32, #tpu.memory_space<vmem>>) semaphore(%run_scoped3A_207 : memref<!tpu.dma_semaphore, #tpu.memory_space<semaphore_mem>>) {add = true}
        %dma_wait3A_218 = arith.constant 0 : i32
        %dma_wait3A_219 = arith.constant 0 : i32
        %dma_wait3A_220 = tpu.memref_slice %arg7[%run_scoped3A_199, %dma_wait3A_218, %dma_wait3A_219] : memref<4x125x64xf32, #tpu.memory_space<vmem>> -> memref<1x125x64xf32, #tpu.memory_space<vmem>>
        %dma_wait3A_221 = tpu.memref_squeeze %dma_wait3A_220 : memref<1x125x64xf32, #tpu.memory_space<vmem>> -> memref<125x64xf32, #tpu.memory_space<vmem>>
        %dma_wait3A_222 = arith.constant 0 : i32
        %dma_wait3A_223 = tpu.memref_slice %arg6[%add3A_179, %dma_wait3A_222] : memref<160x125xi32, #tpu.memory_space<vmem>> -> memref<1x125xi32, #tpu.memory_space<vmem>>
        %dma_wait3A_224 = tpu.memref_squeeze %dma_wait3A_223 : memref<1x125xi32, #tpu.memory_space<vmem>> -> memref<125xi32, #tpu.memory_space<vmem>>
        %dma_wait3A_225 = arith.constant 0 : i32
        %dma_wait3A_226 = arith.constant 0 : i32
        %dma_wait3A_227 = tpu.memref_slice %arg8[%dma_wait3A_225, %dma_wait3A_226] : memref<10000x64xf32, #tpu.memory_space<vmem_shared>> -> memref<10000x64xf32, #tpu.memory_space<vmem_shared>>
        tpu.wait_indirect_dma semaphore(%run_scoped3A_207 : memref<!tpu.dma_semaphore, #tpu.memory_space<semaphore_mem>>) src(%dma_wait3A_221 : memref<125x64xf32, #tpu.memory_space<vmem>>) dst(%dma_wait3A_227 : memref<10000x64xf32, #tpu.memory_space<vmem_shared>>)
        tpu.yield
      }) : () -> ()
      %add3A_200 = arith.constant 4 : i32
      %add3A_201 = arith.addi %add3A_179, %add3A_200 : i32
      %lt3A_202 = arith.constant 160 : i32
      %lt3A_203 = arith.cmpi slt, %add3A_201, %lt3A_202 : i32
      %convert_element_type3A_204 = arith.extui %lt3A_203 : i1 to i32
      %cond3A_205 = arith.constant 0 : i32
      %cond3A_206 = arith.cmpi ne, %convert_element_type3A_204, %cond3A_205 : i32
      scf.if %cond3A_206 {
        %dma_start3A_207 = arith.constant 3 : i32
        %dma_start3A_208 = arith.constant 3 : i32
        %dma_start3A_209 = arith.constant 0 : i32
        %dma_start3A_210 = arith.constant 0 : i32
        %dma_start3A_211 = tpu.memref_slice %arg7[%dma_start3A_207, %dma_start3A_209, %dma_start3A_210] : memref<4x125x64xf32, #tpu.memory_space<vmem>> -> memref<1x125x64xf32, #tpu.memory_space<vmem>>
        %dma_start3A_212 = tpu.memref_squeeze %dma_start3A_211 : memref<1x125x64xf32, #tpu.memory_space<vmem>> -> memref<125x64xf32, #tpu.memory_space<vmem>>
        %dma_start3A_213 = arith.constant 0 : i32
        %dma_start3A_214 = tpu.memref_slice %arg5[%add3A_201, %dma_start3A_213] : memref<160x125xi32, #tpu.memory_space<vmem>> -> memref<1x125xi32, #tpu.memory_space<vmem>>
        %dma_start3A_215 = tpu.memref_squeeze %dma_start3A_214 : memref<1x125xi32, #tpu.memory_space<vmem>> -> memref<125xi32, #tpu.memory_space<vmem>>
        %dma_start3A_216 = arith.constant 0 : i32
        %dma_start3A_217 = arith.constant 0 : i32
        %dma_start3A_218 = tpu.memref_slice %arg2[%arg0, %dma_start3A_216, %dma_start3A_217] : memref<2x10000x64xf32, #tpu.memory_space<hbm>> -> memref<1x10000x64xf32, #tpu.memory_space<hbm>>
        %dma_start3A_219 = tpu.memref_squeeze %dma_start3A_218 : memref<1x10000x64xf32, #tpu.memory_space<hbm>> -> memref<10000x64xf32, #tpu.memory_space<hbm>>
        %dma_start3A_220 = arith.constant 0 : i32
        %dma_start3A_221 = arith.constant 0 : i32
        %dma_start3A_222 = tpu.memref_slice %dma_start3A_219[%dma_start3A_220, %dma_start3A_221] : memref<10000x64xf32, #tpu.memory_space<hbm>> -> memref<10000x64xf32, #tpu.memory_space<hbm>>
        %dma_start3A_223 = tpu.memref_slice %arg9[%dma_start3A_208] : memref<4x!tpu.dma_semaphore, #tpu.memory_space<semaphore_mem>> -> memref<1x!tpu.dma_semaphore, #tpu.memory_space<semaphore_mem>>
        %dma_start3A_224 = tpu.memref_squeeze %dma_start3A_223 : memref<1x!tpu.dma_semaphore, #tpu.memory_space<semaphore_mem>> -> memref<!tpu.dma_semaphore, #tpu.memory_space<semaphore_mem>>
        tpu.enqueue_indirect_dma source(%dma_start3A_222 : memref<10000x64xf32, #tpu.memory_space<hbm>>) target(%dma_start3A_212 : memref<125x64xf32, #tpu.memory_space<vmem>>) offsets(%dma_start3A_215 : memref<125xi32, #tpu.memory_space<vmem>>) semaphore(%dma_start3A_224 : memref<!tpu.dma_semaphore, #tpu.memory_space<semaphore_mem>>)
      } else {
      }
    }
    %scan3A_82 = arith.constant 40 : i32
    %barrier3A_83 = arith.constant 0 : index
    tpu.barrier barrier_id(%barrier3A_83)
    "tpu.region"() ({
      %run_scoped3A_89 = tpu.sem_alloc : memref<!tpu.dma_semaphore, #tpu.memory_space<semaphore_mem>>
      %dma_start3A_90 = arith.constant 0 : i32
      %dma_start3A_91 = tpu.memref_slice %arg4[%arg0, %mul3A_1, %dma_start3A_90] : memref<2x10000x64xf32, #tpu.memory_space<hbm>> -> memref<1x624x64xf32, #tpu.memory_space<hbm>>
      %dma_start3A_92 = tpu.memref_squeeze %dma_start3A_91 : memref<1x624x64xf32, #tpu.memory_space<hbm>> -> memref<624x64xf32, #tpu.memory_space<hbm>>
      %dma_start3A_93 = arith.constant 0 : i32
      %dma_start3A_94 = tpu.memref_slice %arg8[%mul3A_1, %dma_start3A_93] : memref<10000x64xf32, #tpu.memory_space<vmem_shared>> -> memref<624x64xf32, #tpu.memory_space<vmem_shared>>
      tpu.enqueue_dma source(%dma_start3A_94 : memref<624x64xf32, #tpu.memory_space<vmem_shared>>) target(%dma_start3A_92 : memref<624x64xf32, #tpu.memory_space<hbm>>) target_semaphore(%run_scoped3A_89 : memref<!tpu.dma_semaphore, #tpu.memory_space<semaphore_mem>>)
      %dma_wait3A = arith.constant 0 : i32
      %dma_wait3A_95 = tpu.memref_slice %arg4[%arg0, %mul3A_1, %dma_wait3A] : memref<2x10000x64xf32, #tpu.memory_space<hbm>> -> memref<1x624x64xf32, #tpu.memory_space<hbm>>
      %dma_wait3A_96 = tpu.memref_squeeze %dma_wait3A_95 : memref<1x624x64xf32, #tpu.memory_space<hbm>> -> memref<624x64xf32, #tpu.memory_space<hbm>>
      %dma_wait3A_97 = arith.constant 0 : i32
      %dma_wait3A_98 = tpu.memref_slice %arg8[%mul3A_1, %dma_wait3A_97] : memref<10000x64xf32, #tpu.memory_space<vmem_shared>> -> memref<624x64xf32, #tpu.memory_space<vmem_shared>>
      tpu.wait_dma2 semaphore(%run_scoped3A_89 : memref<!tpu.dma_semaphore, #tpu.memory_space<semaphore_mem>>) src(%dma_wait3A_98 : memref<624x64xf32, #tpu.memory_space<vmem_shared>>) dst(%dma_wait3A_96 : memref<624x64xf32, #tpu.memory_space<hbm>>)
      tpu.yield
    }) : () -> ()
    %eq3A_84 = arith.constant 15 : i32
    %eq3A_85 = arith.cmpi eq, %arg1, %eq3A_84 : i32
    %convert_element_type3A_86 = arith.extui %eq3A_85 : i1 to i32
    %cond3A_87 = arith.constant 0 : i32
    %cond3A_88 = arith.cmpi ne, %convert_element_type3A_86, %cond3A_87 : i32
    scf.if %cond3A_88 {
      "tpu.region"() ({
        %run_scoped3A_89 = tpu.sem_alloc : memref<!tpu.dma_semaphore, #tpu.memory_space<semaphore_mem>>
        %dma_start3A_90 = arith.constant 9984 : i32
        %dma_start3A_91 = arith.constant 0 : i32
        %dma_start3A_92 = tpu.memref_slice %arg4[%arg0, %dma_start3A_90, %dma_start3A_91] : memref<2x10000x64xf32, #tpu.memory_space<hbm>> -> memref<1x16x64xf32, #tpu.memory_space<hbm>>
        %dma_start3A_93 = tpu.memref_squeeze %dma_start3A_92 : memref<1x16x64xf32, #tpu.memory_space<hbm>> -> memref<16x64xf32, #tpu.memory_space<hbm>>
        %dma_start3A_94 = arith.constant 9984 : i32
        %dma_start3A_95 = arith.constant 0 : i32
        %dma_start3A_96 = tpu.memref_slice %arg8[%dma_start3A_94, %dma_start3A_95] : memref<10000x64xf32, #tpu.memory_space<vmem_shared>> -> memref<16x64xf32, #tpu.memory_space<vmem_shared>>
        tpu.enqueue_dma source(%dma_start3A_96 : memref<16x64xf32, #tpu.memory_space<vmem_shared>>) target(%dma_start3A_93 : memref<16x64xf32, #tpu.memory_space<hbm>>) target_semaphore(%run_scoped3A_89 : memref<!tpu.dma_semaphore, #tpu.memory_space<semaphore_mem>>)
        %dma_wait3A = arith.constant 9984 : i32
        %dma_wait3A_97 = arith.constant 0 : i32
        %dma_wait3A_98 = tpu.memref_slice %arg4[%arg0, %dma_wait3A, %dma_wait3A_97] : memref<2x10000x64xf32, #tpu.memory_space<hbm>> -> memref<1x16x64xf32, #tpu.memory_space<hbm>>
        %dma_wait3A_99 = tpu.memref_squeeze %dma_wait3A_98 : memref<1x16x64xf32, #tpu.memory_space<hbm>> -> memref<16x64xf32, #tpu.memory_space<hbm>>
        %dma_wait3A_100 = arith.constant 9984 : i32
        %dma_wait3A_101 = arith.constant 0 : i32
        %dma_wait3A_102 = tpu.memref_slice %arg8[%dma_wait3A_100, %dma_wait3A_101] : memref<10000x64xf32, #tpu.memory_space<vmem_shared>> -> memref<16x64xf32, #tpu.memory_space<vmem_shared>>
        tpu.wait_dma2 semaphore(%run_scoped3A_89 : memref<!tpu.dma_semaphore, #tpu.memory_space<semaphore_mem>>) src(%dma_wait3A_102 : memref<16x64xf32, #tpu.memory_space<vmem_shared>>) dst(%dma_wait3A_99 : memref<16x64xf32, #tpu.memory_space<hbm>>)
        tpu.yield
      }) : () -> ()
    } else {
    }
    return
  }
}

#map = affine_map<(d0, d1) -> (0, 0, 0)>
#map1 = affine_map<(d0, d1) -> (0, 0, 0, 0)>
module attributes {stable_mosaic.version = 14 : i64} {
  func.func @agg_kernel(%arg0: i32, %arg1: i32, %arg2: memref<2x10000x64xf32, #tpu.memory_space<hbm>>, %arg3: memref<2x16x160x125xi32, #tpu.memory_space<hbm>>, %arg4: memref<2x10000x64xf32, #tpu.memory_space<hbm>>, %arg5: memref<160x125xi32, #tpu.memory_space<vmem>>, %arg6: memref<160x125xi32, #tpu.memory_space<vmem>>, %arg7: memref<4x125x64xf32, #tpu.memory_space<vmem>>, %arg8: memref<10000x64xf32, #tpu.memory_space<vmem_shared>>, %arg9: memref<4x!tpu.dma_semaphore, #tpu.memory_space<semaphore_mem>>) attributes {dimension_semantics = [#tpu.dimension_semantics<core_parallel>, #tpu.dimension_semantics<subcore_parallel>], iteration_bounds = array<i64: 2, 16>, scalar_prefetch = 0 : i64, scratch_operands = 5 : i64, tpu.core_type = #tpu.core_type<sc_vector_subcore>, window_params = [{transform_indices = #map}, {transform_indices = #map1}, {transform_indices = #map}]} {
    %run_scoped3A = arith.constant 0 : i32
    "tpu.region"() ({
      %run_scoped3A_89 = tpu.sem_alloc : memref<!tpu.dma_semaphore, #tpu.memory_space<semaphore_mem>>
      %dma_start3A_90 = arith.constant 0 : i32
      %dma_start3A_91 = arith.constant 0 : i32
      %dma_start3A_92 = tpu.memref_slice %arg3[%run_scoped3A, %arg1, %dma_start3A_90, %dma_start3A_91] : memref<2x16x160x125xi32, #tpu.memory_space<hbm>> -> memref<1x1x160x125xi32, #tpu.memory_space<hbm>>
      %dma_start3A_93 = tpu.memref_squeeze %dma_start3A_92 : memref<1x1x160x125xi32, #tpu.memory_space<hbm>> -> memref<160x125xi32, #tpu.memory_space<hbm>>
      %dma_start3A_94 = arith.constant 0 : i32
      %dma_start3A_95 = arith.constant 0 : i32
      %dma_start3A_96 = tpu.memref_slice %arg3[%run_scoped3A, %arg1, %dma_start3A_94, %dma_start3A_95] : memref<2x16x160x125xi32, #tpu.memory_space<hbm>> -> memref<1x1x160x125xi32, #tpu.memory_space<hbm>>
      %dma_start3A_97 = tpu.memref_squeeze %dma_start3A_96 : memref<1x1x160x125xi32, #tpu.memory_space<hbm>> -> memref<160x125xi32, #tpu.memory_space<hbm>>
      tpu.enqueue_dma source(%dma_start3A_97 : memref<160x125xi32, #tpu.memory_space<hbm>>) target(%arg5 : memref<160x125xi32, #tpu.memory_space<vmem>>) target_semaphore(%run_scoped3A_89 : memref<!tpu.dma_semaphore, #tpu.memory_space<semaphore_mem>>)
      %dma_wait3A = arith.constant 0 : i32
      %dma_wait3A_98 = arith.constant 0 : i32
      %dma_wait3A_99 = tpu.memref_slice %arg3[%run_scoped3A, %arg1, %dma_wait3A, %dma_wait3A_98] : memref<2x16x160x125xi32, #tpu.memory_space<hbm>> -> memref<1x1x160x125xi32, #tpu.memory_space<hbm>>
      %dma_wait3A_100 = tpu.memref_squeeze %dma_wait3A_99 : memref<1x1x160x125xi32, #tpu.memory_space<hbm>> -> memref<160x125xi32, #tpu.memory_space<hbm>>
      %dma_wait3A_101 = arith.constant 0 : i32
      %dma_wait3A_102 = arith.constant 0 : i32
      %dma_wait3A_103 = tpu.memref_slice %arg3[%run_scoped3A, %arg1, %dma_wait3A_101, %dma_wait3A_102] : memref<2x16x160x125xi32, #tpu.memory_space<hbm>> -> memref<1x1x160x125xi32, #tpu.memory_space<hbm>>
      %dma_wait3A_104 = tpu.memref_squeeze %dma_wait3A_103 : memref<1x1x160x125xi32, #tpu.memory_space<hbm>> -> memref<160x125xi32, #tpu.memory_space<hbm>>
      tpu.wait_dma2 semaphore(%run_scoped3A_89 : memref<!tpu.dma_semaphore, #tpu.memory_space<semaphore_mem>>) src(%dma_wait3A_104 : memref<160x125xi32, #tpu.memory_space<hbm>>) dst(%arg5 : memref<160x125xi32, #tpu.memory_space<vmem>>)
      tpu.yield
    }) : () -> ()
    %run_scoped3A_0 = arith.constant 1 : i32
    "tpu.region"() ({
      %run_scoped3A_89 = tpu.sem_alloc : memref<!tpu.dma_semaphore, #tpu.memory_space<semaphore_mem>>
      %dma_start3A_90 = arith.constant 0 : i32
      %dma_start3A_91 = arith.constant 0 : i32
      %dma_start3A_92 = tpu.memref_slice %arg3[%run_scoped3A_0, %arg1, %dma_start3A_90, %dma_start3A_91] : memref<2x16x160x125xi32, #tpu.memory_space<hbm>> -> memref<1x1x160x125xi32, #tpu.memory_space<hbm>>
      %dma_start3A_93 = tpu.memref_squeeze %dma_start3A_92 : memref<1x1x160x125xi32, #tpu.memory_space<hbm>> -> memref<160x125xi32, #tpu.memory_space<hbm>>
      %dma_start3A_94 = arith.constant 0 : i32
      %dma_start3A_95 = arith.constant 0 : i32
      %dma_start3A_96 = tpu.memref_slice %arg3[%run_scoped3A_0, %arg1, %dma_start3A_94, %dma_start3A_95] : memref<2x16x160x125xi32, #tpu.memory_space<hbm>> -> memref<1x1x160x125xi32, #tpu.memory_space<hbm>>
      %dma_start3A_97 = tpu.memref_squeeze %dma_start3A_96 : memref<1x1x160x125xi32, #tpu.memory_space<hbm>> -> memref<160x125xi32, #tpu.memory_space<hbm>>
      tpu.enqueue_dma source(%dma_start3A_97 : memref<160x125xi32, #tpu.memory_space<hbm>>) target(%arg6 : memref<160x125xi32, #tpu.memory_space<vmem>>) target_semaphore(%run_scoped3A_89 : memref<!tpu.dma_semaphore, #tpu.memory_space<semaphore_mem>>)
      %dma_wait3A = arith.constant 0 : i32
      %dma_wait3A_98 = arith.constant 0 : i32
      %dma_wait3A_99 = tpu.memref_slice %arg3[%run_scoped3A_0, %arg1, %dma_wait3A, %dma_wait3A_98] : memref<2x16x160x125xi32, #tpu.memory_space<hbm>> -> memref<1x1x160x125xi32, #tpu.memory_space<hbm>>
      %dma_wait3A_100 = tpu.memref_squeeze %dma_wait3A_99 : memref<1x1x160x125xi32, #tpu.memory_space<hbm>> -> memref<160x125xi32, #tpu.memory_space<hbm>>
      %dma_wait3A_101 = arith.constant 0 : i32
      %dma_wait3A_102 = arith.constant 0 : i32
      %dma_wait3A_103 = tpu.memref_slice %arg3[%run_scoped3A_0, %arg1, %dma_wait3A_101, %dma_wait3A_102] : memref<2x16x160x125xi32, #tpu.memory_space<hbm>> -> memref<1x1x160x125xi32, #tpu.memory_space<hbm>>
      %dma_wait3A_104 = tpu.memref_squeeze %dma_wait3A_103 : memref<1x1x160x125xi32, #tpu.memory_space<hbm>> -> memref<160x125xi32, #tpu.memory_space<hbm>>
      tpu.wait_dma2 semaphore(%run_scoped3A_89 : memref<!tpu.dma_semaphore, #tpu.memory_space<semaphore_mem>>) src(%dma_wait3A_104 : memref<160x125xi32, #tpu.memory_space<hbm>>) dst(%arg6 : memref<160x125xi32, #tpu.memory_space<vmem>>)
      tpu.yield
    }) : () -> ()
    %mul3A = arith.constant 624 : i32
    %mul3A_1 = arith.muli %arg1, %mul3A : i32
    "tpu.region"() ({
      %run_scoped3A_89 = tpu.sem_alloc : memref<!tpu.dma_semaphore, #tpu.memory_space<semaphore_mem>>
      %dma_start3A_90 = arith.constant 0 : i32
      %dma_start3A_91 = tpu.memref_slice %arg8[%mul3A_1, %dma_start3A_90] : memref<10000x64xf32, #tpu.memory_space<vmem_shared>> -> memref<624x64xf32, #tpu.memory_space<vmem_shared>>
      %dma_start3A_92 = arith.constant 0 : i32
      %dma_start3A_93 = arith.constant 0 : i32
      %dma_start3A_94 = tpu.memref_slice %arg2[%arg0, %dma_start3A_92, %dma_start3A_93] : memref<2x10000x64xf32, #tpu.memory_space<hbm>> -> memref<1x10000x64xf32, #tpu.memory_space<hbm>>
      %dma_start3A_95 = tpu.memref_squeeze %dma_start3A_94 : memref<1x10000x64xf32, #tpu.memory_space<hbm>> -> memref<10000x64xf32, #tpu.memory_space<hbm>>
      %dma_start3A_96 = arith.constant 0 : i32
      %dma_start3A_97 = tpu.memref_slice %dma_start3A_95[%mul3A_1, %dma_start3A_96] : memref<10000x64xf32, #tpu.memory_space<hbm>> -> memref<624x64xf32, #tpu.memory_space<hbm>>
      tpu.enqueue_dma source(%dma_start3A_97 : memref<624x64xf32, #tpu.memory_space<hbm>>) target(%dma_start3A_91 : memref<624x64xf32, #tpu.memory_space<vmem_shared>>) target_semaphore(%run_scoped3A_89 : memref<!tpu.dma_semaphore, #tpu.memory_space<semaphore_mem>>)
      %dma_wait3A = arith.constant 0 : i32
      %dma_wait3A_98 = tpu.memref_slice %arg8[%mul3A_1, %dma_wait3A] : memref<10000x64xf32, #tpu.memory_space<vmem_shared>> -> memref<624x64xf32, #tpu.memory_space<vmem_shared>>
      %dma_wait3A_99 = arith.constant 0 : i32
      %dma_wait3A_100 = arith.constant 0 : i32
      %dma_wait3A_101 = tpu.memref_slice %arg2[%arg0, %dma_wait3A_99, %dma_wait3A_100] : memref<2x10000x64xf32, #tpu.memory_space<hbm>> -> memref<1x10000x64xf32, #tpu.memory_space<hbm>>
      %dma_wait3A_102 = tpu.memref_squeeze %dma_wait3A_101 : memref<1x10000x64xf32, #tpu.memory_space<hbm>> -> memref<10000x64xf32, #tpu.memory_space<hbm>>
      %dma_wait3A_103 = arith.constant 0 : i32
      %dma_wait3A_104 = tpu.memref_slice %dma_wait3A_102[%mul3A_1, %dma_wait3A_103] : memref<10000x64xf32, #tpu.memory_space<hbm>> -> memref<624x64xf32, #tpu.memory_space<hbm>>
      tpu.wait_dma2 semaphore(%run_scoped3A_89 : memref<!tpu.dma_semaphore, #tpu.memory_space<semaphore_mem>>) src(%dma_wait3A_104 : memref<624x64xf32, #tpu.memory_space<hbm>>) dst(%dma_wait3A_98 : memref<624x64xf32, #tpu.memory_space<vmem_shared>>)
      tpu.yield
    }) : () -> ()
    %eq3A = arith.constant 15 : i32
    %eq3A_2 = arith.cmpi eq, %arg1, %eq3A : i32
    %convert_element_type3A = arith.extui %eq3A_2 : i1 to i32
    %cond3A = arith.constant 0 : i32
    %cond3A_3 = arith.cmpi ne, %convert_element_type3A, %cond3A : i32
    scf.if %cond3A_3 {
      "tpu.region"() ({
        %run_scoped3A_89 = tpu.sem_alloc : memref<!tpu.dma_semaphore, #tpu.memory_space<semaphore_mem>>
        %dma_start3A_90 = arith.constant 9984 : i32
        %dma_start3A_91 = arith.constant 0 : i32
        %dma_start3A_92 = tpu.memref_slice %arg8[%dma_start3A_90, %dma_start3A_91] : memref<10000x64xf32, #tpu.memory_space<vmem_shared>> -> memref<16x64xf32, #tpu.memory_space<vmem_shared>>
        %dma_start3A_93 = arith.constant 0 : i32
        %dma_start3A_94 = arith.constant 0 : i32
        %dma_start3A_95 = tpu.memref_slice %arg2[%arg0, %dma_start3A_93, %dma_start3A_94] : memref<2x10000x64xf32, #tpu.memory_space<hbm>> -> memref<1x10000x64xf32, #tpu.memory_space<hbm>>
        %dma_start3A_96 = tpu.memref_squeeze %dma_start3A_95 : memref<1x10000x64xf32, #tpu.memory_space<hbm>> -> memref<10000x64xf32, #tpu.memory_space<hbm>>
        %dma_start3A_97 = arith.constant 9984 : i32
        %dma_start3A_98 = arith.constant 0 : i32
        %dma_start3A_99 = tpu.memref_slice %dma_start3A_96[%dma_start3A_97, %dma_start3A_98] : memref<10000x64xf32, #tpu.memory_space<hbm>> -> memref<16x64xf32, #tpu.memory_space<hbm>>
        tpu.enqueue_dma source(%dma_start3A_99 : memref<16x64xf32, #tpu.memory_space<hbm>>) target(%dma_start3A_92 : memref<16x64xf32, #tpu.memory_space<vmem_shared>>) target_semaphore(%run_scoped3A_89 : memref<!tpu.dma_semaphore, #tpu.memory_space<semaphore_mem>>)
        %dma_wait3A = arith.constant 9984 : i32
        %dma_wait3A_100 = arith.constant 0 : i32
        %dma_wait3A_101 = tpu.memref_slice %arg8[%dma_wait3A, %dma_wait3A_100] : memref<10000x64xf32, #tpu.memory_space<vmem_shared>> -> memref<16x64xf32, #tpu.memory_space<vmem_shared>>
        %dma_wait3A_102 = arith.constant 0 : i32
        %dma_wait3A_103 = arith.constant 0 : i32
        %dma_wait3A_104 = tpu.memref_slice %arg2[%arg0, %dma_wait3A_102, %dma_wait3A_103] : memref<2x10000x64xf32, #tpu.memory_space<hbm>> -> memref<1x10000x64xf32, #tpu.memory_space<hbm>>
        %dma_wait3A_105 = tpu.memref_squeeze %dma_wait3A_104 : memref<1x10000x64xf32, #tpu.memory_space<hbm>> -> memref<10000x64xf32, #tpu.memory_space<hbm>>
        %dma_wait3A_106 = arith.constant 9984 : i32
        %dma_wait3A_107 = arith.constant 0 : i32
        %dma_wait3A_108 = tpu.memref_slice %dma_wait3A_105[%dma_wait3A_106, %dma_wait3A_107] : memref<10000x64xf32, #tpu.memory_space<hbm>> -> memref<16x64xf32, #tpu.memory_space<hbm>>
        tpu.wait_dma2 semaphore(%run_scoped3A_89 : memref<!tpu.dma_semaphore, #tpu.memory_space<semaphore_mem>>) src(%dma_wait3A_108 : memref<16x64xf32, #tpu.memory_space<hbm>>) dst(%dma_wait3A_101 : memref<16x64xf32, #tpu.memory_space<vmem_shared>>)
        tpu.yield
      }) : () -> ()
    } else {
    }
    %barrier3A = arith.constant 0 : index
    tpu.barrier barrier_id(%barrier3A)
    %dma_start3A = arith.constant 0 : i32
    %dma_start3A_4 = arith.constant 0 : i32
    %dma_start3A_5 = arith.constant 0 : i32
    %dma_start3A_6 = arith.constant 0 : i32
    %dma_start3A_7 = arith.constant 0 : i32
    %dma_start3A_8 = tpu.memref_slice %arg7[%dma_start3A_4, %dma_start3A_6, %dma_start3A_7] : memref<4x125x64xf32, #tpu.memory_space<vmem>> -> memref<1x125x64xf32, #tpu.memory_space<vmem>>
    %dma_start3A_9 = tpu.memref_squeeze %dma_start3A_8 : memref<1x125x64xf32, #tpu.memory_space<vmem>> -> memref<125x64xf32, #tpu.memory_space<vmem>>
    %dma_start3A_10 = arith.constant 0 : i32
    %dma_start3A_11 = tpu.memref_slice %arg5[%dma_start3A, %dma_start3A_10] : memref<160x125xi32, #tpu.memory_space<vmem>> -> memref<1x125xi32, #tpu.memory_space<vmem>>
    %dma_start3A_12 = tpu.memref_squeeze %dma_start3A_11 : memref<1x125xi32, #tpu.memory_space<vmem>> -> memref<125xi32, #tpu.memory_space<vmem>>
    %dma_start3A_13 = arith.constant 0 : i32
    %dma_start3A_14 = arith.constant 0 : i32
    %dma_start3A_15 = tpu.memref_slice %arg2[%arg0, %dma_start3A_13, %dma_start3A_14] : memref<2x10000x64xf32, #tpu.memory_space<hbm>> -> memref<1x10000x64xf32, #tpu.memory_space<hbm>>
    %dma_start3A_16 = tpu.memref_squeeze %dma_start3A_15 : memref<1x10000x64xf32, #tpu.memory_space<hbm>> -> memref<10000x64xf32, #tpu.memory_space<hbm>>
    %dma_start3A_17 = arith.constant 0 : i32
    %dma_start3A_18 = arith.constant 0 : i32
    %dma_start3A_19 = tpu.memref_slice %dma_start3A_16[%dma_start3A_17, %dma_start3A_18] : memref<10000x64xf32, #tpu.memory_space<hbm>> -> memref<10000x64xf32, #tpu.memory_space<hbm>>
    %dma_start3A_20 = tpu.memref_slice %arg9[%dma_start3A_5] : memref<4x!tpu.dma_semaphore, #tpu.memory_space<semaphore_mem>> -> memref<1x!tpu.dma_semaphore, #tpu.memory_space<semaphore_mem>>
    %dma_start3A_21 = tpu.memref_squeeze %dma_start3A_20 : memref<1x!tpu.dma_semaphore, #tpu.memory_space<semaphore_mem>> -> memref<!tpu.dma_semaphore, #tpu.memory_space<semaphore_mem>>
    tpu.enqueue_indirect_dma source(%dma_start3A_19 : memref<10000x64xf32, #tpu.memory_space<hbm>>) target(%dma_start3A_9 : memref<125x64xf32, #tpu.memory_space<vmem>>) offsets(%dma_start3A_12 : memref<125xi32, #tpu.memory_space<vmem>>) semaphore(%dma_start3A_21 : memref<!tpu.dma_semaphore, #tpu.memory_space<semaphore_mem>>)
    %dma_start3A_22 = arith.constant 1 : i32
    %dma_start3A_23 = arith.constant 1 : i32
    %dma_start3A_24 = arith.constant 1 : i32
    %dma_start3A_25 = arith.constant 0 : i32
    %dma_start3A_26 = arith.constant 0 : i32
    %dma_start3A_27 = tpu.memref_slice %arg7[%dma_start3A_23, %dma_start3A_25, %dma_start3A_26] : memref<4x125x64xf32, #tpu.memory_space<vmem>> -> memref<1x125x64xf32, #tpu.memory_space<vmem>>
    %dma_start3A_28 = tpu.memref_squeeze %dma_start3A_27 : memref<1x125x64xf32, #tpu.memory_space<vmem>> -> memref<125x64xf32, #tpu.memory_space<vmem>>
    %dma_start3A_29 = arith.constant 0 : i32
    %dma_start3A_30 = tpu.memref_slice %arg5[%dma_start3A_22, %dma_start3A_29] : memref<160x125xi32, #tpu.memory_space<vmem>> -> memref<1x125xi32, #tpu.memory_space<vmem>>
    %dma_start3A_31 = tpu.memref_squeeze %dma_start3A_30 : memref<1x125xi32, #tpu.memory_space<vmem>> -> memref<125xi32, #tpu.memory_space<vmem>>
    %dma_start3A_32 = arith.constant 0 : i32
    %dma_start3A_33 = arith.constant 0 : i32
    %dma_start3A_34 = tpu.memref_slice %arg2[%arg0, %dma_start3A_32, %dma_start3A_33] : memref<2x10000x64xf32, #tpu.memory_space<hbm>> -> memref<1x10000x64xf32, #tpu.memory_space<hbm>>
    %dma_start3A_35 = tpu.memref_squeeze %dma_start3A_34 : memref<1x10000x64xf32, #tpu.memory_space<hbm>> -> memref<10000x64xf32, #tpu.memory_space<hbm>>
    %dma_start3A_36 = arith.constant 0 : i32
    %dma_start3A_37 = arith.constant 0 : i32
    %dma_start3A_38 = tpu.memref_slice %dma_start3A_35[%dma_start3A_36, %dma_start3A_37] : memref<10000x64xf32, #tpu.memory_space<hbm>> -> memref<10000x64xf32, #tpu.memory_space<hbm>>
    %dma_start3A_39 = tpu.memref_slice %arg9[%dma_start3A_24] : memref<4x!tpu.dma_semaphore, #tpu.memory_space<semaphore_mem>> -> memref<1x!tpu.dma_semaphore, #tpu.memory_space<semaphore_mem>>
    %dma_start3A_40 = tpu.memref_squeeze %dma_start3A_39 : memref<1x!tpu.dma_semaphore, #tpu.memory_space<semaphore_mem>> -> memref<!tpu.dma_semaphore, #tpu.memory_space<semaphore_mem>>
    tpu.enqueue_indirect_dma source(%dma_start3A_38 : memref<10000x64xf32, #tpu.memory_space<hbm>>) target(%dma_start3A_28 : memref<125x64xf32, #tpu.memory_space<vmem>>) offsets(%dma_start3A_31 : memref<125xi32, #tpu.memory_space<vmem>>) semaphore(%dma_start3A_40 : memref<!tpu.dma_semaphore, #tpu.memory_space<semaphore_mem>>)
    %dma_start3A_41 = arith.constant 2 : i32
    %dma_start3A_42 = arith.constant 2 : i32
    %dma_start3A_43 = arith.constant 2 : i32
    %dma_start3A_44 = arith.constant 0 : i32
    %dma_start3A_45 = arith.constant 0 : i32
    %dma_start3A_46 = tpu.memref_slice %arg7[%dma_start3A_42, %dma_start3A_44, %dma_start3A_45] : memref<4x125x64xf32, #tpu.memory_space<vmem>> -> memref<1x125x64xf32, #tpu.memory_space<vmem>>
    %dma_start3A_47 = tpu.memref_squeeze %dma_start3A_46 : memref<1x125x64xf32, #tpu.memory_space<vmem>> -> memref<125x64xf32, #tpu.memory_space<vmem>>
    %dma_start3A_48 = arith.constant 0 : i32
    %dma_start3A_49 = tpu.memref_slice %arg5[%dma_start3A_41, %dma_start3A_48] : memref<160x125xi32, #tpu.memory_space<vmem>> -> memref<1x125xi32, #tpu.memory_space<vmem>>
    %dma_start3A_50 = tpu.memref_squeeze %dma_start3A_49 : memref<1x125xi32, #tpu.memory_space<vmem>> -> memref<125xi32, #tpu.memory_space<vmem>>
    %dma_start3A_51 = arith.constant 0 : i32
    %dma_start3A_52 = arith.constant 0 : i32
    %dma_start3A_53 = tpu.memref_slice %arg2[%arg0, %dma_start3A_51, %dma_start3A_52] : memref<2x10000x64xf32, #tpu.memory_space<hbm>> -> memref<1x10000x64xf32, #tpu.memory_space<hbm>>
    %dma_start3A_54 = tpu.memref_squeeze %dma_start3A_53 : memref<1x10000x64xf32, #tpu.memory_space<hbm>> -> memref<10000x64xf32, #tpu.memory_space<hbm>>
    %dma_start3A_55 = arith.constant 0 : i32
    %dma_start3A_56 = arith.constant 0 : i32
    %dma_start3A_57 = tpu.memref_slice %dma_start3A_54[%dma_start3A_55, %dma_start3A_56] : memref<10000x64xf32, #tpu.memory_space<hbm>> -> memref<10000x64xf32, #tpu.memory_space<hbm>>
    %dma_start3A_58 = tpu.memref_slice %arg9[%dma_start3A_43] : memref<4x!tpu.dma_semaphore, #tpu.memory_space<semaphore_mem>> -> memref<1x!tpu.dma_semaphore, #tpu.memory_space<semaphore_mem>>
    %dma_start3A_59 = tpu.memref_squeeze %dma_start3A_58 : memref<1x!tpu.dma_semaphore, #tpu.memory_space<semaphore_mem>> -> memref<!tpu.dma_semaphore, #tpu.memory_space<semaphore_mem>>
    tpu.enqueue_indirect_dma source(%dma_start3A_57 : memref<10000x64xf32, #tpu.memory_space<hbm>>) target(%dma_start3A_47 : memref<125x64xf32, #tpu.memory_space<vmem>>) offsets(%dma_start3A_50 : memref<125xi32, #tpu.memory_space<vmem>>) semaphore(%dma_start3A_59 : memref<!tpu.dma_semaphore, #tpu.memory_space<semaphore_mem>>)
    %dma_start3A_60 = arith.constant 3 : i32
    %dma_start3A_61 = arith.constant 3 : i32
    %dma_start3A_62 = arith.constant 3 : i32
    %dma_start3A_63 = arith.constant 0 : i32
    %dma_start3A_64 = arith.constant 0 : i32
    %dma_start3A_65 = tpu.memref_slice %arg7[%dma_start3A_61, %dma_start3A_63, %dma_start3A_64] : memref<4x125x64xf32, #tpu.memory_space<vmem>> -> memref<1x125x64xf32, #tpu.memory_space<vmem>>
    %dma_start3A_66 = tpu.memref_squeeze %dma_start3A_65 : memref<1x125x64xf32, #tpu.memory_space<vmem>> -> memref<125x64xf32, #tpu.memory_space<vmem>>
    %dma_start3A_67 = arith.constant 0 : i32
    %dma_start3A_68 = tpu.memref_slice %arg5[%dma_start3A_60, %dma_start3A_67] : memref<160x125xi32, #tpu.memory_space<vmem>> -> memref<1x125xi32, #tpu.memory_space<vmem>>
    %dma_start3A_69 = tpu.memref_squeeze %dma_start3A_68 : memref<1x125xi32, #tpu.memory_space<vmem>> -> memref<125xi32, #tpu.memory_space<vmem>>
    %dma_start3A_70 = arith.constant 0 : i32
    %dma_start3A_71 = arith.constant 0 : i32
    %dma_start3A_72 = tpu.memref_slice %arg2[%arg0, %dma_start3A_70, %dma_start3A_71] : memref<2x10000x64xf32, #tpu.memory_space<hbm>> -> memref<1x10000x64xf32, #tpu.memory_space<hbm>>
    %dma_start3A_73 = tpu.memref_squeeze %dma_start3A_72 : memref<1x10000x64xf32, #tpu.memory_space<hbm>> -> memref<10000x64xf32, #tpu.memory_space<hbm>>
    %dma_start3A_74 = arith.constant 0 : i32
    %dma_start3A_75 = arith.constant 0 : i32
    %dma_start3A_76 = tpu.memref_slice %dma_start3A_73[%dma_start3A_74, %dma_start3A_75] : memref<10000x64xf32, #tpu.memory_space<hbm>> -> memref<10000x64xf32, #tpu.memory_space<hbm>>
    %dma_start3A_77 = tpu.memref_slice %arg9[%dma_start3A_62] : memref<4x!tpu.dma_semaphore, #tpu.memory_space<semaphore_mem>> -> memref<1x!tpu.dma_semaphore, #tpu.memory_space<semaphore_mem>>
    %dma_start3A_78 = tpu.memref_squeeze %dma_start3A_77 : memref<1x!tpu.dma_semaphore, #tpu.memory_space<semaphore_mem>> -> memref<!tpu.dma_semaphore, #tpu.memory_space<semaphore_mem>>
    tpu.enqueue_indirect_dma source(%dma_start3A_76 : memref<10000x64xf32, #tpu.memory_space<hbm>>) target(%dma_start3A_66 : memref<125x64xf32, #tpu.memory_space<vmem>>) offsets(%dma_start3A_69 : memref<125xi32, #tpu.memory_space<vmem>>) semaphore(%dma_start3A_78 : memref<!tpu.dma_semaphore, #tpu.memory_space<semaphore_mem>>)
    %scan3A = arith.constant 0 : i32
    %scan3A_79 = arith.constant 40 : i32
    %scan3A_80 = arith.addi %scan3A, %scan3A_79 : i32
    %scan3A_81 = arith.constant 1 : i32
    scf.for %scan3A_89 = %scan3A to %scan3A_80 step %scan3A_81  : i32 {
      %mul3A_90 = arith.constant 4 : i32
      %mul3A_91 = arith.muli %scan3A_89, %mul3A_90 : i32
      %add3A = arith.constant 0 : i32
      %add3A_92 = arith.addi %add3A, %mul3A_91 : i32
      %add3A_93 = arith.constant 0 : i32
      %add3A_94 = arith.addi %add3A_92, %add3A_93 : i32
      %dma_wait3A = arith.constant 0 : i32
      %dma_wait3A_95 = arith.constant 0 : i32
      %dma_wait3A_96 = arith.constant 0 : i32
      %dma_wait3A_97 = arith.constant 0 : i32
      %dma_wait3A_98 = arith.constant 0 : i32
      %dma_wait3A_99 = tpu.memref_slice %arg7[%dma_wait3A_95, %dma_wait3A_97, %dma_wait3A_98] : memref<4x125x64xf32, #tpu.memory_space<vmem>> -> memref<1x125x64xf32, #tpu.memory_space<vmem>>
      %dma_wait3A_100 = tpu.memref_squeeze %dma_wait3A_99 : memref<1x125x64xf32, #tpu.memory_space<vmem>> -> memref<125x64xf32, #tpu.memory_space<vmem>>
      %dma_wait3A_101 = arith.constant 0 : i32
      %dma_wait3A_102 = tpu.memref_slice %arg5[%dma_wait3A, %dma_wait3A_101] : memref<160x125xi32, #tpu.memory_space<vmem>> -> memref<1x125xi32, #tpu.memory_space<vmem>>
      %dma_wait3A_103 = tpu.memref_squeeze %dma_wait3A_102 : memref<1x125xi32, #tpu.memory_space<vmem>> -> memref<125xi32, #tpu.memory_space<vmem>>
      %dma_wait3A_104 = arith.constant 0 : i32
      %dma_wait3A_105 = arith.constant 0 : i32
      %dma_wait3A_106 = tpu.memref_slice %arg2[%arg0, %dma_wait3A_104, %dma_wait3A_105] : memref<2x10000x64xf32, #tpu.memory_space<hbm>> -> memref<1x10000x64xf32, #tpu.memory_space<hbm>>
      %dma_wait3A_107 = tpu.memref_squeeze %dma_wait3A_106 : memref<1x10000x64xf32, #tpu.memory_space<hbm>> -> memref<10000x64xf32, #tpu.memory_space<hbm>>
      %dma_wait3A_108 = arith.constant 0 : i32
      %dma_wait3A_109 = arith.constant 0 : i32
      %dma_wait3A_110 = tpu.memref_slice %dma_wait3A_107[%dma_wait3A_108, %dma_wait3A_109] : memref<10000x64xf32, #tpu.memory_space<hbm>> -> memref<10000x64xf32, #tpu.memory_space<hbm>>
      %dma_wait3A_111 = tpu.memref_slice %arg9[%dma_wait3A_96] : memref<4x!tpu.dma_semaphore, #tpu.memory_space<semaphore_mem>> -> memref<1x!tpu.dma_semaphore, #tpu.memory_space<semaphore_mem>>
      %dma_wait3A_112 = tpu.memref_squeeze %dma_wait3A_111 : memref<1x!tpu.dma_semaphore, #tpu.memory_space<semaphore_mem>> -> memref<!tpu.dma_semaphore, #tpu.memory_space<semaphore_mem>>
      tpu.wait_indirect_dma semaphore(%dma_wait3A_112 : memref<!tpu.dma_semaphore, #tpu.memory_space<semaphore_mem>>) src(%dma_wait3A_110 : memref<10000x64xf32, #tpu.memory_space<hbm>>) dst(%dma_wait3A_100 : memref<125x64xf32, #tpu.memory_space<vmem>>)
      %run_scoped3A_113 = arith.constant 0 : i32
      "tpu.region"() ({
        %run_scoped3A_207 = tpu.sem_alloc : memref<!tpu.dma_semaphore, #tpu.memory_space<semaphore_mem>>
        %dma_start3A_208 = arith.constant 0 : i32
        %dma_start3A_209 = arith.constant 0 : i32
        %dma_start3A_210 = tpu.memref_slice %arg7[%run_scoped3A_113, %dma_start3A_208, %dma_start3A_209] : memref<4x125x64xf32, #tpu.memory_space<vmem>> -> memref<1x125x64xf32, #tpu.memory_space<vmem>>
        %dma_start3A_211 = tpu.memref_squeeze %dma_start3A_210 : memref<1x125x64xf32, #tpu.memory_space<vmem>> -> memref<125x64xf32, #tpu.memory_space<vmem>>
        %dma_start3A_212 = arith.constant 0 : i32
        %dma_start3A_213 = tpu.memref_slice %arg6[%add3A_94, %dma_start3A_212] : memref<160x125xi32, #tpu.memory_space<vmem>> -> memref<1x125xi32, #tpu.memory_space<vmem>>
        %dma_start3A_214 = tpu.memref_squeeze %dma_start3A_213 : memref<1x125xi32, #tpu.memory_space<vmem>> -> memref<125xi32, #tpu.memory_space<vmem>>
        %dma_start3A_215 = arith.constant 0 : i32
        %dma_start3A_216 = arith.constant 0 : i32
        %dma_start3A_217 = tpu.memref_slice %arg8[%dma_start3A_215, %dma_start3A_216] : memref<10000x64xf32, #tpu.memory_space<vmem_shared>> -> memref<10000x64xf32, #tpu.memory_space<vmem_shared>>
        tpu.enqueue_indirect_dma source(%dma_start3A_211 : memref<125x64xf32, #tpu.memory_space<vmem>>) target(%dma_start3A_217 : memref<10000x64xf32, #tpu.memory_space<vmem_shared>>) offsets(%dma_start3A_214 : memref<125xi32, #tpu.memory_space<vmem>>) semaphore(%run_scoped3A_207 : memref<!tpu.dma_semaphore, #tpu.memory_space<semaphore_mem>>) {add = true}
        %dma_wait3A_218 = arith.constant 0 : i32
        %dma_wait3A_219 = arith.constant 0 : i32
        %dma_wait3A_220 = tpu.memref_slice %arg7[%run_scoped3A_113, %dma_wait3A_218, %dma_wait3A_219] : memref<4x125x64xf32, #tpu.memory_space<vmem>> -> memref<1x125x64xf32, #tpu.memory_space<vmem>>
        %dma_wait3A_221 = tpu.memref_squeeze %dma_wait3A_220 : memref<1x125x64xf32, #tpu.memory_space<vmem>> -> memref<125x64xf32, #tpu.memory_space<vmem>>
        %dma_wait3A_222 = arith.constant 0 : i32
        %dma_wait3A_223 = tpu.memref_slice %arg6[%add3A_94, %dma_wait3A_222] : memref<160x125xi32, #tpu.memory_space<vmem>> -> memref<1x125xi32, #tpu.memory_space<vmem>>
        %dma_wait3A_224 = tpu.memref_squeeze %dma_wait3A_223 : memref<1x125xi32, #tpu.memory_space<vmem>> -> memref<125xi32, #tpu.memory_space<vmem>>
        %dma_wait3A_225 = arith.constant 0 : i32
        %dma_wait3A_226 = arith.constant 0 : i32
        %dma_wait3A_227 = tpu.memref_slice %arg8[%dma_wait3A_225, %dma_wait3A_226] : memref<10000x64xf32, #tpu.memory_space<vmem_shared>> -> memref<10000x64xf32, #tpu.memory_space<vmem_shared>>
        tpu.wait_indirect_dma semaphore(%run_scoped3A_207 : memref<!tpu.dma_semaphore, #tpu.memory_space<semaphore_mem>>) src(%dma_wait3A_221 : memref<125x64xf32, #tpu.memory_space<vmem>>) dst(%dma_wait3A_227 : memref<10000x64xf32, #tpu.memory_space<vmem_shared>>)
        tpu.yield
      }) : () -> ()
      %add3A_114 = arith.constant 4 : i32
      %add3A_115 = arith.addi %add3A_94, %add3A_114 : i32
      %lt3A = arith.constant 160 : i32
      %lt3A_116 = arith.cmpi slt, %add3A_115, %lt3A : i32
      %convert_element_type3A_117 = arith.extui %lt3A_116 : i1 to i32
      %cond3A_118 = arith.constant 0 : i32
      %cond3A_119 = arith.cmpi ne, %convert_element_type3A_117, %cond3A_118 : i32
      scf.if %cond3A_119 {
        %dma_start3A_207 = arith.constant 0 : i32
        %dma_start3A_208 = arith.constant 0 : i32
        %dma_start3A_209 = arith.constant 0 : i32
        %dma_start3A_210 = arith.constant 0 : i32
        %dma_start3A_211 = tpu.memref_slice %arg7[%dma_start3A_207, %dma_start3A_209, %dma_start3A_210] : memref<4x125x64xf32, #tpu.memory_space<vmem>> -> memref<1x125x64xf32, #tpu.memory_space<vmem>>
        %dma_start3A_212 = tpu.memref_squeeze %dma_start3A_211 : memref<1x125x64xf32, #tpu.memory_space<vmem>> -> memref<125x64xf32, #tpu.memory_space<vmem>>
        %dma_start3A_213 = arith.constant 0 : i32
        %dma_start3A_214 = tpu.memref_slice %arg5[%add3A_115, %dma_start3A_213] : memref<160x125xi32, #tpu.memory_space<vmem>> -> memref<1x125xi32, #tpu.memory_space<vmem>>
        %dma_start3A_215 = tpu.memref_squeeze %dma_start3A_214 : memref<1x125xi32, #tpu.memory_space<vmem>> -> memref<125xi32, #tpu.memory_space<vmem>>
        %dma_start3A_216 = arith.constant 0 : i32
        %dma_start3A_217 = arith.constant 0 : i32
        %dma_start3A_218 = tpu.memref_slice %arg2[%arg0, %dma_start3A_216, %dma_start3A_217] : memref<2x10000x64xf32, #tpu.memory_space<hbm>> -> memref<1x10000x64xf32, #tpu.memory_space<hbm>>
        %dma_start3A_219 = tpu.memref_squeeze %dma_start3A_218 : memref<1x10000x64xf32, #tpu.memory_space<hbm>> -> memref<10000x64xf32, #tpu.memory_space<hbm>>
        %dma_start3A_220 = arith.constant 0 : i32
        %dma_start3A_221 = arith.constant 0 : i32
        %dma_start3A_222 = tpu.memref_slice %dma_start3A_219[%dma_start3A_220, %dma_start3A_221] : memref<10000x64xf32, #tpu.memory_space<hbm>> -> memref<10000x64xf32, #tpu.memory_space<hbm>>
        %dma_start3A_223 = tpu.memref_slice %arg9[%dma_start3A_208] : memref<4x!tpu.dma_semaphore, #tpu.memory_space<semaphore_mem>> -> memref<1x!tpu.dma_semaphore, #tpu.memory_space<semaphore_mem>>
        %dma_start3A_224 = tpu.memref_squeeze %dma_start3A_223 : memref<1x!tpu.dma_semaphore, #tpu.memory_space<semaphore_mem>> -> memref<!tpu.dma_semaphore, #tpu.memory_space<semaphore_mem>>
        tpu.enqueue_indirect_dma source(%dma_start3A_222 : memref<10000x64xf32, #tpu.memory_space<hbm>>) target(%dma_start3A_212 : memref<125x64xf32, #tpu.memory_space<vmem>>) offsets(%dma_start3A_215 : memref<125xi32, #tpu.memory_space<vmem>>) semaphore(%dma_start3A_224 : memref<!tpu.dma_semaphore, #tpu.memory_space<semaphore_mem>>)
      } else {
      }
      %add3A_120 = arith.constant 1 : i32
      %add3A_121 = arith.addi %add3A_92, %add3A_120 : i32
      %dma_wait3A_122 = arith.constant 1 : i32
      %dma_wait3A_123 = arith.constant 1 : i32
      %dma_wait3A_124 = arith.constant 1 : i32
      %dma_wait3A_125 = arith.constant 0 : i32
      %dma_wait3A_126 = arith.constant 0 : i32
      %dma_wait3A_127 = tpu.memref_slice %arg7[%dma_wait3A_123, %dma_wait3A_125, %dma_wait3A_126] : memref<4x125x64xf32, #tpu.memory_space<vmem>> -> memref<1x125x64xf32, #tpu.memory_space<vmem>>
      %dma_wait3A_128 = tpu.memref_squeeze %dma_wait3A_127 : memref<1x125x64xf32, #tpu.memory_space<vmem>> -> memref<125x64xf32, #tpu.memory_space<vmem>>
      %dma_wait3A_129 = arith.constant 0 : i32
      %dma_wait3A_130 = tpu.memref_slice %arg5[%dma_wait3A_122, %dma_wait3A_129] : memref<160x125xi32, #tpu.memory_space<vmem>> -> memref<1x125xi32, #tpu.memory_space<vmem>>
      %dma_wait3A_131 = tpu.memref_squeeze %dma_wait3A_130 : memref<1x125xi32, #tpu.memory_space<vmem>> -> memref<125xi32, #tpu.memory_space<vmem>>
      %dma_wait3A_132 = arith.constant 0 : i32
      %dma_wait3A_133 = arith.constant 0 : i32
      %dma_wait3A_134 = tpu.memref_slice %arg2[%arg0, %dma_wait3A_132, %dma_wait3A_133] : memref<2x10000x64xf32, #tpu.memory_space<hbm>> -> memref<1x10000x64xf32, #tpu.memory_space<hbm>>
      %dma_wait3A_135 = tpu.memref_squeeze %dma_wait3A_134 : memref<1x10000x64xf32, #tpu.memory_space<hbm>> -> memref<10000x64xf32, #tpu.memory_space<hbm>>
      %dma_wait3A_136 = arith.constant 0 : i32
      %dma_wait3A_137 = arith.constant 0 : i32
      %dma_wait3A_138 = tpu.memref_slice %dma_wait3A_135[%dma_wait3A_136, %dma_wait3A_137] : memref<10000x64xf32, #tpu.memory_space<hbm>> -> memref<10000x64xf32, #tpu.memory_space<hbm>>
      %dma_wait3A_139 = tpu.memref_slice %arg9[%dma_wait3A_124] : memref<4x!tpu.dma_semaphore, #tpu.memory_space<semaphore_mem>> -> memref<1x!tpu.dma_semaphore, #tpu.memory_space<semaphore_mem>>
      %dma_wait3A_140 = tpu.memref_squeeze %dma_wait3A_139 : memref<1x!tpu.dma_semaphore, #tpu.memory_space<semaphore_mem>> -> memref<!tpu.dma_semaphore, #tpu.memory_space<semaphore_mem>>
      tpu.wait_indirect_dma semaphore(%dma_wait3A_140 : memref<!tpu.dma_semaphore, #tpu.memory_space<semaphore_mem>>) src(%dma_wait3A_138 : memref<10000x64xf32, #tpu.memory_space<hbm>>) dst(%dma_wait3A_128 : memref<125x64xf32, #tpu.memory_space<vmem>>)
      %run_scoped3A_141 = arith.constant 1 : i32
      "tpu.region"() ({
        %run_scoped3A_207 = tpu.sem_alloc : memref<!tpu.dma_semaphore, #tpu.memory_space<semaphore_mem>>
        %dma_start3A_208 = arith.constant 0 : i32
        %dma_start3A_209 = arith.constant 0 : i32
        %dma_start3A_210 = tpu.memref_slice %arg7[%run_scoped3A_141, %dma_start3A_208, %dma_start3A_209] : memref<4x125x64xf32, #tpu.memory_space<vmem>> -> memref<1x125x64xf32, #tpu.memory_space<vmem>>
        %dma_start3A_211 = tpu.memref_squeeze %dma_start3A_210 : memref<1x125x64xf32, #tpu.memory_space<vmem>> -> memref<125x64xf32, #tpu.memory_space<vmem>>
        %dma_start3A_212 = arith.constant 0 : i32
        %dma_start3A_213 = tpu.memref_slice %arg6[%add3A_121, %dma_start3A_212] : memref<160x125xi32, #tpu.memory_space<vmem>> -> memref<1x125xi32, #tpu.memory_space<vmem>>
        %dma_start3A_214 = tpu.memref_squeeze %dma_start3A_213 : memref<1x125xi32, #tpu.memory_space<vmem>> -> memref<125xi32, #tpu.memory_space<vmem>>
        %dma_start3A_215 = arith.constant 0 : i32
        %dma_start3A_216 = arith.constant 0 : i32
        %dma_start3A_217 = tpu.memref_slice %arg8[%dma_start3A_215, %dma_start3A_216] : memref<10000x64xf32, #tpu.memory_space<vmem_shared>> -> memref<10000x64xf32, #tpu.memory_space<vmem_shared>>
        tpu.enqueue_indirect_dma source(%dma_start3A_211 : memref<125x64xf32, #tpu.memory_space<vmem>>) target(%dma_start3A_217 : memref<10000x64xf32, #tpu.memory_space<vmem_shared>>) offsets(%dma_start3A_214 : memref<125xi32, #tpu.memory_space<vmem>>) semaphore(%run_scoped3A_207 : memref<!tpu.dma_semaphore, #tpu.memory_space<semaphore_mem>>) {add = true}
        %dma_wait3A_218 = arith.constant 0 : i32
        %dma_wait3A_219 = arith.constant 0 : i32
        %dma_wait3A_220 = tpu.memref_slice %arg7[%run_scoped3A_141, %dma_wait3A_218, %dma_wait3A_219] : memref<4x125x64xf32, #tpu.memory_space<vmem>> -> memref<1x125x64xf32, #tpu.memory_space<vmem>>
        %dma_wait3A_221 = tpu.memref_squeeze %dma_wait3A_220 : memref<1x125x64xf32, #tpu.memory_space<vmem>> -> memref<125x64xf32, #tpu.memory_space<vmem>>
        %dma_wait3A_222 = arith.constant 0 : i32
        %dma_wait3A_223 = tpu.memref_slice %arg6[%add3A_121, %dma_wait3A_222] : memref<160x125xi32, #tpu.memory_space<vmem>> -> memref<1x125xi32, #tpu.memory_space<vmem>>
        %dma_wait3A_224 = tpu.memref_squeeze %dma_wait3A_223 : memref<1x125xi32, #tpu.memory_space<vmem>> -> memref<125xi32, #tpu.memory_space<vmem>>
        %dma_wait3A_225 = arith.constant 0 : i32
        %dma_wait3A_226 = arith.constant 0 : i32
        %dma_wait3A_227 = tpu.memref_slice %arg8[%dma_wait3A_225, %dma_wait3A_226] : memref<10000x64xf32, #tpu.memory_space<vmem_shared>> -> memref<10000x64xf32, #tpu.memory_space<vmem_shared>>
        tpu.wait_indirect_dma semaphore(%run_scoped3A_207 : memref<!tpu.dma_semaphore, #tpu.memory_space<semaphore_mem>>) src(%dma_wait3A_221 : memref<125x64xf32, #tpu.memory_space<vmem>>) dst(%dma_wait3A_227 : memref<10000x64xf32, #tpu.memory_space<vmem_shared>>)
        tpu.yield
      }) : () -> ()
      %add3A_142 = arith.constant 4 : i32
      %add3A_143 = arith.addi %add3A_121, %add3A_142 : i32
      %lt3A_144 = arith.constant 160 : i32
      %lt3A_145 = arith.cmpi slt, %add3A_143, %lt3A_144 : i32
      %convert_element_type3A_146 = arith.extui %lt3A_145 : i1 to i32
      %cond3A_147 = arith.constant 0 : i32
      %cond3A_148 = arith.cmpi ne, %convert_element_type3A_146, %cond3A_147 : i32
      scf.if %cond3A_148 {
        %dma_start3A_207 = arith.constant 1 : i32
        %dma_start3A_208 = arith.constant 1 : i32
        %dma_start3A_209 = arith.constant 0 : i32
        %dma_start3A_210 = arith.constant 0 : i32
        %dma_start3A_211 = tpu.memref_slice %arg7[%dma_start3A_207, %dma_start3A_209, %dma_start3A_210] : memref<4x125x64xf32, #tpu.memory_space<vmem>> -> memref<1x125x64xf32, #tpu.memory_space<vmem>>
        %dma_start3A_212 = tpu.memref_squeeze %dma_start3A_211 : memref<1x125x64xf32, #tpu.memory_space<vmem>> -> memref<125x64xf32, #tpu.memory_space<vmem>>
        %dma_start3A_213 = arith.constant 0 : i32
        %dma_start3A_214 = tpu.memref_slice %arg5[%add3A_143, %dma_start3A_213] : memref<160x125xi32, #tpu.memory_space<vmem>> -> memref<1x125xi32, #tpu.memory_space<vmem>>
        %dma_start3A_215 = tpu.memref_squeeze %dma_start3A_214 : memref<1x125xi32, #tpu.memory_space<vmem>> -> memref<125xi32, #tpu.memory_space<vmem>>
        %dma_start3A_216 = arith.constant 0 : i32
        %dma_start3A_217 = arith.constant 0 : i32
        %dma_start3A_218 = tpu.memref_slice %arg2[%arg0, %dma_start3A_216, %dma_start3A_217] : memref<2x10000x64xf32, #tpu.memory_space<hbm>> -> memref<1x10000x64xf32, #tpu.memory_space<hbm>>
        %dma_start3A_219 = tpu.memref_squeeze %dma_start3A_218 : memref<1x10000x64xf32, #tpu.memory_space<hbm>> -> memref<10000x64xf32, #tpu.memory_space<hbm>>
        %dma_start3A_220 = arith.constant 0 : i32
        %dma_start3A_221 = arith.constant 0 : i32
        %dma_start3A_222 = tpu.memref_slice %dma_start3A_219[%dma_start3A_220, %dma_start3A_221] : memref<10000x64xf32, #tpu.memory_space<hbm>> -> memref<10000x64xf32, #tpu.memory_space<hbm>>
        %dma_start3A_223 = tpu.memref_slice %arg9[%dma_start3A_208] : memref<4x!tpu.dma_semaphore, #tpu.memory_space<semaphore_mem>> -> memref<1x!tpu.dma_semaphore, #tpu.memory_space<semaphore_mem>>
        %dma_start3A_224 = tpu.memref_squeeze %dma_start3A_223 : memref<1x!tpu.dma_semaphore, #tpu.memory_space<semaphore_mem>> -> memref<!tpu.dma_semaphore, #tpu.memory_space<semaphore_mem>>
        tpu.enqueue_indirect_dma source(%dma_start3A_222 : memref<10000x64xf32, #tpu.memory_space<hbm>>) target(%dma_start3A_212 : memref<125x64xf32, #tpu.memory_space<vmem>>) offsets(%dma_start3A_215 : memref<125xi32, #tpu.memory_space<vmem>>) semaphore(%dma_start3A_224 : memref<!tpu.dma_semaphore, #tpu.memory_space<semaphore_mem>>)
      } else {
      }
      %add3A_149 = arith.constant 2 : i32
      %add3A_150 = arith.addi %add3A_92, %add3A_149 : i32
      %dma_wait3A_151 = arith.constant 2 : i32
      %dma_wait3A_152 = arith.constant 2 : i32
      %dma_wait3A_153 = arith.constant 2 : i32
      %dma_wait3A_154 = arith.constant 0 : i32
      %dma_wait3A_155 = arith.constant 0 : i32
      %dma_wait3A_156 = tpu.memref_slice %arg7[%dma_wait3A_152, %dma_wait3A_154, %dma_wait3A_155] : memref<4x125x64xf32, #tpu.memory_space<vmem>> -> memref<1x125x64xf32, #tpu.memory_space<vmem>>
      %dma_wait3A_157 = tpu.memref_squeeze %dma_wait3A_156 : memref<1x125x64xf32, #tpu.memory_space<vmem>> -> memref<125x64xf32, #tpu.memory_space<vmem>>
      %dma_wait3A_158 = arith.constant 0 : i32
      %dma_wait3A_159 = tpu.memref_slice %arg5[%dma_wait3A_151, %dma_wait3A_158] : memref<160x125xi32, #tpu.memory_space<vmem>> -> memref<1x125xi32, #tpu.memory_space<vmem>>
      %dma_wait3A_160 = tpu.memref_squeeze %dma_wait3A_159 : memref<1x125xi32, #tpu.memory_space<vmem>> -> memref<125xi32, #tpu.memory_space<vmem>>
      %dma_wait3A_161 = arith.constant 0 : i32
      %dma_wait3A_162 = arith.constant 0 : i32
      %dma_wait3A_163 = tpu.memref_slice %arg2[%arg0, %dma_wait3A_161, %dma_wait3A_162] : memref<2x10000x64xf32, #tpu.memory_space<hbm>> -> memref<1x10000x64xf32, #tpu.memory_space<hbm>>
      %dma_wait3A_164 = tpu.memref_squeeze %dma_wait3A_163 : memref<1x10000x64xf32, #tpu.memory_space<hbm>> -> memref<10000x64xf32, #tpu.memory_space<hbm>>
      %dma_wait3A_165 = arith.constant 0 : i32
      %dma_wait3A_166 = arith.constant 0 : i32
      %dma_wait3A_167 = tpu.memref_slice %dma_wait3A_164[%dma_wait3A_165, %dma_wait3A_166] : memref<10000x64xf32, #tpu.memory_space<hbm>> -> memref<10000x64xf32, #tpu.memory_space<hbm>>
      %dma_wait3A_168 = tpu.memref_slice %arg9[%dma_wait3A_153] : memref<4x!tpu.dma_semaphore, #tpu.memory_space<semaphore_mem>> -> memref<1x!tpu.dma_semaphore, #tpu.memory_space<semaphore_mem>>
      %dma_wait3A_169 = tpu.memref_squeeze %dma_wait3A_168 : memref<1x!tpu.dma_semaphore, #tpu.memory_space<semaphore_mem>> -> memref<!tpu.dma_semaphore, #tpu.memory_space<semaphore_mem>>
      tpu.wait_indirect_dma semaphore(%dma_wait3A_169 : memref<!tpu.dma_semaphore, #tpu.memory_space<semaphore_mem>>) src(%dma_wait3A_167 : memref<10000x64xf32, #tpu.memory_space<hbm>>) dst(%dma_wait3A_157 : memref<125x64xf32, #tpu.memory_space<vmem>>)
      %run_scoped3A_170 = arith.constant 2 : i32
      "tpu.region"() ({
        %run_scoped3A_207 = tpu.sem_alloc : memref<!tpu.dma_semaphore, #tpu.memory_space<semaphore_mem>>
        %dma_start3A_208 = arith.constant 0 : i32
        %dma_start3A_209 = arith.constant 0 : i32
        %dma_start3A_210 = tpu.memref_slice %arg7[%run_scoped3A_170, %dma_start3A_208, %dma_start3A_209] : memref<4x125x64xf32, #tpu.memory_space<vmem>> -> memref<1x125x64xf32, #tpu.memory_space<vmem>>
        %dma_start3A_211 = tpu.memref_squeeze %dma_start3A_210 : memref<1x125x64xf32, #tpu.memory_space<vmem>> -> memref<125x64xf32, #tpu.memory_space<vmem>>
        %dma_start3A_212 = arith.constant 0 : i32
        %dma_start3A_213 = tpu.memref_slice %arg6[%add3A_150, %dma_start3A_212] : memref<160x125xi32, #tpu.memory_space<vmem>> -> memref<1x125xi32, #tpu.memory_space<vmem>>
        %dma_start3A_214 = tpu.memref_squeeze %dma_start3A_213 : memref<1x125xi32, #tpu.memory_space<vmem>> -> memref<125xi32, #tpu.memory_space<vmem>>
        %dma_start3A_215 = arith.constant 0 : i32
        %dma_start3A_216 = arith.constant 0 : i32
        %dma_start3A_217 = tpu.memref_slice %arg8[%dma_start3A_215, %dma_start3A_216] : memref<10000x64xf32, #tpu.memory_space<vmem_shared>> -> memref<10000x64xf32, #tpu.memory_space<vmem_shared>>
        tpu.enqueue_indirect_dma source(%dma_start3A_211 : memref<125x64xf32, #tpu.memory_space<vmem>>) target(%dma_start3A_217 : memref<10000x64xf32, #tpu.memory_space<vmem_shared>>) offsets(%dma_start3A_214 : memref<125xi32, #tpu.memory_space<vmem>>) semaphore(%run_scoped3A_207 : memref<!tpu.dma_semaphore, #tpu.memory_space<semaphore_mem>>) {add = true}
        %dma_wait3A_218 = arith.constant 0 : i32
        %dma_wait3A_219 = arith.constant 0 : i32
        %dma_wait3A_220 = tpu.memref_slice %arg7[%run_scoped3A_170, %dma_wait3A_218, %dma_wait3A_219] : memref<4x125x64xf32, #tpu.memory_space<vmem>> -> memref<1x125x64xf32, #tpu.memory_space<vmem>>
        %dma_wait3A_221 = tpu.memref_squeeze %dma_wait3A_220 : memref<1x125x64xf32, #tpu.memory_space<vmem>> -> memref<125x64xf32, #tpu.memory_space<vmem>>
        %dma_wait3A_222 = arith.constant 0 : i32
        %dma_wait3A_223 = tpu.memref_slice %arg6[%add3A_150, %dma_wait3A_222] : memref<160x125xi32, #tpu.memory_space<vmem>> -> memref<1x125xi32, #tpu.memory_space<vmem>>
        %dma_wait3A_224 = tpu.memref_squeeze %dma_wait3A_223 : memref<1x125xi32, #tpu.memory_space<vmem>> -> memref<125xi32, #tpu.memory_space<vmem>>
        %dma_wait3A_225 = arith.constant 0 : i32
        %dma_wait3A_226 = arith.constant 0 : i32
        %dma_wait3A_227 = tpu.memref_slice %arg8[%dma_wait3A_225, %dma_wait3A_226] : memref<10000x64xf32, #tpu.memory_space<vmem_shared>> -> memref<10000x64xf32, #tpu.memory_space<vmem_shared>>
        tpu.wait_indirect_dma semaphore(%run_scoped3A_207 : memref<!tpu.dma_semaphore, #tpu.memory_space<semaphore_mem>>) src(%dma_wait3A_221 : memref<125x64xf32, #tpu.memory_space<vmem>>) dst(%dma_wait3A_227 : memref<10000x64xf32, #tpu.memory_space<vmem_shared>>)
        tpu.yield
      }) : () -> ()
      %add3A_171 = arith.constant 4 : i32
      %add3A_172 = arith.addi %add3A_150, %add3A_171 : i32
      %lt3A_173 = arith.constant 160 : i32
      %lt3A_174 = arith.cmpi slt, %add3A_172, %lt3A_173 : i32
      %convert_element_type3A_175 = arith.extui %lt3A_174 : i1 to i32
      %cond3A_176 = arith.constant 0 : i32
      %cond3A_177 = arith.cmpi ne, %convert_element_type3A_175, %cond3A_176 : i32
      scf.if %cond3A_177 {
        %dma_start3A_207 = arith.constant 2 : i32
        %dma_start3A_208 = arith.constant 2 : i32
        %dma_start3A_209 = arith.constant 0 : i32
        %dma_start3A_210 = arith.constant 0 : i32
        %dma_start3A_211 = tpu.memref_slice %arg7[%dma_start3A_207, %dma_start3A_209, %dma_start3A_210] : memref<4x125x64xf32, #tpu.memory_space<vmem>> -> memref<1x125x64xf32, #tpu.memory_space<vmem>>
        %dma_start3A_212 = tpu.memref_squeeze %dma_start3A_211 : memref<1x125x64xf32, #tpu.memory_space<vmem>> -> memref<125x64xf32, #tpu.memory_space<vmem>>
        %dma_start3A_213 = arith.constant 0 : i32
        %dma_start3A_214 = tpu.memref_slice %arg5[%add3A_172, %dma_start3A_213] : memref<160x125xi32, #tpu.memory_space<vmem>> -> memref<1x125xi32, #tpu.memory_space<vmem>>
        %dma_start3A_215 = tpu.memref_squeeze %dma_start3A_214 : memref<1x125xi32, #tpu.memory_space<vmem>> -> memref<125xi32, #tpu.memory_space<vmem>>
        %dma_start3A_216 = arith.constant 0 : i32
        %dma_start3A_217 = arith.constant 0 : i32
        %dma_start3A_218 = tpu.memref_slice %arg2[%arg0, %dma_start3A_216, %dma_start3A_217] : memref<2x10000x64xf32, #tpu.memory_space<hbm>> -> memref<1x10000x64xf32, #tpu.memory_space<hbm>>
        %dma_start3A_219 = tpu.memref_squeeze %dma_start3A_218 : memref<1x10000x64xf32, #tpu.memory_space<hbm>> -> memref<10000x64xf32, #tpu.memory_space<hbm>>
        %dma_start3A_220 = arith.constant 0 : i32
        %dma_start3A_221 = arith.constant 0 : i32
        %dma_start3A_222 = tpu.memref_slice %dma_start3A_219[%dma_start3A_220, %dma_start3A_221] : memref<10000x64xf32, #tpu.memory_space<hbm>> -> memref<10000x64xf32, #tpu.memory_space<hbm>>
        %dma_start3A_223 = tpu.memref_slice %arg9[%dma_start3A_208] : memref<4x!tpu.dma_semaphore, #tpu.memory_space<semaphore_mem>> -> memref<1x!tpu.dma_semaphore, #tpu.memory_space<semaphore_mem>>
        %dma_start3A_224 = tpu.memref_squeeze %dma_start3A_223 : memref<1x!tpu.dma_semaphore, #tpu.memory_space<semaphore_mem>> -> memref<!tpu.dma_semaphore, #tpu.memory_space<semaphore_mem>>
        tpu.enqueue_indirect_dma source(%dma_start3A_222 : memref<10000x64xf32, #tpu.memory_space<hbm>>) target(%dma_start3A_212 : memref<125x64xf32, #tpu.memory_space<vmem>>) offsets(%dma_start3A_215 : memref<125xi32, #tpu.memory_space<vmem>>) semaphore(%dma_start3A_224 : memref<!tpu.dma_semaphore, #tpu.memory_space<semaphore_mem>>)
      } else {
      }
      %add3A_178 = arith.constant 3 : i32
      %add3A_179 = arith.addi %add3A_92, %add3A_178 : i32
      %dma_wait3A_180 = arith.constant 3 : i32
      %dma_wait3A_181 = arith.constant 3 : i32
      %dma_wait3A_182 = arith.constant 3 : i32
      %dma_wait3A_183 = arith.constant 0 : i32
      %dma_wait3A_184 = arith.constant 0 : i32
      %dma_wait3A_185 = tpu.memref_slice %arg7[%dma_wait3A_181, %dma_wait3A_183, %dma_wait3A_184] : memref<4x125x64xf32, #tpu.memory_space<vmem>> -> memref<1x125x64xf32, #tpu.memory_space<vmem>>
      %dma_wait3A_186 = tpu.memref_squeeze %dma_wait3A_185 : memref<1x125x64xf32, #tpu.memory_space<vmem>> -> memref<125x64xf32, #tpu.memory_space<vmem>>
      %dma_wait3A_187 = arith.constant 0 : i32
      %dma_wait3A_188 = tpu.memref_slice %arg5[%dma_wait3A_180, %dma_wait3A_187] : memref<160x125xi32, #tpu.memory_space<vmem>> -> memref<1x125xi32, #tpu.memory_space<vmem>>
      %dma_wait3A_189 = tpu.memref_squeeze %dma_wait3A_188 : memref<1x125xi32, #tpu.memory_space<vmem>> -> memref<125xi32, #tpu.memory_space<vmem>>
      %dma_wait3A_190 = arith.constant 0 : i32
      %dma_wait3A_191 = arith.constant 0 : i32
      %dma_wait3A_192 = tpu.memref_slice %arg2[%arg0, %dma_wait3A_190, %dma_wait3A_191] : memref<2x10000x64xf32, #tpu.memory_space<hbm>> -> memref<1x10000x64xf32, #tpu.memory_space<hbm>>
      %dma_wait3A_193 = tpu.memref_squeeze %dma_wait3A_192 : memref<1x10000x64xf32, #tpu.memory_space<hbm>> -> memref<10000x64xf32, #tpu.memory_space<hbm>>
      %dma_wait3A_194 = arith.constant 0 : i32
      %dma_wait3A_195 = arith.constant 0 : i32
      %dma_wait3A_196 = tpu.memref_slice %dma_wait3A_193[%dma_wait3A_194, %dma_wait3A_195] : memref<10000x64xf32, #tpu.memory_space<hbm>> -> memref<10000x64xf32, #tpu.memory_space<hbm>>
      %dma_wait3A_197 = tpu.memref_slice %arg9[%dma_wait3A_182] : memref<4x!tpu.dma_semaphore, #tpu.memory_space<semaphore_mem>> -> memref<1x!tpu.dma_semaphore, #tpu.memory_space<semaphore_mem>>
      %dma_wait3A_198 = tpu.memref_squeeze %dma_wait3A_197 : memref<1x!tpu.dma_semaphore, #tpu.memory_space<semaphore_mem>> -> memref<!tpu.dma_semaphore, #tpu.memory_space<semaphore_mem>>
      tpu.wait_indirect_dma semaphore(%dma_wait3A_198 : memref<!tpu.dma_semaphore, #tpu.memory_space<semaphore_mem>>) src(%dma_wait3A_196 : memref<10000x64xf32, #tpu.memory_space<hbm>>) dst(%dma_wait3A_186 : memref<125x64xf32, #tpu.memory_space<vmem>>)
      %run_scoped3A_199 = arith.constant 3 : i32
      "tpu.region"() ({
        %run_scoped3A_207 = tpu.sem_alloc : memref<!tpu.dma_semaphore, #tpu.memory_space<semaphore_mem>>
        %dma_start3A_208 = arith.constant 0 : i32
        %dma_start3A_209 = arith.constant 0 : i32
        %dma_start3A_210 = tpu.memref_slice %arg7[%run_scoped3A_199, %dma_start3A_208, %dma_start3A_209] : memref<4x125x64xf32, #tpu.memory_space<vmem>> -> memref<1x125x64xf32, #tpu.memory_space<vmem>>
        %dma_start3A_211 = tpu.memref_squeeze %dma_start3A_210 : memref<1x125x64xf32, #tpu.memory_space<vmem>> -> memref<125x64xf32, #tpu.memory_space<vmem>>
        %dma_start3A_212 = arith.constant 0 : i32
        %dma_start3A_213 = tpu.memref_slice %arg6[%add3A_179, %dma_start3A_212] : memref<160x125xi32, #tpu.memory_space<vmem>> -> memref<1x125xi32, #tpu.memory_space<vmem>>
        %dma_start3A_214 = tpu.memref_squeeze %dma_start3A_213 : memref<1x125xi32, #tpu.memory_space<vmem>> -> memref<125xi32, #tpu.memory_space<vmem>>
        %dma_start3A_215 = arith.constant 0 : i32
        %dma_start3A_216 = arith.constant 0 : i32
        %dma_start3A_217 = tpu.memref_slice %arg8[%dma_start3A_215, %dma_start3A_216] : memref<10000x64xf32, #tpu.memory_space<vmem_shared>> -> memref<10000x64xf32, #tpu.memory_space<vmem_shared>>
        tpu.enqueue_indirect_dma source(%dma_start3A_211 : memref<125x64xf32, #tpu.memory_space<vmem>>) target(%dma_start3A_217 : memref<10000x64xf32, #tpu.memory_space<vmem_shared>>) offsets(%dma_start3A_214 : memref<125xi32, #tpu.memory_space<vmem>>) semaphore(%run_scoped3A_207 : memref<!tpu.dma_semaphore, #tpu.memory_space<semaphore_mem>>) {add = true}
        %dma_wait3A_218 = arith.constant 0 : i32
        %dma_wait3A_219 = arith.constant 0 : i32
        %dma_wait3A_220 = tpu.memref_slice %arg7[%run_scoped3A_199, %dma_wait3A_218, %dma_wait3A_219] : memref<4x125x64xf32, #tpu.memory_space<vmem>> -> memref<1x125x64xf32, #tpu.memory_space<vmem>>
        %dma_wait3A_221 = tpu.memref_squeeze %dma_wait3A_220 : memref<1x125x64xf32, #tpu.memory_space<vmem>> -> memref<125x64xf32, #tpu.memory_space<vmem>>
        %dma_wait3A_222 = arith.constant 0 : i32
        %dma_wait3A_223 = tpu.memref_slice %arg6[%add3A_179, %dma_wait3A_222] : memref<160x125xi32, #tpu.memory_space<vmem>> -> memref<1x125xi32, #tpu.memory_space<vmem>>
        %dma_wait3A_224 = tpu.memref_squeeze %dma_wait3A_223 : memref<1x125xi32, #tpu.memory_space<vmem>> -> memref<125xi32, #tpu.memory_space<vmem>>
        %dma_wait3A_225 = arith.constant 0 : i32
        %dma_wait3A_226 = arith.constant 0 : i32
        %dma_wait3A_227 = tpu.memref_slice %arg8[%dma_wait3A_225, %dma_wait3A_226] : memref<10000x64xf32, #tpu.memory_space<vmem_shared>> -> memref<10000x64xf32, #tpu.memory_space<vmem_shared>>
        tpu.wait_indirect_dma semaphore(%run_scoped3A_207 : memref<!tpu.dma_semaphore, #tpu.memory_space<semaphore_mem>>) src(%dma_wait3A_221 : memref<125x64xf32, #tpu.memory_space<vmem>>) dst(%dma_wait3A_227 : memref<10000x64xf32, #tpu.memory_space<vmem_shared>>)
        tpu.yield
      }) : () -> ()
      %add3A_200 = arith.constant 4 : i32
      %add3A_201 = arith.addi %add3A_179, %add3A_200 : i32
      %lt3A_202 = arith.constant 160 : i32
      %lt3A_203 = arith.cmpi slt, %add3A_201, %lt3A_202 : i32
      %convert_element_type3A_204 = arith.extui %lt3A_203 : i1 to i32
      %cond3A_205 = arith.constant 0 : i32
      %cond3A_206 = arith.cmpi ne, %convert_element_type3A_204, %cond3A_205 : i32
      scf.if %cond3A_206 {
        %dma_start3A_207 = arith.constant 3 : i32
        %dma_start3A_208 = arith.constant 3 : i32
        %dma_start3A_209 = arith.constant 0 : i32
        %dma_start3A_210 = arith.constant 0 : i32
        %dma_start3A_211 = tpu.memref_slice %arg7[%dma_start3A_207, %dma_start3A_209, %dma_start3A_210] : memref<4x125x64xf32, #tpu.memory_space<vmem>> -> memref<1x125x64xf32, #tpu.memory_space<vmem>>
        %dma_start3A_212 = tpu.memref_squeeze %dma_start3A_211 : memref<1x125x64xf32, #tpu.memory_space<vmem>> -> memref<125x64xf32, #tpu.memory_space<vmem>>
        %dma_start3A_213 = arith.constant 0 : i32
        %dma_start3A_214 = tpu.memref_slice %arg5[%add3A_201, %dma_start3A_213] : memref<160x125xi32, #tpu.memory_space<vmem>> -> memref<1x125xi32, #tpu.memory_space<vmem>>
        %dma_start3A_215 = tpu.memref_squeeze %dma_start3A_214 : memref<1x125xi32, #tpu.memory_space<vmem>> -> memref<125xi32, #tpu.memory_space<vmem>>
        %dma_start3A_216 = arith.constant 0 : i32
        %dma_start3A_217 = arith.constant 0 : i32
        %dma_start3A_218 = tpu.memref_slice %arg2[%arg0, %dma_start3A_216, %dma_start3A_217] : memref<2x10000x64xf32, #tpu.memory_space<hbm>> -> memref<1x10000x64xf32, #tpu.memory_space<hbm>>
        %dma_start3A_219 = tpu.memref_squeeze %dma_start3A_218 : memref<1x10000x64xf32, #tpu.memory_space<hbm>> -> memref<10000x64xf32, #tpu.memory_space<hbm>>
        %dma_start3A_220 = arith.constant 0 : i32
        %dma_start3A_221 = arith.constant 0 : i32
        %dma_start3A_222 = tpu.memref_slice %dma_start3A_219[%dma_start3A_220, %dma_start3A_221] : memref<10000x64xf32, #tpu.memory_space<hbm>> -> memref<10000x64xf32, #tpu.memory_space<hbm>>
        %dma_start3A_223 = tpu.memref_slice %arg9[%dma_start3A_208] : memref<4x!tpu.dma_semaphore, #tpu.memory_space<semaphore_mem>> -> memref<1x!tpu.dma_semaphore, #tpu.memory_space<semaphore_mem>>
        %dma_start3A_224 = tpu.memref_squeeze %dma_start3A_223 : memref<1x!tpu.dma_semaphore, #tpu.memory_space<semaphore_mem>> -> memref<!tpu.dma_semaphore, #tpu.memory_space<semaphore_mem>>
        tpu.enqueue_indirect_dma source(%dma_start3A_222 : memref<10000x64xf32, #tpu.memory_space<hbm>>) target(%dma_start3A_212 : memref<125x64xf32, #tpu.memory_space<vmem>>) offsets(%dma_start3A_215 : memref<125xi32, #tpu.memory_space<vmem>>) semaphore(%dma_start3A_224 : memref<!tpu.dma_semaphore, #tpu.memory_space<semaphore_mem>>)
      } else {
      }
    }
    %scan3A_82 = arith.constant 40 : i32
    %barrier3A_83 = arith.constant 0 : index
    tpu.barrier barrier_id(%barrier3A_83)
    "tpu.region"() ({
      %run_scoped3A_89 = tpu.sem_alloc : memref<!tpu.dma_semaphore, #tpu.memory_space<semaphore_mem>>
      %dma_start3A_90 = arith.constant 0 : i32
      %dma_start3A_91 = tpu.memref_slice %arg4[%arg0, %mul3A_1, %dma_start3A_90] : memref<2x10000x64xf32, #tpu.memory_space<hbm>> -> memref<1x624x64xf32, #tpu.memory_space<hbm>>
      %dma_start3A_92 = tpu.memref_squeeze %dma_start3A_91 : memref<1x624x64xf32, #tpu.memory_space<hbm>> -> memref<624x64xf32, #tpu.memory_space<hbm>>
      %dma_start3A_93 = arith.constant 0 : i32
      %dma_start3A_94 = tpu.memref_slice %arg8[%mul3A_1, %dma_start3A_93] : memref<10000x64xf32, #tpu.memory_space<vmem_shared>> -> memref<624x64xf32, #tpu.memory_space<vmem_shared>>
      tpu.enqueue_dma source(%dma_start3A_94 : memref<624x64xf32, #tpu.memory_space<vmem_shared>>) target(%dma_start3A_92 : memref<624x64xf32, #tpu.memory_space<hbm>>) target_semaphore(%run_scoped3A_89 : memref<!tpu.dma_semaphore, #tpu.memory_space<semaphore_mem>>)
      %dma_wait3A = arith.constant 0 : i32
      %dma_wait3A_95 = tpu.memref_slice %arg4[%arg0, %mul3A_1, %dma_wait3A] : memref<2x10000x64xf32, #tpu.memory_space<hbm>> -> memref<1x624x64xf32, #tpu.memory_space<hbm>>
      %dma_wait3A_96 = tpu.memref_squeeze %dma_wait3A_95 : memref<1x624x64xf32, #tpu.memory_space<hbm>> -> memref<624x64xf32, #tpu.memory_space<hbm>>
      %dma_wait3A_97 = arith.constant 0 : i32
      %dma_wait3A_98 = tpu.memref_slice %arg8[%mul3A_1, %dma_wait3A_97] : memref<10000x64xf32, #tpu.memory_space<vmem_shared>> -> memref<624x64xf32, #tpu.memory_space<vmem_shared>>
      tpu.wait_dma2 semaphore(%run_scoped3A_89 : memref<!tpu.dma_semaphore, #tpu.memory_space<semaphore_mem>>) src(%dma_wait3A_98 : memref<624x64xf32, #tpu.memory_space<vmem_shared>>) dst(%dma_wait3A_96 : memref<624x64xf32, #tpu.memory_space<hbm>>)
      tpu.yield
    }) : () -> ()
    %eq3A_84 = arith.constant 15 : i32
    %eq3A_85 = arith.cmpi eq, %arg1, %eq3A_84 : i32
    %convert_element_type3A_86 = arith.extui %eq3A_85 : i1 to i32
    %cond3A_87 = arith.constant 0 : i32
    %cond3A_88 = arith.cmpi ne, %convert_element_type3A_86, %cond3A_87 : i32
    scf.if %cond3A_88 {
      "tpu.region"() ({
        %run_scoped3A_89 = tpu.sem_alloc : memref<!tpu.dma_semaphore, #tpu.memory_space<semaphore_mem>>
        %dma_start3A_90 = arith.constant 9984 : i32
        %dma_start3A_91 = arith.constant 0 : i32
        %dma_start3A_92 = tpu.memref_slice %arg4[%arg0, %dma_start3A_90, %dma_start3A_91] : memref<2x10000x64xf32, #tpu.memory_space<hbm>> -> memref<1x16x64xf32, #tpu.memory_space<hbm>>
        %dma_start3A_93 = tpu.memref_squeeze %dma_start3A_92 : memref<1x16x64xf32, #tpu.memory_space<hbm>> -> memref<16x64xf32, #tpu.memory_space<hbm>>
        %dma_start3A_94 = arith.constant 9984 : i32
        %dma_start3A_95 = arith.constant 0 : i32
        %dma_start3A_96 = tpu.memref_slice %arg8[%dma_start3A_94, %dma_start3A_95] : memref<10000x64xf32, #tpu.memory_space<vmem_shared>> -> memref<16x64xf32, #tpu.memory_space<vmem_shared>>
        tpu.enqueue_dma source(%dma_start3A_96 : memref<16x64xf32, #tpu.memory_space<vmem_shared>>) target(%dma_start3A_93 : memref<16x64xf32, #tpu.memory_space<hbm>>) target_semaphore(%run_scoped3A_89 : memref<!tpu.dma_semaphore, #tpu.memory_space<semaphore_mem>>)
        %dma_wait3A = arith.constant 9984 : i32
        %dma_wait3A_97 = arith.constant 0 : i32
        %dma_wait3A_98 = tpu.memref_slice %arg4[%arg0, %dma_wait3A, %dma_wait3A_97] : memref<2x10000x64xf32, #tpu.memory_space<hbm>> -> memref<1x16x64xf32, #tpu.memory_space<hbm>>
        %dma_wait3A_99 = tpu.memref_squeeze %dma_wait3A_98 : memref<1x16x64xf32, #tpu.memory_space<hbm>> -> memref<16x64xf32, #tpu.memory_space<hbm>>
        %dma_wait3A_100 = arith.constant 9984 : i32
        %dma_wait3A_101 = arith.constant 0 : i32
        %dma_wait3A_102 = tpu.memref_slice %arg8[%dma_wait3A_100, %dma_wait3A_101] : memref<10000x64xf32, #tpu.memory_space<vmem_shared>> -> memref<16x64xf32, #tpu.memory_space<vmem_shared>>
        tpu.wait_dma2 semaphore(%run_scoped3A_89 : memref<!tpu.dma_semaphore, #tpu.memory_space<semaphore_mem>>) src(%dma_wait3A_102 : memref<16x64xf32, #tpu.memory_space<vmem_shared>>) dst(%dma_wait3A_99 : memref<16x64xf32, #tpu.memory_space<hbm>>)
        tpu.yield
      }) : () -> ()
    } else {
    }
    return
  }
}

#map = affine_map<(d0, d1) -> (0, 0, 0)>
#map1 = affine_map<(d0, d1) -> (0, 0, 0, 0)>
module attributes {stable_mosaic.version = 14 : i64} {
  func.func @agg_kernel(%arg0: i32, %arg1: i32, %arg2: memref<2x10000x64xf32, #tpu.memory_space<hbm>>, %arg3: memref<2x16x160x125xi32, #tpu.memory_space<hbm>>, %arg4: memref<2x10000x64xf32, #tpu.memory_space<hbm>>, %arg5: memref<160x125xi32, #tpu.memory_space<vmem>>, %arg6: memref<160x125xi32, #tpu.memory_space<vmem>>, %arg7: memref<4x125x64xf32, #tpu.memory_space<vmem>>, %arg8: memref<10000x64xf32, #tpu.memory_space<vmem_shared>>, %arg9: memref<4x!tpu.dma_semaphore, #tpu.memory_space<semaphore_mem>>) attributes {dimension_semantics = [#tpu.dimension_semantics<core_parallel>, #tpu.dimension_semantics<subcore_parallel>], iteration_bounds = array<i64: 2, 16>, scalar_prefetch = 0 : i64, scratch_operands = 5 : i64, tpu.core_type = #tpu.core_type<sc_vector_subcore>, window_params = [{transform_indices = #map}, {transform_indices = #map1}, {transform_indices = #map}]} {
    %run_scoped3A = arith.constant 0 : i32
    "tpu.region"() ({
      %run_scoped3A_89 = tpu.sem_alloc : memref<!tpu.dma_semaphore, #tpu.memory_space<semaphore_mem>>
      %dma_start3A_90 = arith.constant 0 : i32
      %dma_start3A_91 = arith.constant 0 : i32
      %dma_start3A_92 = tpu.memref_slice %arg3[%run_scoped3A, %arg1, %dma_start3A_90, %dma_start3A_91] : memref<2x16x160x125xi32, #tpu.memory_space<hbm>> -> memref<1x1x160x125xi32, #tpu.memory_space<hbm>>
      %dma_start3A_93 = tpu.memref_squeeze %dma_start3A_92 : memref<1x1x160x125xi32, #tpu.memory_space<hbm>> -> memref<160x125xi32, #tpu.memory_space<hbm>>
      %dma_start3A_94 = arith.constant 0 : i32
      %dma_start3A_95 = arith.constant 0 : i32
      %dma_start3A_96 = tpu.memref_slice %arg3[%run_scoped3A, %arg1, %dma_start3A_94, %dma_start3A_95] : memref<2x16x160x125xi32, #tpu.memory_space<hbm>> -> memref<1x1x160x125xi32, #tpu.memory_space<hbm>>
      %dma_start3A_97 = tpu.memref_squeeze %dma_start3A_96 : memref<1x1x160x125xi32, #tpu.memory_space<hbm>> -> memref<160x125xi32, #tpu.memory_space<hbm>>
      tpu.enqueue_dma source(%dma_start3A_97 : memref<160x125xi32, #tpu.memory_space<hbm>>) target(%arg5 : memref<160x125xi32, #tpu.memory_space<vmem>>) target_semaphore(%run_scoped3A_89 : memref<!tpu.dma_semaphore, #tpu.memory_space<semaphore_mem>>)
      %dma_wait3A = arith.constant 0 : i32
      %dma_wait3A_98 = arith.constant 0 : i32
      %dma_wait3A_99 = tpu.memref_slice %arg3[%run_scoped3A, %arg1, %dma_wait3A, %dma_wait3A_98] : memref<2x16x160x125xi32, #tpu.memory_space<hbm>> -> memref<1x1x160x125xi32, #tpu.memory_space<hbm>>
      %dma_wait3A_100 = tpu.memref_squeeze %dma_wait3A_99 : memref<1x1x160x125xi32, #tpu.memory_space<hbm>> -> memref<160x125xi32, #tpu.memory_space<hbm>>
      %dma_wait3A_101 = arith.constant 0 : i32
      %dma_wait3A_102 = arith.constant 0 : i32
      %dma_wait3A_103 = tpu.memref_slice %arg3[%run_scoped3A, %arg1, %dma_wait3A_101, %dma_wait3A_102] : memref<2x16x160x125xi32, #tpu.memory_space<hbm>> -> memref<1x1x160x125xi32, #tpu.memory_space<hbm>>
      %dma_wait3A_104 = tpu.memref_squeeze %dma_wait3A_103 : memref<1x1x160x125xi32, #tpu.memory_space<hbm>> -> memref<160x125xi32, #tpu.memory_space<hbm>>
      tpu.wait_dma2 semaphore(%run_scoped3A_89 : memref<!tpu.dma_semaphore, #tpu.memory_space<semaphore_mem>>) src(%dma_wait3A_104 : memref<160x125xi32, #tpu.memory_space<hbm>>) dst(%arg5 : memref<160x125xi32, #tpu.memory_space<vmem>>)
      tpu.yield
    }) : () -> ()
    %run_scoped3A_0 = arith.constant 1 : i32
    "tpu.region"() ({
      %run_scoped3A_89 = tpu.sem_alloc : memref<!tpu.dma_semaphore, #tpu.memory_space<semaphore_mem>>
      %dma_start3A_90 = arith.constant 0 : i32
      %dma_start3A_91 = arith.constant 0 : i32
      %dma_start3A_92 = tpu.memref_slice %arg3[%run_scoped3A_0, %arg1, %dma_start3A_90, %dma_start3A_91] : memref<2x16x160x125xi32, #tpu.memory_space<hbm>> -> memref<1x1x160x125xi32, #tpu.memory_space<hbm>>
      %dma_start3A_93 = tpu.memref_squeeze %dma_start3A_92 : memref<1x1x160x125xi32, #tpu.memory_space<hbm>> -> memref<160x125xi32, #tpu.memory_space<hbm>>
      %dma_start3A_94 = arith.constant 0 : i32
      %dma_start3A_95 = arith.constant 0 : i32
      %dma_start3A_96 = tpu.memref_slice %arg3[%run_scoped3A_0, %arg1, %dma_start3A_94, %dma_start3A_95] : memref<2x16x160x125xi32, #tpu.memory_space<hbm>> -> memref<1x1x160x125xi32, #tpu.memory_space<hbm>>
      %dma_start3A_97 = tpu.memref_squeeze %dma_start3A_96 : memref<1x1x160x125xi32, #tpu.memory_space<hbm>> -> memref<160x125xi32, #tpu.memory_space<hbm>>
      tpu.enqueue_dma source(%dma_start3A_97 : memref<160x125xi32, #tpu.memory_space<hbm>>) target(%arg6 : memref<160x125xi32, #tpu.memory_space<vmem>>) target_semaphore(%run_scoped3A_89 : memref<!tpu.dma_semaphore, #tpu.memory_space<semaphore_mem>>)
      %dma_wait3A = arith.constant 0 : i32
      %dma_wait3A_98 = arith.constant 0 : i32
      %dma_wait3A_99 = tpu.memref_slice %arg3[%run_scoped3A_0, %arg1, %dma_wait3A, %dma_wait3A_98] : memref<2x16x160x125xi32, #tpu.memory_space<hbm>> -> memref<1x1x160x125xi32, #tpu.memory_space<hbm>>
      %dma_wait3A_100 = tpu.memref_squeeze %dma_wait3A_99 : memref<1x1x160x125xi32, #tpu.memory_space<hbm>> -> memref<160x125xi32, #tpu.memory_space<hbm>>
      %dma_wait3A_101 = arith.constant 0 : i32
      %dma_wait3A_102 = arith.constant 0 : i32
      %dma_wait3A_103 = tpu.memref_slice %arg3[%run_scoped3A_0, %arg1, %dma_wait3A_101, %dma_wait3A_102] : memref<2x16x160x125xi32, #tpu.memory_space<hbm>> -> memref<1x1x160x125xi32, #tpu.memory_space<hbm>>
      %dma_wait3A_104 = tpu.memref_squeeze %dma_wait3A_103 : memref<1x1x160x125xi32, #tpu.memory_space<hbm>> -> memref<160x125xi32, #tpu.memory_space<hbm>>
      tpu.wait_dma2 semaphore(%run_scoped3A_89 : memref<!tpu.dma_semaphore, #tpu.memory_space<semaphore_mem>>) src(%dma_wait3A_104 : memref<160x125xi32, #tpu.memory_space<hbm>>) dst(%arg6 : memref<160x125xi32, #tpu.memory_space<vmem>>)
      tpu.yield
    }) : () -> ()
    %mul3A = arith.constant 624 : i32
    %mul3A_1 = arith.muli %arg1, %mul3A : i32
    "tpu.region"() ({
      %run_scoped3A_89 = tpu.sem_alloc : memref<!tpu.dma_semaphore, #tpu.memory_space<semaphore_mem>>
      %dma_start3A_90 = arith.constant 0 : i32
      %dma_start3A_91 = tpu.memref_slice %arg8[%mul3A_1, %dma_start3A_90] : memref<10000x64xf32, #tpu.memory_space<vmem_shared>> -> memref<624x64xf32, #tpu.memory_space<vmem_shared>>
      %dma_start3A_92 = arith.constant 0 : i32
      %dma_start3A_93 = arith.constant 0 : i32
      %dma_start3A_94 = tpu.memref_slice %arg2[%arg0, %dma_start3A_92, %dma_start3A_93] : memref<2x10000x64xf32, #tpu.memory_space<hbm>> -> memref<1x10000x64xf32, #tpu.memory_space<hbm>>
      %dma_start3A_95 = tpu.memref_squeeze %dma_start3A_94 : memref<1x10000x64xf32, #tpu.memory_space<hbm>> -> memref<10000x64xf32, #tpu.memory_space<hbm>>
      %dma_start3A_96 = arith.constant 0 : i32
      %dma_start3A_97 = tpu.memref_slice %dma_start3A_95[%mul3A_1, %dma_start3A_96] : memref<10000x64xf32, #tpu.memory_space<hbm>> -> memref<624x64xf32, #tpu.memory_space<hbm>>
      tpu.enqueue_dma source(%dma_start3A_97 : memref<624x64xf32, #tpu.memory_space<hbm>>) target(%dma_start3A_91 : memref<624x64xf32, #tpu.memory_space<vmem_shared>>) target_semaphore(%run_scoped3A_89 : memref<!tpu.dma_semaphore, #tpu.memory_space<semaphore_mem>>)
      %dma_wait3A = arith.constant 0 : i32
      %dma_wait3A_98 = tpu.memref_slice %arg8[%mul3A_1, %dma_wait3A] : memref<10000x64xf32, #tpu.memory_space<vmem_shared>> -> memref<624x64xf32, #tpu.memory_space<vmem_shared>>
      %dma_wait3A_99 = arith.constant 0 : i32
      %dma_wait3A_100 = arith.constant 0 : i32
      %dma_wait3A_101 = tpu.memref_slice %arg2[%arg0, %dma_wait3A_99, %dma_wait3A_100] : memref<2x10000x64xf32, #tpu.memory_space<hbm>> -> memref<1x10000x64xf32, #tpu.memory_space<hbm>>
      %dma_wait3A_102 = tpu.memref_squeeze %dma_wait3A_101 : memref<1x10000x64xf32, #tpu.memory_space<hbm>> -> memref<10000x64xf32, #tpu.memory_space<hbm>>
      %dma_wait3A_103 = arith.constant 0 : i32
      %dma_wait3A_104 = tpu.memref_slice %dma_wait3A_102[%mul3A_1, %dma_wait3A_103] : memref<10000x64xf32, #tpu.memory_space<hbm>> -> memref<624x64xf32, #tpu.memory_space<hbm>>
      tpu.wait_dma2 semaphore(%run_scoped3A_89 : memref<!tpu.dma_semaphore, #tpu.memory_space<semaphore_mem>>) src(%dma_wait3A_104 : memref<624x64xf32, #tpu.memory_space<hbm>>) dst(%dma_wait3A_98 : memref<624x64xf32, #tpu.memory_space<vmem_shared>>)
      tpu.yield
    }) : () -> ()
    %eq3A = arith.constant 15 : i32
    %eq3A_2 = arith.cmpi eq, %arg1, %eq3A : i32
    %convert_element_type3A = arith.extui %eq3A_2 : i1 to i32
    %cond3A = arith.constant 0 : i32
    %cond3A_3 = arith.cmpi ne, %convert_element_type3A, %cond3A : i32
    scf.if %cond3A_3 {
      "tpu.region"() ({
        %run_scoped3A_89 = tpu.sem_alloc : memref<!tpu.dma_semaphore, #tpu.memory_space<semaphore_mem>>
        %dma_start3A_90 = arith.constant 9984 : i32
        %dma_start3A_91 = arith.constant 0 : i32
        %dma_start3A_92 = tpu.memref_slice %arg8[%dma_start3A_90, %dma_start3A_91] : memref<10000x64xf32, #tpu.memory_space<vmem_shared>> -> memref<16x64xf32, #tpu.memory_space<vmem_shared>>
        %dma_start3A_93 = arith.constant 0 : i32
        %dma_start3A_94 = arith.constant 0 : i32
        %dma_start3A_95 = tpu.memref_slice %arg2[%arg0, %dma_start3A_93, %dma_start3A_94] : memref<2x10000x64xf32, #tpu.memory_space<hbm>> -> memref<1x10000x64xf32, #tpu.memory_space<hbm>>
        %dma_start3A_96 = tpu.memref_squeeze %dma_start3A_95 : memref<1x10000x64xf32, #tpu.memory_space<hbm>> -> memref<10000x64xf32, #tpu.memory_space<hbm>>
        %dma_start3A_97 = arith.constant 9984 : i32
        %dma_start3A_98 = arith.constant 0 : i32
        %dma_start3A_99 = tpu.memref_slice %dma_start3A_96[%dma_start3A_97, %dma_start3A_98] : memref<10000x64xf32, #tpu.memory_space<hbm>> -> memref<16x64xf32, #tpu.memory_space<hbm>>
        tpu.enqueue_dma source(%dma_start3A_99 : memref<16x64xf32, #tpu.memory_space<hbm>>) target(%dma_start3A_92 : memref<16x64xf32, #tpu.memory_space<vmem_shared>>) target_semaphore(%run_scoped3A_89 : memref<!tpu.dma_semaphore, #tpu.memory_space<semaphore_mem>>)
        %dma_wait3A = arith.constant 9984 : i32
        %dma_wait3A_100 = arith.constant 0 : i32
        %dma_wait3A_101 = tpu.memref_slice %arg8[%dma_wait3A, %dma_wait3A_100] : memref<10000x64xf32, #tpu.memory_space<vmem_shared>> -> memref<16x64xf32, #tpu.memory_space<vmem_shared>>
        %dma_wait3A_102 = arith.constant 0 : i32
        %dma_wait3A_103 = arith.constant 0 : i32
        %dma_wait3A_104 = tpu.memref_slice %arg2[%arg0, %dma_wait3A_102, %dma_wait3A_103] : memref<2x10000x64xf32, #tpu.memory_space<hbm>> -> memref<1x10000x64xf32, #tpu.memory_space<hbm>>
        %dma_wait3A_105 = tpu.memref_squeeze %dma_wait3A_104 : memref<1x10000x64xf32, #tpu.memory_space<hbm>> -> memref<10000x64xf32, #tpu.memory_space<hbm>>
        %dma_wait3A_106 = arith.constant 9984 : i32
        %dma_wait3A_107 = arith.constant 0 : i32
        %dma_wait3A_108 = tpu.memref_slice %dma_wait3A_105[%dma_wait3A_106, %dma_wait3A_107] : memref<10000x64xf32, #tpu.memory_space<hbm>> -> memref<16x64xf32, #tpu.memory_space<hbm>>
        tpu.wait_dma2 semaphore(%run_scoped3A_89 : memref<!tpu.dma_semaphore, #tpu.memory_space<semaphore_mem>>) src(%dma_wait3A_108 : memref<16x64xf32, #tpu.memory_space<hbm>>) dst(%dma_wait3A_101 : memref<16x64xf32, #tpu.memory_space<vmem_shared>>)
        tpu.yield
      }) : () -> ()
    } else {
    }
    %barrier3A = arith.constant 0 : index
    tpu.barrier barrier_id(%barrier3A)
    %dma_start3A = arith.constant 0 : i32
    %dma_start3A_4 = arith.constant 0 : i32
    %dma_start3A_5 = arith.constant 0 : i32
    %dma_start3A_6 = arith.constant 0 : i32
    %dma_start3A_7 = arith.constant 0 : i32
    %dma_start3A_8 = tpu.memref_slice %arg7[%dma_start3A_4, %dma_start3A_6, %dma_start3A_7] : memref<4x125x64xf32, #tpu.memory_space<vmem>> -> memref<1x125x64xf32, #tpu.memory_space<vmem>>
    %dma_start3A_9 = tpu.memref_squeeze %dma_start3A_8 : memref<1x125x64xf32, #tpu.memory_space<vmem>> -> memref<125x64xf32, #tpu.memory_space<vmem>>
    %dma_start3A_10 = arith.constant 0 : i32
    %dma_start3A_11 = tpu.memref_slice %arg5[%dma_start3A, %dma_start3A_10] : memref<160x125xi32, #tpu.memory_space<vmem>> -> memref<1x125xi32, #tpu.memory_space<vmem>>
    %dma_start3A_12 = tpu.memref_squeeze %dma_start3A_11 : memref<1x125xi32, #tpu.memory_space<vmem>> -> memref<125xi32, #tpu.memory_space<vmem>>
    %dma_start3A_13 = arith.constant 0 : i32
    %dma_start3A_14 = arith.constant 0 : i32
    %dma_start3A_15 = tpu.memref_slice %arg2[%arg0, %dma_start3A_13, %dma_start3A_14] : memref<2x10000x64xf32, #tpu.memory_space<hbm>> -> memref<1x10000x64xf32, #tpu.memory_space<hbm>>
    %dma_start3A_16 = tpu.memref_squeeze %dma_start3A_15 : memref<1x10000x64xf32, #tpu.memory_space<hbm>> -> memref<10000x64xf32, #tpu.memory_space<hbm>>
    %dma_start3A_17 = arith.constant 0 : i32
    %dma_start3A_18 = arith.constant 0 : i32
    %dma_start3A_19 = tpu.memref_slice %dma_start3A_16[%dma_start3A_17, %dma_start3A_18] : memref<10000x64xf32, #tpu.memory_space<hbm>> -> memref<10000x64xf32, #tpu.memory_space<hbm>>
    %dma_start3A_20 = tpu.memref_slice %arg9[%dma_start3A_5] : memref<4x!tpu.dma_semaphore, #tpu.memory_space<semaphore_mem>> -> memref<1x!tpu.dma_semaphore, #tpu.memory_space<semaphore_mem>>
    %dma_start3A_21 = tpu.memref_squeeze %dma_start3A_20 : memref<1x!tpu.dma_semaphore, #tpu.memory_space<semaphore_mem>> -> memref<!tpu.dma_semaphore, #tpu.memory_space<semaphore_mem>>
    tpu.enqueue_indirect_dma source(%dma_start3A_19 : memref<10000x64xf32, #tpu.memory_space<hbm>>) target(%dma_start3A_9 : memref<125x64xf32, #tpu.memory_space<vmem>>) offsets(%dma_start3A_12 : memref<125xi32, #tpu.memory_space<vmem>>) semaphore(%dma_start3A_21 : memref<!tpu.dma_semaphore, #tpu.memory_space<semaphore_mem>>)
    %dma_start3A_22 = arith.constant 1 : i32
    %dma_start3A_23 = arith.constant 1 : i32
    %dma_start3A_24 = arith.constant 1 : i32
    %dma_start3A_25 = arith.constant 0 : i32
    %dma_start3A_26 = arith.constant 0 : i32
    %dma_start3A_27 = tpu.memref_slice %arg7[%dma_start3A_23, %dma_start3A_25, %dma_start3A_26] : memref<4x125x64xf32, #tpu.memory_space<vmem>> -> memref<1x125x64xf32, #tpu.memory_space<vmem>>
    %dma_start3A_28 = tpu.memref_squeeze %dma_start3A_27 : memref<1x125x64xf32, #tpu.memory_space<vmem>> -> memref<125x64xf32, #tpu.memory_space<vmem>>
    %dma_start3A_29 = arith.constant 0 : i32
    %dma_start3A_30 = tpu.memref_slice %arg5[%dma_start3A_22, %dma_start3A_29] : memref<160x125xi32, #tpu.memory_space<vmem>> -> memref<1x125xi32, #tpu.memory_space<vmem>>
    %dma_start3A_31 = tpu.memref_squeeze %dma_start3A_30 : memref<1x125xi32, #tpu.memory_space<vmem>> -> memref<125xi32, #tpu.memory_space<vmem>>
    %dma_start3A_32 = arith.constant 0 : i32
    %dma_start3A_33 = arith.constant 0 : i32
    %dma_start3A_34 = tpu.memref_slice %arg2[%arg0, %dma_start3A_32, %dma_start3A_33] : memref<2x10000x64xf32, #tpu.memory_space<hbm>> -> memref<1x10000x64xf32, #tpu.memory_space<hbm>>
    %dma_start3A_35 = tpu.memref_squeeze %dma_start3A_34 : memref<1x10000x64xf32, #tpu.memory_space<hbm>> -> memref<10000x64xf32, #tpu.memory_space<hbm>>
    %dma_start3A_36 = arith.constant 0 : i32
    %dma_start3A_37 = arith.constant 0 : i32
    %dma_start3A_38 = tpu.memref_slice %dma_start3A_35[%dma_start3A_36, %dma_start3A_37] : memref<10000x64xf32, #tpu.memory_space<hbm>> -> memref<10000x64xf32, #tpu.memory_space<hbm>>
    %dma_start3A_39 = tpu.memref_slice %arg9[%dma_start3A_24] : memref<4x!tpu.dma_semaphore, #tpu.memory_space<semaphore_mem>> -> memref<1x!tpu.dma_semaphore, #tpu.memory_space<semaphore_mem>>
    %dma_start3A_40 = tpu.memref_squeeze %dma_start3A_39 : memref<1x!tpu.dma_semaphore, #tpu.memory_space<semaphore_mem>> -> memref<!tpu.dma_semaphore, #tpu.memory_space<semaphore_mem>>
    tpu.enqueue_indirect_dma source(%dma_start3A_38 : memref<10000x64xf32, #tpu.memory_space<hbm>>) target(%dma_start3A_28 : memref<125x64xf32, #tpu.memory_space<vmem>>) offsets(%dma_start3A_31 : memref<125xi32, #tpu.memory_space<vmem>>) semaphore(%dma_start3A_40 : memref<!tpu.dma_semaphore, #tpu.memory_space<semaphore_mem>>)
    %dma_start3A_41 = arith.constant 2 : i32
    %dma_start3A_42 = arith.constant 2 : i32
    %dma_start3A_43 = arith.constant 2 : i32
    %dma_start3A_44 = arith.constant 0 : i32
    %dma_start3A_45 = arith.constant 0 : i32
    %dma_start3A_46 = tpu.memref_slice %arg7[%dma_start3A_42, %dma_start3A_44, %dma_start3A_45] : memref<4x125x64xf32, #tpu.memory_space<vmem>> -> memref<1x125x64xf32, #tpu.memory_space<vmem>>
    %dma_start3A_47 = tpu.memref_squeeze %dma_start3A_46 : memref<1x125x64xf32, #tpu.memory_space<vmem>> -> memref<125x64xf32, #tpu.memory_space<vmem>>
    %dma_start3A_48 = arith.constant 0 : i32
    %dma_start3A_49 = tpu.memref_slice %arg5[%dma_start3A_41, %dma_start3A_48] : memref<160x125xi32, #tpu.memory_space<vmem>> -> memref<1x125xi32, #tpu.memory_space<vmem>>
    %dma_start3A_50 = tpu.memref_squeeze %dma_start3A_49 : memref<1x125xi32, #tpu.memory_space<vmem>> -> memref<125xi32, #tpu.memory_space<vmem>>
    %dma_start3A_51 = arith.constant 0 : i32
    %dma_start3A_52 = arith.constant 0 : i32
    %dma_start3A_53 = tpu.memref_slice %arg2[%arg0, %dma_start3A_51, %dma_start3A_52] : memref<2x10000x64xf32, #tpu.memory_space<hbm>> -> memref<1x10000x64xf32, #tpu.memory_space<hbm>>
    %dma_start3A_54 = tpu.memref_squeeze %dma_start3A_53 : memref<1x10000x64xf32, #tpu.memory_space<hbm>> -> memref<10000x64xf32, #tpu.memory_space<hbm>>
    %dma_start3A_55 = arith.constant 0 : i32
    %dma_start3A_56 = arith.constant 0 : i32
    %dma_start3A_57 = tpu.memref_slice %dma_start3A_54[%dma_start3A_55, %dma_start3A_56] : memref<10000x64xf32, #tpu.memory_space<hbm>> -> memref<10000x64xf32, #tpu.memory_space<hbm>>
    %dma_start3A_58 = tpu.memref_slice %arg9[%dma_start3A_43] : memref<4x!tpu.dma_semaphore, #tpu.memory_space<semaphore_mem>> -> memref<1x!tpu.dma_semaphore, #tpu.memory_space<semaphore_mem>>
    %dma_start3A_59 = tpu.memref_squeeze %dma_start3A_58 : memref<1x!tpu.dma_semaphore, #tpu.memory_space<semaphore_mem>> -> memref<!tpu.dma_semaphore, #tpu.memory_space<semaphore_mem>>
    tpu.enqueue_indirect_dma source(%dma_start3A_57 : memref<10000x64xf32, #tpu.memory_space<hbm>>) target(%dma_start3A_47 : memref<125x64xf32, #tpu.memory_space<vmem>>) offsets(%dma_start3A_50 : memref<125xi32, #tpu.memory_space<vmem>>) semaphore(%dma_start3A_59 : memref<!tpu.dma_semaphore, #tpu.memory_space<semaphore_mem>>)
    %dma_start3A_60 = arith.constant 3 : i32
    %dma_start3A_61 = arith.constant 3 : i32
    %dma_start3A_62 = arith.constant 3 : i32
    %dma_start3A_63 = arith.constant 0 : i32
    %dma_start3A_64 = arith.constant 0 : i32
    %dma_start3A_65 = tpu.memref_slice %arg7[%dma_start3A_61, %dma_start3A_63, %dma_start3A_64] : memref<4x125x64xf32, #tpu.memory_space<vmem>> -> memref<1x125x64xf32, #tpu.memory_space<vmem>>
    %dma_start3A_66 = tpu.memref_squeeze %dma_start3A_65 : memref<1x125x64xf32, #tpu.memory_space<vmem>> -> memref<125x64xf32, #tpu.memory_space<vmem>>
    %dma_start3A_67 = arith.constant 0 : i32
    %dma_start3A_68 = tpu.memref_slice %arg5[%dma_start3A_60, %dma_start3A_67] : memref<160x125xi32, #tpu.memory_space<vmem>> -> memref<1x125xi32, #tpu.memory_space<vmem>>
    %dma_start3A_69 = tpu.memref_squeeze %dma_start3A_68 : memref<1x125xi32, #tpu.memory_space<vmem>> -> memref<125xi32, #tpu.memory_space<vmem>>
    %dma_start3A_70 = arith.constant 0 : i32
    %dma_start3A_71 = arith.constant 0 : i32
    %dma_start3A_72 = tpu.memref_slice %arg2[%arg0, %dma_start3A_70, %dma_start3A_71] : memref<2x10000x64xf32, #tpu.memory_space<hbm>> -> memref<1x10000x64xf32, #tpu.memory_space<hbm>>
    %dma_start3A_73 = tpu.memref_squeeze %dma_start3A_72 : memref<1x10000x64xf32, #tpu.memory_space<hbm>> -> memref<10000x64xf32, #tpu.memory_space<hbm>>
    %dma_start3A_74 = arith.constant 0 : i32
    %dma_start3A_75 = arith.constant 0 : i32
    %dma_start3A_76 = tpu.memref_slice %dma_start3A_73[%dma_start3A_74, %dma_start3A_75] : memref<10000x64xf32, #tpu.memory_space<hbm>> -> memref<10000x64xf32, #tpu.memory_space<hbm>>
    %dma_start3A_77 = tpu.memref_slice %arg9[%dma_start3A_62] : memref<4x!tpu.dma_semaphore, #tpu.memory_space<semaphore_mem>> -> memref<1x!tpu.dma_semaphore, #tpu.memory_space<semaphore_mem>>
    %dma_start3A_78 = tpu.memref_squeeze %dma_start3A_77 : memref<1x!tpu.dma_semaphore, #tpu.memory_space<semaphore_mem>> -> memref<!tpu.dma_semaphore, #tpu.memory_space<semaphore_mem>>
    tpu.enqueue_indirect_dma source(%dma_start3A_76 : memref<10000x64xf32, #tpu.memory_space<hbm>>) target(%dma_start3A_66 : memref<125x64xf32, #tpu.memory_space<vmem>>) offsets(%dma_start3A_69 : memref<125xi32, #tpu.memory_space<vmem>>) semaphore(%dma_start3A_78 : memref<!tpu.dma_semaphore, #tpu.memory_space<semaphore_mem>>)
    %scan3A = arith.constant 0 : i32
    %scan3A_79 = arith.constant 40 : i32
    %scan3A_80 = arith.addi %scan3A, %scan3A_79 : i32
    %scan3A_81 = arith.constant 1 : i32
    scf.for %scan3A_89 = %scan3A to %scan3A_80 step %scan3A_81  : i32 {
      %mul3A_90 = arith.constant 4 : i32
      %mul3A_91 = arith.muli %scan3A_89, %mul3A_90 : i32
      %add3A = arith.constant 0 : i32
      %add3A_92 = arith.addi %add3A, %mul3A_91 : i32
      %add3A_93 = arith.constant 0 : i32
      %add3A_94 = arith.addi %add3A_92, %add3A_93 : i32
      %dma_wait3A = arith.constant 0 : i32
      %dma_wait3A_95 = arith.constant 0 : i32
      %dma_wait3A_96 = arith.constant 0 : i32
      %dma_wait3A_97 = arith.constant 0 : i32
      %dma_wait3A_98 = arith.constant 0 : i32
      %dma_wait3A_99 = tpu.memref_slice %arg7[%dma_wait3A_95, %dma_wait3A_97, %dma_wait3A_98] : memref<4x125x64xf32, #tpu.memory_space<vmem>> -> memref<1x125x64xf32, #tpu.memory_space<vmem>>
      %dma_wait3A_100 = tpu.memref_squeeze %dma_wait3A_99 : memref<1x125x64xf32, #tpu.memory_space<vmem>> -> memref<125x64xf32, #tpu.memory_space<vmem>>
      %dma_wait3A_101 = arith.constant 0 : i32
      %dma_wait3A_102 = tpu.memref_slice %arg5[%dma_wait3A, %dma_wait3A_101] : memref<160x125xi32, #tpu.memory_space<vmem>> -> memref<1x125xi32, #tpu.memory_space<vmem>>
      %dma_wait3A_103 = tpu.memref_squeeze %dma_wait3A_102 : memref<1x125xi32, #tpu.memory_space<vmem>> -> memref<125xi32, #tpu.memory_space<vmem>>
      %dma_wait3A_104 = arith.constant 0 : i32
      %dma_wait3A_105 = arith.constant 0 : i32
      %dma_wait3A_106 = tpu.memref_slice %arg2[%arg0, %dma_wait3A_104, %dma_wait3A_105] : memref<2x10000x64xf32, #tpu.memory_space<hbm>> -> memref<1x10000x64xf32, #tpu.memory_space<hbm>>
      %dma_wait3A_107 = tpu.memref_squeeze %dma_wait3A_106 : memref<1x10000x64xf32, #tpu.memory_space<hbm>> -> memref<10000x64xf32, #tpu.memory_space<hbm>>
      %dma_wait3A_108 = arith.constant 0 : i32
      %dma_wait3A_109 = arith.constant 0 : i32
      %dma_wait3A_110 = tpu.memref_slice %dma_wait3A_107[%dma_wait3A_108, %dma_wait3A_109] : memref<10000x64xf32, #tpu.memory_space<hbm>> -> memref<10000x64xf32, #tpu.memory_space<hbm>>
      %dma_wait3A_111 = tpu.memref_slice %arg9[%dma_wait3A_96] : memref<4x!tpu.dma_semaphore, #tpu.memory_space<semaphore_mem>> -> memref<1x!tpu.dma_semaphore, #tpu.memory_space<semaphore_mem>>
      %dma_wait3A_112 = tpu.memref_squeeze %dma_wait3A_111 : memref<1x!tpu.dma_semaphore, #tpu.memory_space<semaphore_mem>> -> memref<!tpu.dma_semaphore, #tpu.memory_space<semaphore_mem>>
      tpu.wait_indirect_dma semaphore(%dma_wait3A_112 : memref<!tpu.dma_semaphore, #tpu.memory_space<semaphore_mem>>) src(%dma_wait3A_110 : memref<10000x64xf32, #tpu.memory_space<hbm>>) dst(%dma_wait3A_100 : memref<125x64xf32, #tpu.memory_space<vmem>>)
      %run_scoped3A_113 = arith.constant 0 : i32
      "tpu.region"() ({
        %run_scoped3A_207 = tpu.sem_alloc : memref<!tpu.dma_semaphore, #tpu.memory_space<semaphore_mem>>
        %dma_start3A_208 = arith.constant 0 : i32
        %dma_start3A_209 = arith.constant 0 : i32
        %dma_start3A_210 = tpu.memref_slice %arg7[%run_scoped3A_113, %dma_start3A_208, %dma_start3A_209] : memref<4x125x64xf32, #tpu.memory_space<vmem>> -> memref<1x125x64xf32, #tpu.memory_space<vmem>>
        %dma_start3A_211 = tpu.memref_squeeze %dma_start3A_210 : memref<1x125x64xf32, #tpu.memory_space<vmem>> -> memref<125x64xf32, #tpu.memory_space<vmem>>
        %dma_start3A_212 = arith.constant 0 : i32
        %dma_start3A_213 = tpu.memref_slice %arg6[%add3A_94, %dma_start3A_212] : memref<160x125xi32, #tpu.memory_space<vmem>> -> memref<1x125xi32, #tpu.memory_space<vmem>>
        %dma_start3A_214 = tpu.memref_squeeze %dma_start3A_213 : memref<1x125xi32, #tpu.memory_space<vmem>> -> memref<125xi32, #tpu.memory_space<vmem>>
        %dma_start3A_215 = arith.constant 0 : i32
        %dma_start3A_216 = arith.constant 0 : i32
        %dma_start3A_217 = tpu.memref_slice %arg8[%dma_start3A_215, %dma_start3A_216] : memref<10000x64xf32, #tpu.memory_space<vmem_shared>> -> memref<10000x64xf32, #tpu.memory_space<vmem_shared>>
        tpu.enqueue_indirect_dma source(%dma_start3A_211 : memref<125x64xf32, #tpu.memory_space<vmem>>) target(%dma_start3A_217 : memref<10000x64xf32, #tpu.memory_space<vmem_shared>>) offsets(%dma_start3A_214 : memref<125xi32, #tpu.memory_space<vmem>>) semaphore(%run_scoped3A_207 : memref<!tpu.dma_semaphore, #tpu.memory_space<semaphore_mem>>) {add = true}
        %dma_wait3A_218 = arith.constant 0 : i32
        %dma_wait3A_219 = arith.constant 0 : i32
        %dma_wait3A_220 = tpu.memref_slice %arg7[%run_scoped3A_113, %dma_wait3A_218, %dma_wait3A_219] : memref<4x125x64xf32, #tpu.memory_space<vmem>> -> memref<1x125x64xf32, #tpu.memory_space<vmem>>
        %dma_wait3A_221 = tpu.memref_squeeze %dma_wait3A_220 : memref<1x125x64xf32, #tpu.memory_space<vmem>> -> memref<125x64xf32, #tpu.memory_space<vmem>>
        %dma_wait3A_222 = arith.constant 0 : i32
        %dma_wait3A_223 = tpu.memref_slice %arg6[%add3A_94, %dma_wait3A_222] : memref<160x125xi32, #tpu.memory_space<vmem>> -> memref<1x125xi32, #tpu.memory_space<vmem>>
        %dma_wait3A_224 = tpu.memref_squeeze %dma_wait3A_223 : memref<1x125xi32, #tpu.memory_space<vmem>> -> memref<125xi32, #tpu.memory_space<vmem>>
        %dma_wait3A_225 = arith.constant 0 : i32
        %dma_wait3A_226 = arith.constant 0 : i32
        %dma_wait3A_227 = tpu.memref_slice %arg8[%dma_wait3A_225, %dma_wait3A_226] : memref<10000x64xf32, #tpu.memory_space<vmem_shared>> -> memref<10000x64xf32, #tpu.memory_space<vmem_shared>>
        tpu.wait_indirect_dma semaphore(%run_scoped3A_207 : memref<!tpu.dma_semaphore, #tpu.memory_space<semaphore_mem>>) src(%dma_wait3A_221 : memref<125x64xf32, #tpu.memory_space<vmem>>) dst(%dma_wait3A_227 : memref<10000x64xf32, #tpu.memory_space<vmem_shared>>)
        tpu.yield
      }) : () -> ()
      %add3A_114 = arith.constant 4 : i32
      %add3A_115 = arith.addi %add3A_94, %add3A_114 : i32
      %lt3A = arith.constant 160 : i32
      %lt3A_116 = arith.cmpi slt, %add3A_115, %lt3A : i32
      %convert_element_type3A_117 = arith.extui %lt3A_116 : i1 to i32
      %cond3A_118 = arith.constant 0 : i32
      %cond3A_119 = arith.cmpi ne, %convert_element_type3A_117, %cond3A_118 : i32
      scf.if %cond3A_119 {
        %dma_start3A_207 = arith.constant 0 : i32
        %dma_start3A_208 = arith.constant 0 : i32
        %dma_start3A_209 = arith.constant 0 : i32
        %dma_start3A_210 = arith.constant 0 : i32
        %dma_start3A_211 = tpu.memref_slice %arg7[%dma_start3A_207, %dma_start3A_209, %dma_start3A_210] : memref<4x125x64xf32, #tpu.memory_space<vmem>> -> memref<1x125x64xf32, #tpu.memory_space<vmem>>
        %dma_start3A_212 = tpu.memref_squeeze %dma_start3A_211 : memref<1x125x64xf32, #tpu.memory_space<vmem>> -> memref<125x64xf32, #tpu.memory_space<vmem>>
        %dma_start3A_213 = arith.constant 0 : i32
        %dma_start3A_214 = tpu.memref_slice %arg5[%add3A_115, %dma_start3A_213] : memref<160x125xi32, #tpu.memory_space<vmem>> -> memref<1x125xi32, #tpu.memory_space<vmem>>
        %dma_start3A_215 = tpu.memref_squeeze %dma_start3A_214 : memref<1x125xi32, #tpu.memory_space<vmem>> -> memref<125xi32, #tpu.memory_space<vmem>>
        %dma_start3A_216 = arith.constant 0 : i32
        %dma_start3A_217 = arith.constant 0 : i32
        %dma_start3A_218 = tpu.memref_slice %arg2[%arg0, %dma_start3A_216, %dma_start3A_217] : memref<2x10000x64xf32, #tpu.memory_space<hbm>> -> memref<1x10000x64xf32, #tpu.memory_space<hbm>>
        %dma_start3A_219 = tpu.memref_squeeze %dma_start3A_218 : memref<1x10000x64xf32, #tpu.memory_space<hbm>> -> memref<10000x64xf32, #tpu.memory_space<hbm>>
        %dma_start3A_220 = arith.constant 0 : i32
        %dma_start3A_221 = arith.constant 0 : i32
        %dma_start3A_222 = tpu.memref_slice %dma_start3A_219[%dma_start3A_220, %dma_start3A_221] : memref<10000x64xf32, #tpu.memory_space<hbm>> -> memref<10000x64xf32, #tpu.memory_space<hbm>>
        %dma_start3A_223 = tpu.memref_slice %arg9[%dma_start3A_208] : memref<4x!tpu.dma_semaphore, #tpu.memory_space<semaphore_mem>> -> memref<1x!tpu.dma_semaphore, #tpu.memory_space<semaphore_mem>>
        %dma_start3A_224 = tpu.memref_squeeze %dma_start3A_223 : memref<1x!tpu.dma_semaphore, #tpu.memory_space<semaphore_mem>> -> memref<!tpu.dma_semaphore, #tpu.memory_space<semaphore_mem>>
        tpu.enqueue_indirect_dma source(%dma_start3A_222 : memref<10000x64xf32, #tpu.memory_space<hbm>>) target(%dma_start3A_212 : memref<125x64xf32, #tpu.memory_space<vmem>>) offsets(%dma_start3A_215 : memref<125xi32, #tpu.memory_space<vmem>>) semaphore(%dma_start3A_224 : memref<!tpu.dma_semaphore, #tpu.memory_space<semaphore_mem>>)
      } else {
      }
      %add3A_120 = arith.constant 1 : i32
      %add3A_121 = arith.addi %add3A_92, %add3A_120 : i32
      %dma_wait3A_122 = arith.constant 1 : i32
      %dma_wait3A_123 = arith.constant 1 : i32
      %dma_wait3A_124 = arith.constant 1 : i32
      %dma_wait3A_125 = arith.constant 0 : i32
      %dma_wait3A_126 = arith.constant 0 : i32
      %dma_wait3A_127 = tpu.memref_slice %arg7[%dma_wait3A_123, %dma_wait3A_125, %dma_wait3A_126] : memref<4x125x64xf32, #tpu.memory_space<vmem>> -> memref<1x125x64xf32, #tpu.memory_space<vmem>>
      %dma_wait3A_128 = tpu.memref_squeeze %dma_wait3A_127 : memref<1x125x64xf32, #tpu.memory_space<vmem>> -> memref<125x64xf32, #tpu.memory_space<vmem>>
      %dma_wait3A_129 = arith.constant 0 : i32
      %dma_wait3A_130 = tpu.memref_slice %arg5[%dma_wait3A_122, %dma_wait3A_129] : memref<160x125xi32, #tpu.memory_space<vmem>> -> memref<1x125xi32, #tpu.memory_space<vmem>>
      %dma_wait3A_131 = tpu.memref_squeeze %dma_wait3A_130 : memref<1x125xi32, #tpu.memory_space<vmem>> -> memref<125xi32, #tpu.memory_space<vmem>>
      %dma_wait3A_132 = arith.constant 0 : i32
      %dma_wait3A_133 = arith.constant 0 : i32
      %dma_wait3A_134 = tpu.memref_slice %arg2[%arg0, %dma_wait3A_132, %dma_wait3A_133] : memref<2x10000x64xf32, #tpu.memory_space<hbm>> -> memref<1x10000x64xf32, #tpu.memory_space<hbm>>
      %dma_wait3A_135 = tpu.memref_squeeze %dma_wait3A_134 : memref<1x10000x64xf32, #tpu.memory_space<hbm>> -> memref<10000x64xf32, #tpu.memory_space<hbm>>
      %dma_wait3A_136 = arith.constant 0 : i32
      %dma_wait3A_137 = arith.constant 0 : i32
      %dma_wait3A_138 = tpu.memref_slice %dma_wait3A_135[%dma_wait3A_136, %dma_wait3A_137] : memref<10000x64xf32, #tpu.memory_space<hbm>> -> memref<10000x64xf32, #tpu.memory_space<hbm>>
      %dma_wait3A_139 = tpu.memref_slice %arg9[%dma_wait3A_124] : memref<4x!tpu.dma_semaphore, #tpu.memory_space<semaphore_mem>> -> memref<1x!tpu.dma_semaphore, #tpu.memory_space<semaphore_mem>>
      %dma_wait3A_140 = tpu.memref_squeeze %dma_wait3A_139 : memref<1x!tpu.dma_semaphore, #tpu.memory_space<semaphore_mem>> -> memref<!tpu.dma_semaphore, #tpu.memory_space<semaphore_mem>>
      tpu.wait_indirect_dma semaphore(%dma_wait3A_140 : memref<!tpu.dma_semaphore, #tpu.memory_space<semaphore_mem>>) src(%dma_wait3A_138 : memref<10000x64xf32, #tpu.memory_space<hbm>>) dst(%dma_wait3A_128 : memref<125x64xf32, #tpu.memory_space<vmem>>)
      %run_scoped3A_141 = arith.constant 1 : i32
      "tpu.region"() ({
        %run_scoped3A_207 = tpu.sem_alloc : memref<!tpu.dma_semaphore, #tpu.memory_space<semaphore_mem>>
        %dma_start3A_208 = arith.constant 0 : i32
        %dma_start3A_209 = arith.constant 0 : i32
        %dma_start3A_210 = tpu.memref_slice %arg7[%run_scoped3A_141, %dma_start3A_208, %dma_start3A_209] : memref<4x125x64xf32, #tpu.memory_space<vmem>> -> memref<1x125x64xf32, #tpu.memory_space<vmem>>
        %dma_start3A_211 = tpu.memref_squeeze %dma_start3A_210 : memref<1x125x64xf32, #tpu.memory_space<vmem>> -> memref<125x64xf32, #tpu.memory_space<vmem>>
        %dma_start3A_212 = arith.constant 0 : i32
        %dma_start3A_213 = tpu.memref_slice %arg6[%add3A_121, %dma_start3A_212] : memref<160x125xi32, #tpu.memory_space<vmem>> -> memref<1x125xi32, #tpu.memory_space<vmem>>
        %dma_start3A_214 = tpu.memref_squeeze %dma_start3A_213 : memref<1x125xi32, #tpu.memory_space<vmem>> -> memref<125xi32, #tpu.memory_space<vmem>>
        %dma_start3A_215 = arith.constant 0 : i32
        %dma_start3A_216 = arith.constant 0 : i32
        %dma_start3A_217 = tpu.memref_slice %arg8[%dma_start3A_215, %dma_start3A_216] : memref<10000x64xf32, #tpu.memory_space<vmem_shared>> -> memref<10000x64xf32, #tpu.memory_space<vmem_shared>>
        tpu.enqueue_indirect_dma source(%dma_start3A_211 : memref<125x64xf32, #tpu.memory_space<vmem>>) target(%dma_start3A_217 : memref<10000x64xf32, #tpu.memory_space<vmem_shared>>) offsets(%dma_start3A_214 : memref<125xi32, #tpu.memory_space<vmem>>) semaphore(%run_scoped3A_207 : memref<!tpu.dma_semaphore, #tpu.memory_space<semaphore_mem>>) {add = true}
        %dma_wait3A_218 = arith.constant 0 : i32
        %dma_wait3A_219 = arith.constant 0 : i32
        %dma_wait3A_220 = tpu.memref_slice %arg7[%run_scoped3A_141, %dma_wait3A_218, %dma_wait3A_219] : memref<4x125x64xf32, #tpu.memory_space<vmem>> -> memref<1x125x64xf32, #tpu.memory_space<vmem>>
        %dma_wait3A_221 = tpu.memref_squeeze %dma_wait3A_220 : memref<1x125x64xf32, #tpu.memory_space<vmem>> -> memref<125x64xf32, #tpu.memory_space<vmem>>
        %dma_wait3A_222 = arith.constant 0 : i32
        %dma_wait3A_223 = tpu.memref_slice %arg6[%add3A_121, %dma_wait3A_222] : memref<160x125xi32, #tpu.memory_space<vmem>> -> memref<1x125xi32, #tpu.memory_space<vmem>>
        %dma_wait3A_224 = tpu.memref_squeeze %dma_wait3A_223 : memref<1x125xi32, #tpu.memory_space<vmem>> -> memref<125xi32, #tpu.memory_space<vmem>>
        %dma_wait3A_225 = arith.constant 0 : i32
        %dma_wait3A_226 = arith.constant 0 : i32
        %dma_wait3A_227 = tpu.memref_slice %arg8[%dma_wait3A_225, %dma_wait3A_226] : memref<10000x64xf32, #tpu.memory_space<vmem_shared>> -> memref<10000x64xf32, #tpu.memory_space<vmem_shared>>
        tpu.wait_indirect_dma semaphore(%run_scoped3A_207 : memref<!tpu.dma_semaphore, #tpu.memory_space<semaphore_mem>>) src(%dma_wait3A_221 : memref<125x64xf32, #tpu.memory_space<vmem>>) dst(%dma_wait3A_227 : memref<10000x64xf32, #tpu.memory_space<vmem_shared>>)
        tpu.yield
      }) : () -> ()
      %add3A_142 = arith.constant 4 : i32
      %add3A_143 = arith.addi %add3A_121, %add3A_142 : i32
      %lt3A_144 = arith.constant 160 : i32
      %lt3A_145 = arith.cmpi slt, %add3A_143, %lt3A_144 : i32
      %convert_element_type3A_146 = arith.extui %lt3A_145 : i1 to i32
      %cond3A_147 = arith.constant 0 : i32
      %cond3A_148 = arith.cmpi ne, %convert_element_type3A_146, %cond3A_147 : i32
      scf.if %cond3A_148 {
        %dma_start3A_207 = arith.constant 1 : i32
        %dma_start3A_208 = arith.constant 1 : i32
        %dma_start3A_209 = arith.constant 0 : i32
        %dma_start3A_210 = arith.constant 0 : i32
        %dma_start3A_211 = tpu.memref_slice %arg7[%dma_start3A_207, %dma_start3A_209, %dma_start3A_210] : memref<4x125x64xf32, #tpu.memory_space<vmem>> -> memref<1x125x64xf32, #tpu.memory_space<vmem>>
        %dma_start3A_212 = tpu.memref_squeeze %dma_start3A_211 : memref<1x125x64xf32, #tpu.memory_space<vmem>> -> memref<125x64xf32, #tpu.memory_space<vmem>>
        %dma_start3A_213 = arith.constant 0 : i32
        %dma_start3A_214 = tpu.memref_slice %arg5[%add3A_143, %dma_start3A_213] : memref<160x125xi32, #tpu.memory_space<vmem>> -> memref<1x125xi32, #tpu.memory_space<vmem>>
        %dma_start3A_215 = tpu.memref_squeeze %dma_start3A_214 : memref<1x125xi32, #tpu.memory_space<vmem>> -> memref<125xi32, #tpu.memory_space<vmem>>
        %dma_start3A_216 = arith.constant 0 : i32
        %dma_start3A_217 = arith.constant 0 : i32
        %dma_start3A_218 = tpu.memref_slice %arg2[%arg0, %dma_start3A_216, %dma_start3A_217] : memref<2x10000x64xf32, #tpu.memory_space<hbm>> -> memref<1x10000x64xf32, #tpu.memory_space<hbm>>
        %dma_start3A_219 = tpu.memref_squeeze %dma_start3A_218 : memref<1x10000x64xf32, #tpu.memory_space<hbm>> -> memref<10000x64xf32, #tpu.memory_space<hbm>>
        %dma_start3A_220 = arith.constant 0 : i32
        %dma_start3A_221 = arith.constant 0 : i32
        %dma_start3A_222 = tpu.memref_slice %dma_start3A_219[%dma_start3A_220, %dma_start3A_221] : memref<10000x64xf32, #tpu.memory_space<hbm>> -> memref<10000x64xf32, #tpu.memory_space<hbm>>
        %dma_start3A_223 = tpu.memref_slice %arg9[%dma_start3A_208] : memref<4x!tpu.dma_semaphore, #tpu.memory_space<semaphore_mem>> -> memref<1x!tpu.dma_semaphore, #tpu.memory_space<semaphore_mem>>
        %dma_start3A_224 = tpu.memref_squeeze %dma_start3A_223 : memref<1x!tpu.dma_semaphore, #tpu.memory_space<semaphore_mem>> -> memref<!tpu.dma_semaphore, #tpu.memory_space<semaphore_mem>>
        tpu.enqueue_indirect_dma source(%dma_start3A_222 : memref<10000x64xf32, #tpu.memory_space<hbm>>) target(%dma_start3A_212 : memref<125x64xf32, #tpu.memory_space<vmem>>) offsets(%dma_start3A_215 : memref<125xi32, #tpu.memory_space<vmem>>) semaphore(%dma_start3A_224 : memref<!tpu.dma_semaphore, #tpu.memory_space<semaphore_mem>>)
      } else {
      }
      %add3A_149 = arith.constant 2 : i32
      %add3A_150 = arith.addi %add3A_92, %add3A_149 : i32
      %dma_wait3A_151 = arith.constant 2 : i32
      %dma_wait3A_152 = arith.constant 2 : i32
      %dma_wait3A_153 = arith.constant 2 : i32
      %dma_wait3A_154 = arith.constant 0 : i32
      %dma_wait3A_155 = arith.constant 0 : i32
      %dma_wait3A_156 = tpu.memref_slice %arg7[%dma_wait3A_152, %dma_wait3A_154, %dma_wait3A_155] : memref<4x125x64xf32, #tpu.memory_space<vmem>> -> memref<1x125x64xf32, #tpu.memory_space<vmem>>
      %dma_wait3A_157 = tpu.memref_squeeze %dma_wait3A_156 : memref<1x125x64xf32, #tpu.memory_space<vmem>> -> memref<125x64xf32, #tpu.memory_space<vmem>>
      %dma_wait3A_158 = arith.constant 0 : i32
      %dma_wait3A_159 = tpu.memref_slice %arg5[%dma_wait3A_151, %dma_wait3A_158] : memref<160x125xi32, #tpu.memory_space<vmem>> -> memref<1x125xi32, #tpu.memory_space<vmem>>
      %dma_wait3A_160 = tpu.memref_squeeze %dma_wait3A_159 : memref<1x125xi32, #tpu.memory_space<vmem>> -> memref<125xi32, #tpu.memory_space<vmem>>
      %dma_wait3A_161 = arith.constant 0 : i32
      %dma_wait3A_162 = arith.constant 0 : i32
      %dma_wait3A_163 = tpu.memref_slice %arg2[%arg0, %dma_wait3A_161, %dma_wait3A_162] : memref<2x10000x64xf32, #tpu.memory_space<hbm>> -> memref<1x10000x64xf32, #tpu.memory_space<hbm>>
      %dma_wait3A_164 = tpu.memref_squeeze %dma_wait3A_163 : memref<1x10000x64xf32, #tpu.memory_space<hbm>> -> memref<10000x64xf32, #tpu.memory_space<hbm>>
      %dma_wait3A_165 = arith.constant 0 : i32
      %dma_wait3A_166 = arith.constant 0 : i32
      %dma_wait3A_167 = tpu.memref_slice %dma_wait3A_164[%dma_wait3A_165, %dma_wait3A_166] : memref<10000x64xf32, #tpu.memory_space<hbm>> -> memref<10000x64xf32, #tpu.memory_space<hbm>>
      %dma_wait3A_168 = tpu.memref_slice %arg9[%dma_wait3A_153] : memref<4x!tpu.dma_semaphore, #tpu.memory_space<semaphore_mem>> -> memref<1x!tpu.dma_semaphore, #tpu.memory_space<semaphore_mem>>
      %dma_wait3A_169 = tpu.memref_squeeze %dma_wait3A_168 : memref<1x!tpu.dma_semaphore, #tpu.memory_space<semaphore_mem>> -> memref<!tpu.dma_semaphore, #tpu.memory_space<semaphore_mem>>
      tpu.wait_indirect_dma semaphore(%dma_wait3A_169 : memref<!tpu.dma_semaphore, #tpu.memory_space<semaphore_mem>>) src(%dma_wait3A_167 : memref<10000x64xf32, #tpu.memory_space<hbm>>) dst(%dma_wait3A_157 : memref<125x64xf32, #tpu.memory_space<vmem>>)
      %run_scoped3A_170 = arith.constant 2 : i32
      "tpu.region"() ({
        %run_scoped3A_207 = tpu.sem_alloc : memref<!tpu.dma_semaphore, #tpu.memory_space<semaphore_mem>>
        %dma_start3A_208 = arith.constant 0 : i32
        %dma_start3A_209 = arith.constant 0 : i32
        %dma_start3A_210 = tpu.memref_slice %arg7[%run_scoped3A_170, %dma_start3A_208, %dma_start3A_209] : memref<4x125x64xf32, #tpu.memory_space<vmem>> -> memref<1x125x64xf32, #tpu.memory_space<vmem>>
        %dma_start3A_211 = tpu.memref_squeeze %dma_start3A_210 : memref<1x125x64xf32, #tpu.memory_space<vmem>> -> memref<125x64xf32, #tpu.memory_space<vmem>>
        %dma_start3A_212 = arith.constant 0 : i32
        %dma_start3A_213 = tpu.memref_slice %arg6[%add3A_150, %dma_start3A_212] : memref<160x125xi32, #tpu.memory_space<vmem>> -> memref<1x125xi32, #tpu.memory_space<vmem>>
        %dma_start3A_214 = tpu.memref_squeeze %dma_start3A_213 : memref<1x125xi32, #tpu.memory_space<vmem>> -> memref<125xi32, #tpu.memory_space<vmem>>
        %dma_start3A_215 = arith.constant 0 : i32
        %dma_start3A_216 = arith.constant 0 : i32
        %dma_start3A_217 = tpu.memref_slice %arg8[%dma_start3A_215, %dma_start3A_216] : memref<10000x64xf32, #tpu.memory_space<vmem_shared>> -> memref<10000x64xf32, #tpu.memory_space<vmem_shared>>
        tpu.enqueue_indirect_dma source(%dma_start3A_211 : memref<125x64xf32, #tpu.memory_space<vmem>>) target(%dma_start3A_217 : memref<10000x64xf32, #tpu.memory_space<vmem_shared>>) offsets(%dma_start3A_214 : memref<125xi32, #tpu.memory_space<vmem>>) semaphore(%run_scoped3A_207 : memref<!tpu.dma_semaphore, #tpu.memory_space<semaphore_mem>>) {add = true}
        %dma_wait3A_218 = arith.constant 0 : i32
        %dma_wait3A_219 = arith.constant 0 : i32
        %dma_wait3A_220 = tpu.memref_slice %arg7[%run_scoped3A_170, %dma_wait3A_218, %dma_wait3A_219] : memref<4x125x64xf32, #tpu.memory_space<vmem>> -> memref<1x125x64xf32, #tpu.memory_space<vmem>>
        %dma_wait3A_221 = tpu.memref_squeeze %dma_wait3A_220 : memref<1x125x64xf32, #tpu.memory_space<vmem>> -> memref<125x64xf32, #tpu.memory_space<vmem>>
        %dma_wait3A_222 = arith.constant 0 : i32
        %dma_wait3A_223 = tpu.memref_slice %arg6[%add3A_150, %dma_wait3A_222] : memref<160x125xi32, #tpu.memory_space<vmem>> -> memref<1x125xi32, #tpu.memory_space<vmem>>
        %dma_wait3A_224 = tpu.memref_squeeze %dma_wait3A_223 : memref<1x125xi32, #tpu.memory_space<vmem>> -> memref<125xi32, #tpu.memory_space<vmem>>
        %dma_wait3A_225 = arith.constant 0 : i32
        %dma_wait3A_226 = arith.constant 0 : i32
        %dma_wait3A_227 = tpu.memref_slice %arg8[%dma_wait3A_225, %dma_wait3A_226] : memref<10000x64xf32, #tpu.memory_space<vmem_shared>> -> memref<10000x64xf32, #tpu.memory_space<vmem_shared>>
        tpu.wait_indirect_dma semaphore(%run_scoped3A_207 : memref<!tpu.dma_semaphore, #tpu.memory_space<semaphore_mem>>) src(%dma_wait3A_221 : memref<125x64xf32, #tpu.memory_space<vmem>>) dst(%dma_wait3A_227 : memref<10000x64xf32, #tpu.memory_space<vmem_shared>>)
        tpu.yield
      }) : () -> ()
      %add3A_171 = arith.constant 4 : i32
      %add3A_172 = arith.addi %add3A_150, %add3A_171 : i32
      %lt3A_173 = arith.constant 160 : i32
      %lt3A_174 = arith.cmpi slt, %add3A_172, %lt3A_173 : i32
      %convert_element_type3A_175 = arith.extui %lt3A_174 : i1 to i32
      %cond3A_176 = arith.constant 0 : i32
      %cond3A_177 = arith.cmpi ne, %convert_element_type3A_175, %cond3A_176 : i32
      scf.if %cond3A_177 {
        %dma_start3A_207 = arith.constant 2 : i32
        %dma_start3A_208 = arith.constant 2 : i32
        %dma_start3A_209 = arith.constant 0 : i32
        %dma_start3A_210 = arith.constant 0 : i32
        %dma_start3A_211 = tpu.memref_slice %arg7[%dma_start3A_207, %dma_start3A_209, %dma_start3A_210] : memref<4x125x64xf32, #tpu.memory_space<vmem>> -> memref<1x125x64xf32, #tpu.memory_space<vmem>>
        %dma_start3A_212 = tpu.memref_squeeze %dma_start3A_211 : memref<1x125x64xf32, #tpu.memory_space<vmem>> -> memref<125x64xf32, #tpu.memory_space<vmem>>
        %dma_start3A_213 = arith.constant 0 : i32
        %dma_start3A_214 = tpu.memref_slice %arg5[%add3A_172, %dma_start3A_213] : memref<160x125xi32, #tpu.memory_space<vmem>> -> memref<1x125xi32, #tpu.memory_space<vmem>>
        %dma_start3A_215 = tpu.memref_squeeze %dma_start3A_214 : memref<1x125xi32, #tpu.memory_space<vmem>> -> memref<125xi32, #tpu.memory_space<vmem>>
        %dma_start3A_216 = arith.constant 0 : i32
        %dma_start3A_217 = arith.constant 0 : i32
        %dma_start3A_218 = tpu.memref_slice %arg2[%arg0, %dma_start3A_216, %dma_start3A_217] : memref<2x10000x64xf32, #tpu.memory_space<hbm>> -> memref<1x10000x64xf32, #tpu.memory_space<hbm>>
        %dma_start3A_219 = tpu.memref_squeeze %dma_start3A_218 : memref<1x10000x64xf32, #tpu.memory_space<hbm>> -> memref<10000x64xf32, #tpu.memory_space<hbm>>
        %dma_start3A_220 = arith.constant 0 : i32
        %dma_start3A_221 = arith.constant 0 : i32
        %dma_start3A_222 = tpu.memref_slice %dma_start3A_219[%dma_start3A_220, %dma_start3A_221] : memref<10000x64xf32, #tpu.memory_space<hbm>> -> memref<10000x64xf32, #tpu.memory_space<hbm>>
        %dma_start3A_223 = tpu.memref_slice %arg9[%dma_start3A_208] : memref<4x!tpu.dma_semaphore, #tpu.memory_space<semaphore_mem>> -> memref<1x!tpu.dma_semaphore, #tpu.memory_space<semaphore_mem>>
        %dma_start3A_224 = tpu.memref_squeeze %dma_start3A_223 : memref<1x!tpu.dma_semaphore, #tpu.memory_space<semaphore_mem>> -> memref<!tpu.dma_semaphore, #tpu.memory_space<semaphore_mem>>
        tpu.enqueue_indirect_dma source(%dma_start3A_222 : memref<10000x64xf32, #tpu.memory_space<hbm>>) target(%dma_start3A_212 : memref<125x64xf32, #tpu.memory_space<vmem>>) offsets(%dma_start3A_215 : memref<125xi32, #tpu.memory_space<vmem>>) semaphore(%dma_start3A_224 : memref<!tpu.dma_semaphore, #tpu.memory_space<semaphore_mem>>)
      } else {
      }
      %add3A_178 = arith.constant 3 : i32
      %add3A_179 = arith.addi %add3A_92, %add3A_178 : i32
      %dma_wait3A_180 = arith.constant 3 : i32
      %dma_wait3A_181 = arith.constant 3 : i32
      %dma_wait3A_182 = arith.constant 3 : i32
      %dma_wait3A_183 = arith.constant 0 : i32
      %dma_wait3A_184 = arith.constant 0 : i32
      %dma_wait3A_185 = tpu.memref_slice %arg7[%dma_wait3A_181, %dma_wait3A_183, %dma_wait3A_184] : memref<4x125x64xf32, #tpu.memory_space<vmem>> -> memref<1x125x64xf32, #tpu.memory_space<vmem>>
      %dma_wait3A_186 = tpu.memref_squeeze %dma_wait3A_185 : memref<1x125x64xf32, #tpu.memory_space<vmem>> -> memref<125x64xf32, #tpu.memory_space<vmem>>
      %dma_wait3A_187 = arith.constant 0 : i32
      %dma_wait3A_188 = tpu.memref_slice %arg5[%dma_wait3A_180, %dma_wait3A_187] : memref<160x125xi32, #tpu.memory_space<vmem>> -> memref<1x125xi32, #tpu.memory_space<vmem>>
      %dma_wait3A_189 = tpu.memref_squeeze %dma_wait3A_188 : memref<1x125xi32, #tpu.memory_space<vmem>> -> memref<125xi32, #tpu.memory_space<vmem>>
      %dma_wait3A_190 = arith.constant 0 : i32
      %dma_wait3A_191 = arith.constant 0 : i32
      %dma_wait3A_192 = tpu.memref_slice %arg2[%arg0, %dma_wait3A_190, %dma_wait3A_191] : memref<2x10000x64xf32, #tpu.memory_space<hbm>> -> memref<1x10000x64xf32, #tpu.memory_space<hbm>>
      %dma_wait3A_193 = tpu.memref_squeeze %dma_wait3A_192 : memref<1x10000x64xf32, #tpu.memory_space<hbm>> -> memref<10000x64xf32, #tpu.memory_space<hbm>>
      %dma_wait3A_194 = arith.constant 0 : i32
      %dma_wait3A_195 = arith.constant 0 : i32
      %dma_wait3A_196 = tpu.memref_slice %dma_wait3A_193[%dma_wait3A_194, %dma_wait3A_195] : memref<10000x64xf32, #tpu.memory_space<hbm>> -> memref<10000x64xf32, #tpu.memory_space<hbm>>
      %dma_wait3A_197 = tpu.memref_slice %arg9[%dma_wait3A_182] : memref<4x!tpu.dma_semaphore, #tpu.memory_space<semaphore_mem>> -> memref<1x!tpu.dma_semaphore, #tpu.memory_space<semaphore_mem>>
      %dma_wait3A_198 = tpu.memref_squeeze %dma_wait3A_197 : memref<1x!tpu.dma_semaphore, #tpu.memory_space<semaphore_mem>> -> memref<!tpu.dma_semaphore, #tpu.memory_space<semaphore_mem>>
      tpu.wait_indirect_dma semaphore(%dma_wait3A_198 : memref<!tpu.dma_semaphore, #tpu.memory_space<semaphore_mem>>) src(%dma_wait3A_196 : memref<10000x64xf32, #tpu.memory_space<hbm>>) dst(%dma_wait3A_186 : memref<125x64xf32, #tpu.memory_space<vmem>>)
      %run_scoped3A_199 = arith.constant 3 : i32
      "tpu.region"() ({
        %run_scoped3A_207 = tpu.sem_alloc : memref<!tpu.dma_semaphore, #tpu.memory_space<semaphore_mem>>
        %dma_start3A_208 = arith.constant 0 : i32
        %dma_start3A_209 = arith.constant 0 : i32
        %dma_start3A_210 = tpu.memref_slice %arg7[%run_scoped3A_199, %dma_start3A_208, %dma_start3A_209] : memref<4x125x64xf32, #tpu.memory_space<vmem>> -> memref<1x125x64xf32, #tpu.memory_space<vmem>>
        %dma_start3A_211 = tpu.memref_squeeze %dma_start3A_210 : memref<1x125x64xf32, #tpu.memory_space<vmem>> -> memref<125x64xf32, #tpu.memory_space<vmem>>
        %dma_start3A_212 = arith.constant 0 : i32
        %dma_start3A_213 = tpu.memref_slice %arg6[%add3A_179, %dma_start3A_212] : memref<160x125xi32, #tpu.memory_space<vmem>> -> memref<1x125xi32, #tpu.memory_space<vmem>>
        %dma_start3A_214 = tpu.memref_squeeze %dma_start3A_213 : memref<1x125xi32, #tpu.memory_space<vmem>> -> memref<125xi32, #tpu.memory_space<vmem>>
        %dma_start3A_215 = arith.constant 0 : i32
        %dma_start3A_216 = arith.constant 0 : i32
        %dma_start3A_217 = tpu.memref_slice %arg8[%dma_start3A_215, %dma_start3A_216] : memref<10000x64xf32, #tpu.memory_space<vmem_shared>> -> memref<10000x64xf32, #tpu.memory_space<vmem_shared>>
        tpu.enqueue_indirect_dma source(%dma_start3A_211 : memref<125x64xf32, #tpu.memory_space<vmem>>) target(%dma_start3A_217 : memref<10000x64xf32, #tpu.memory_space<vmem_shared>>) offsets(%dma_start3A_214 : memref<125xi32, #tpu.memory_space<vmem>>) semaphore(%run_scoped3A_207 : memref<!tpu.dma_semaphore, #tpu.memory_space<semaphore_mem>>) {add = true}
        %dma_wait3A_218 = arith.constant 0 : i32
        %dma_wait3A_219 = arith.constant 0 : i32
        %dma_wait3A_220 = tpu.memref_slice %arg7[%run_scoped3A_199, %dma_wait3A_218, %dma_wait3A_219] : memref<4x125x64xf32, #tpu.memory_space<vmem>> -> memref<1x125x64xf32, #tpu.memory_space<vmem>>
        %dma_wait3A_221 = tpu.memref_squeeze %dma_wait3A_220 : memref<1x125x64xf32, #tpu.memory_space<vmem>> -> memref<125x64xf32, #tpu.memory_space<vmem>>
        %dma_wait3A_222 = arith.constant 0 : i32
        %dma_wait3A_223 = tpu.memref_slice %arg6[%add3A_179, %dma_wait3A_222] : memref<160x125xi32, #tpu.memory_space<vmem>> -> memref<1x125xi32, #tpu.memory_space<vmem>>
        %dma_wait3A_224 = tpu.memref_squeeze %dma_wait3A_223 : memref<1x125xi32, #tpu.memory_space<vmem>> -> memref<125xi32, #tpu.memory_space<vmem>>
        %dma_wait3A_225 = arith.constant 0 : i32
        %dma_wait3A_226 = arith.constant 0 : i32
        %dma_wait3A_227 = tpu.memref_slice %arg8[%dma_wait3A_225, %dma_wait3A_226] : memref<10000x64xf32, #tpu.memory_space<vmem_shared>> -> memref<10000x64xf32, #tpu.memory_space<vmem_shared>>
        tpu.wait_indirect_dma semaphore(%run_scoped3A_207 : memref<!tpu.dma_semaphore, #tpu.memory_space<semaphore_mem>>) src(%dma_wait3A_221 : memref<125x64xf32, #tpu.memory_space<vmem>>) dst(%dma_wait3A_227 : memref<10000x64xf32, #tpu.memory_space<vmem_shared>>)
        tpu.yield
      }) : () -> ()
      %add3A_200 = arith.constant 4 : i32
      %add3A_201 = arith.addi %add3A_179, %add3A_200 : i32
      %lt3A_202 = arith.constant 160 : i32
      %lt3A_203 = arith.cmpi slt, %add3A_201, %lt3A_202 : i32
      %convert_element_type3A_204 = arith.extui %lt3A_203 : i1 to i32
      %cond3A_205 = arith.constant 0 : i32
      %cond3A_206 = arith.cmpi ne, %convert_element_type3A_204, %cond3A_205 : i32
      scf.if %cond3A_206 {
        %dma_start3A_207 = arith.constant 3 : i32
        %dma_start3A_208 = arith.constant 3 : i32
        %dma_start3A_209 = arith.constant 0 : i32
        %dma_start3A_210 = arith.constant 0 : i32
        %dma_start3A_211 = tpu.memref_slice %arg7[%dma_start3A_207, %dma_start3A_209, %dma_start3A_210] : memref<4x125x64xf32, #tpu.memory_space<vmem>> -> memref<1x125x64xf32, #tpu.memory_space<vmem>>
        %dma_start3A_212 = tpu.memref_squeeze %dma_start3A_211 : memref<1x125x64xf32, #tpu.memory_space<vmem>> -> memref<125x64xf32, #tpu.memory_space<vmem>>
        %dma_start3A_213 = arith.constant 0 : i32
        %dma_start3A_214 = tpu.memref_slice %arg5[%add3A_201, %dma_start3A_213] : memref<160x125xi32, #tpu.memory_space<vmem>> -> memref<1x125xi32, #tpu.memory_space<vmem>>
        %dma_start3A_215 = tpu.memref_squeeze %dma_start3A_214 : memref<1x125xi32, #tpu.memory_space<vmem>> -> memref<125xi32, #tpu.memory_space<vmem>>
        %dma_start3A_216 = arith.constant 0 : i32
        %dma_start3A_217 = arith.constant 0 : i32
        %dma_start3A_218 = tpu.memref_slice %arg2[%arg0, %dma_start3A_216, %dma_start3A_217] : memref<2x10000x64xf32, #tpu.memory_space<hbm>> -> memref<1x10000x64xf32, #tpu.memory_space<hbm>>
        %dma_start3A_219 = tpu.memref_squeeze %dma_start3A_218 : memref<1x10000x64xf32, #tpu.memory_space<hbm>> -> memref<10000x64xf32, #tpu.memory_space<hbm>>
        %dma_start3A_220 = arith.constant 0 : i32
        %dma_start3A_221 = arith.constant 0 : i32
        %dma_start3A_222 = tpu.memref_slice %dma_start3A_219[%dma_start3A_220, %dma_start3A_221] : memref<10000x64xf32, #tpu.memory_space<hbm>> -> memref<10000x64xf32, #tpu.memory_space<hbm>>
        %dma_start3A_223 = tpu.memref_slice %arg9[%dma_start3A_208] : memref<4x!tpu.dma_semaphore, #tpu.memory_space<semaphore_mem>> -> memref<1x!tpu.dma_semaphore, #tpu.memory_space<semaphore_mem>>
        %dma_start3A_224 = tpu.memref_squeeze %dma_start3A_223 : memref<1x!tpu.dma_semaphore, #tpu.memory_space<semaphore_mem>> -> memref<!tpu.dma_semaphore, #tpu.memory_space<semaphore_mem>>
        tpu.enqueue_indirect_dma source(%dma_start3A_222 : memref<10000x64xf32, #tpu.memory_space<hbm>>) target(%dma_start3A_212 : memref<125x64xf32, #tpu.memory_space<vmem>>) offsets(%dma_start3A_215 : memref<125xi32, #tpu.memory_space<vmem>>) semaphore(%dma_start3A_224 : memref<!tpu.dma_semaphore, #tpu.memory_space<semaphore_mem>>)
      } else {
      }
    }
    %scan3A_82 = arith.constant 40 : i32
    %barrier3A_83 = arith.constant 0 : index
    tpu.barrier barrier_id(%barrier3A_83)
    "tpu.region"() ({
      %run_scoped3A_89 = tpu.sem_alloc : memref<!tpu.dma_semaphore, #tpu.memory_space<semaphore_mem>>
      %dma_start3A_90 = arith.constant 0 : i32
      %dma_start3A_91 = tpu.memref_slice %arg4[%arg0, %mul3A_1, %dma_start3A_90] : memref<2x10000x64xf32, #tpu.memory_space<hbm>> -> memref<1x624x64xf32, #tpu.memory_space<hbm>>
      %dma_start3A_92 = tpu.memref_squeeze %dma_start3A_91 : memref<1x624x64xf32, #tpu.memory_space<hbm>> -> memref<624x64xf32, #tpu.memory_space<hbm>>
      %dma_start3A_93 = arith.constant 0 : i32
      %dma_start3A_94 = tpu.memref_slice %arg8[%mul3A_1, %dma_start3A_93] : memref<10000x64xf32, #tpu.memory_space<vmem_shared>> -> memref<624x64xf32, #tpu.memory_space<vmem_shared>>
      tpu.enqueue_dma source(%dma_start3A_94 : memref<624x64xf32, #tpu.memory_space<vmem_shared>>) target(%dma_start3A_92 : memref<624x64xf32, #tpu.memory_space<hbm>>) target_semaphore(%run_scoped3A_89 : memref<!tpu.dma_semaphore, #tpu.memory_space<semaphore_mem>>)
      %dma_wait3A = arith.constant 0 : i32
      %dma_wait3A_95 = tpu.memref_slice %arg4[%arg0, %mul3A_1, %dma_wait3A] : memref<2x10000x64xf32, #tpu.memory_space<hbm>> -> memref<1x624x64xf32, #tpu.memory_space<hbm>>
      %dma_wait3A_96 = tpu.memref_squeeze %dma_wait3A_95 : memref<1x624x64xf32, #tpu.memory_space<hbm>> -> memref<624x64xf32, #tpu.memory_space<hbm>>
      %dma_wait3A_97 = arith.constant 0 : i32
      %dma_wait3A_98 = tpu.memref_slice %arg8[%mul3A_1, %dma_wait3A_97] : memref<10000x64xf32, #tpu.memory_space<vmem_shared>> -> memref<624x64xf32, #tpu.memory_space<vmem_shared>>
      tpu.wait_dma2 semaphore(%run_scoped3A_89 : memref<!tpu.dma_semaphore, #tpu.memory_space<semaphore_mem>>) src(%dma_wait3A_98 : memref<624x64xf32, #tpu.memory_space<vmem_shared>>) dst(%dma_wait3A_96 : memref<624x64xf32, #tpu.memory_space<hbm>>)
      tpu.yield
    }) : () -> ()
    %eq3A_84 = arith.constant 15 : i32
    %eq3A_85 = arith.cmpi eq, %arg1, %eq3A_84 : i32
    %convert_element_type3A_86 = arith.extui %eq3A_85 : i1 to i32
    %cond3A_87 = arith.constant 0 : i32
    %cond3A_88 = arith.cmpi ne, %convert_element_type3A_86, %cond3A_87 : i32
    scf.if %cond3A_88 {
      "tpu.region"() ({
        %run_scoped3A_89 = tpu.sem_alloc : memref<!tpu.dma_semaphore, #tpu.memory_space<semaphore_mem>>
        %dma_start3A_90 = arith.constant 9984 : i32
        %dma_start3A_91 = arith.constant 0 : i32
        %dma_start3A_92 = tpu.memref_slice %arg4[%arg0, %dma_start3A_90, %dma_start3A_91] : memref<2x10000x64xf32, #tpu.memory_space<hbm>> -> memref<1x16x64xf32, #tpu.memory_space<hbm>>
        %dma_start3A_93 = tpu.memref_squeeze %dma_start3A_92 : memref<1x16x64xf32, #tpu.memory_space<hbm>> -> memref<16x64xf32, #tpu.memory_space<hbm>>
        %dma_start3A_94 = arith.constant 9984 : i32
        %dma_start3A_95 = arith.constant 0 : i32
        %dma_start3A_96 = tpu.memref_slice %arg8[%dma_start3A_94, %dma_start3A_95] : memref<10000x64xf32, #tpu.memory_space<vmem_shared>> -> memref<16x64xf32, #tpu.memory_space<vmem_shared>>
        tpu.enqueue_dma source(%dma_start3A_96 : memref<16x64xf32, #tpu.memory_space<vmem_shared>>) target(%dma_start3A_93 : memref<16x64xf32, #tpu.memory_space<hbm>>) target_semaphore(%run_scoped3A_89 : memref<!tpu.dma_semaphore, #tpu.memory_space<semaphore_mem>>)
        %dma_wait3A = arith.constant 9984 : i32
        %dma_wait3A_97 = arith.constant 0 : i32
        %dma_wait3A_98 = tpu.memref_slice %arg4[%arg0, %dma_wait3A, %dma_wait3A_97] : memref<2x10000x64xf32, #tpu.memory_space<hbm>> -> memref<1x16x64xf32, #tpu.memory_space<hbm>>
        %dma_wait3A_99 = tpu.memref_squeeze %dma_wait3A_98 : memref<1x16x64xf32, #tpu.memory_space<hbm>> -> memref<16x64xf32, #tpu.memory_space<hbm>>
        %dma_wait3A_100 = arith.constant 9984 : i32
        %dma_wait3A_101 = arith.constant 0 : i32
        %dma_wait3A_102 = tpu.memref_slice %arg8[%dma_wait3A_100, %dma_wait3A_101] : memref<10000x64xf32, #tpu.memory_space<vmem_shared>> -> memref<16x64xf32, #tpu.memory_space<vmem_shared>>
        tpu.wait_dma2 semaphore(%run_scoped3A_89 : memref<!tpu.dma_semaphore, #tpu.memory_space<semaphore_mem>>) src(%dma_wait3A_102 : memref<16x64xf32, #tpu.memory_space<vmem_shared>>) dst(%dma_wait3A_99 : memref<16x64xf32, #tpu.memory_space<hbm>>)
        tpu.yield
      }) : () -> ()
    } else {
    }
    return
  }
}

module attributes {stable_mosaic.version = 14 : i64} {
  func.func @body(%arg0: memref<2x5000x128xf32, #tpu.memory_space<vmem>>, %arg1: memref<128x256xf32, #tpu.memory_space<vmem>>, %arg2: memref<128x256xf32, #tpu.memory_space<vmem>>, %arg3: memref<256x256xf32, #tpu.memory_space<vmem>>, %arg4: memref<1x256xf32, #tpu.memory_space<vmem>>, %arg5: memref<1x256xf32, #tpu.memory_space<vmem>>, %arg6: memref<1x256xf32, #tpu.memory_space<vmem>>, %arg7: memref<1x256xf32, #tpu.memory_space<vmem>>, %arg8: memref<2x5000x128xf32, #tpu.memory_space<vmem>>) attributes {dimension_semantics = [], scalar_prefetch = 0 : i64, scratch_operands = 0 : i64, tpu.core_type = #tpu.core_type<tc>} {
    %get3A = arith.constant 0 : index
    %get3A_0 = arith.constant 0 : index
    %get3A_1 = arith.constant 0 : index
    %get3A_2 = vector.load %arg0[%get3A, %get3A_0, %get3A_1] : memref<2x5000x128xf32, #tpu.memory_space<vmem>>, vector<1x5000x128xf32>
    %get3A_3 = vector.shape_cast %get3A_2 : vector<1x5000x128xf32> to vector<5000x128xf32>
    %get3A_4 = arith.constant 0 : index
    %get3A_5 = arith.constant 0 : index
    %get3A_6 = vector.load %arg1[%get3A_4, %get3A_5] : memref<128x256xf32, #tpu.memory_space<vmem>>, vector<128x256xf32>
    %dot_general3A = arith.constant dense<0.000000e+00> : vector<5000x256xf32>
    %dot_general3A_7 = tpu.matmul %get3A_3, %get3A_6, %dot_general3A {dimension_numbers = #tpu.dot_dimension_numbers<[1], [0], [0], [1], [0, 0, 1, 1], [], []>, transpose_lhs_hint = false} : vector<5000x128xf32>, vector<128x256xf32>, vector<5000x256xf32> -> vector<5000x256xf32>
    %get3A_8 = arith.constant 1 : index
    %get3A_9 = arith.constant 0 : index
    %get3A_10 = arith.constant 0 : index
    %get3A_11 = vector.load %arg0[%get3A_8, %get3A_9, %get3A_10] : memref<2x5000x128xf32, #tpu.memory_space<vmem>>, vector<1x5000x128xf32>
    %get3A_12 = vector.shape_cast %get3A_11 : vector<1x5000x128xf32> to vector<5000x128xf32>
    %get3A_13 = arith.constant 0 : index
    %get3A_14 = arith.constant 0 : index
    %get3A_15 = vector.load %arg2[%get3A_13, %get3A_14] : memref<128x256xf32, #tpu.memory_space<vmem>>, vector<128x256xf32>
    %dot_general3A_16 = arith.constant dense<0.000000e+00> : vector<5000x256xf32>
    %dot_general3A_17 = tpu.matmul %get3A_12, %get3A_15, %dot_general3A_16 {dimension_numbers = #tpu.dot_dimension_numbers<[1], [0], [0], [1], [0, 0, 1, 1], [], []>, transpose_lhs_hint = false} : vector<5000x128xf32>, vector<128x256xf32>, vector<5000x256xf32> -> vector<5000x256xf32>
    %add3A = arith.addf %dot_general3A_7, %dot_general3A_17 : vector<5000x256xf32>
    %get3A_18 = arith.constant 0 : index
    %get3A_19 = arith.constant 0 : index
    %get3A_20 = vector.load %arg4[%get3A_18, %get3A_19] : memref<1x256xf32, #tpu.memory_space<vmem>>, vector<1x256xf32>
    %add3A_21 = vector.broadcast %get3A_20 : vector<1x256xf32> to vector<5000x256xf32>
    %add3A_22 = arith.addf %add3A, %add3A_21 : vector<5000x256xf32>
    %max3A = arith.constant 0.000000e+00 : f32
    %max3A_23 = vector.broadcast %max3A : f32 to vector<5000x256xf32>
    %max3A_24 = arith.maximumf %add3A_22, %max3A_23 : vector<5000x256xf32>
    %get3A_25 = arith.constant 0 : index
    %get3A_26 = arith.constant 0 : index
    %get3A_27 = vector.load %arg3[%get3A_25, %get3A_26] : memref<256x256xf32, #tpu.memory_space<vmem>>, vector<256x256xf32>
    %dot_general3A_28 = arith.constant dense<0.000000e+00> : vector<5000x256xf32>
    %dot_general3A_29 = tpu.matmul %max3A_24, %get3A_27, %dot_general3A_28 {dimension_numbers = #tpu.dot_dimension_numbers<[1], [0], [0], [1], [0, 0, 1, 1], [], []>, transpose_lhs_hint = false} : vector<5000x256xf32>, vector<256x256xf32>, vector<5000x256xf32> -> vector<5000x256xf32>
    %get3A_30 = arith.constant 0 : index
    %get3A_31 = arith.constant 0 : index
    %get3A_32 = vector.load %arg5[%get3A_30, %get3A_31] : memref<1x256xf32, #tpu.memory_space<vmem>>, vector<1x256xf32>
    %add3A_33 = vector.broadcast %get3A_32 : vector<1x256xf32> to vector<5000x256xf32>
    %add3A_34 = arith.addf %dot_general3A_29, %add3A_33 : vector<5000x256xf32>
    %reduce_sum3A = arith.constant dense<0.000000e+00> : vector<256xf32>
    %reduce_sum3A_35 = vector.multi_reduction <add>, %add3A_34, %reduce_sum3A [0] : vector<5000x256xf32> to vector<256xf32>
    %broadcast_in_dim3A = vector.shape_cast %reduce_sum3A_35 : vector<256xf32> to vector<1x256xf32>
    %div3A = arith.constant 5.000000e+03 : f32
    %div3A_36 = vector.broadcast %div3A : f32 to vector<1x256xf32>
    %div3A_37 = arith.divf %broadcast_in_dim3A, %div3A_36 : vector<1x256xf32>
    %slice3A = vector.extract_strided_slice %div3A_37 {offsets = [0, 0], sizes = [1, 128], strides = [1, 1]} : vector<1x256xf32> to vector<1x128xf32>
    %slice3A_38 = vector.extract_strided_slice %div3A_37 {offsets = [0, 128], sizes = [1, 128], strides = [1, 1]} : vector<1x256xf32> to vector<1x128xf32>
    %add3A_39 = arith.addf %slice3A, %slice3A_38 : vector<1x128xf32>
    %mul3A = arith.constant 5.000000e-01 : f32
    %mul3A_40 = vector.broadcast %mul3A : f32 to vector<1x128xf32>
    %mul3A_41 = arith.mulf %add3A_39, %mul3A_40 : vector<1x128xf32>
    %concatenate3A = tpu.concatenate %mul3A_41, %mul3A_41 in 1 : vector<1x128xf32>, vector<1x128xf32> -> vector<1x256xf32>
    %sub3A = vector.broadcast %concatenate3A : vector<1x256xf32> to vector<5000x256xf32>
    %sub3A_42 = arith.subf %add3A_34, %sub3A : vector<5000x256xf32>
    %mul3A_43 = arith.mulf %sub3A_42, %sub3A_42 : vector<5000x256xf32>
    %reduce_sum3A_44 = arith.constant dense<0.000000e+00> : vector<256xf32>
    %reduce_sum3A_45 = vector.multi_reduction <add>, %mul3A_43, %reduce_sum3A_44 [0] : vector<5000x256xf32> to vector<256xf32>
    %broadcast_in_dim3A_46 = vector.shape_cast %reduce_sum3A_45 : vector<256xf32> to vector<1x256xf32>
    %div3A_47 = arith.constant 5.000000e+03 : f32
    %div3A_48 = vector.broadcast %div3A_47 : f32 to vector<1x256xf32>
    %div3A_49 = arith.divf %broadcast_in_dim3A_46, %div3A_48 : vector<1x256xf32>
    %slice3A_50 = vector.extract_strided_slice %div3A_49 {offsets = [0, 0], sizes = [1, 128], strides = [1, 1]} : vector<1x256xf32> to vector<1x128xf32>
    %slice3A_51 = vector.extract_strided_slice %div3A_49 {offsets = [0, 128], sizes = [1, 128], strides = [1, 1]} : vector<1x256xf32> to vector<1x128xf32>
    %add3A_52 = arith.addf %slice3A_50, %slice3A_51 : vector<1x128xf32>
    %mul3A_53 = arith.constant 5.000000e-01 : f32
    %mul3A_54 = vector.broadcast %mul3A_53 : f32 to vector<1x128xf32>
    %mul3A_55 = arith.mulf %add3A_52, %mul3A_54 : vector<1x128xf32>
    %concatenate3A_56 = tpu.concatenate %mul3A_55, %mul3A_55 in 1 : vector<1x128xf32>, vector<1x128xf32> -> vector<1x256xf32>
    %add3A_57 = arith.constant 9.99999974E-6 : f32
    %add3A_58 = vector.broadcast %add3A_57 : f32 to vector<1x256xf32>
    %add3A_59 = arith.addf %concatenate3A_56, %add3A_58 : vector<1x256xf32>
    %rsqrt3A = math.rsqrt %add3A_59 : vector<1x256xf32>
    %mul3A_60 = vector.broadcast %rsqrt3A : vector<1x256xf32> to vector<5000x256xf32>
    %mul3A_61 = arith.mulf %sub3A_42, %mul3A_60 : vector<5000x256xf32>
    %get3A_62 = arith.constant 0 : index
    %get3A_63 = arith.constant 0 : index
    %get3A_64 = vector.load %arg6[%get3A_62, %get3A_63] : memref<1x256xf32, #tpu.memory_space<vmem>>, vector<1x256xf32>
    %mul3A_65 = vector.broadcast %get3A_64 : vector<1x256xf32> to vector<5000x256xf32>
    %mul3A_66 = arith.mulf %mul3A_61, %mul3A_65 : vector<5000x256xf32>
    %get3A_67 = arith.constant 0 : index
    %get3A_68 = arith.constant 0 : index
    %get3A_69 = vector.load %arg7[%get3A_67, %get3A_68] : memref<1x256xf32, #tpu.memory_space<vmem>>, vector<1x256xf32>
    %add3A_70 = vector.broadcast %get3A_69 : vector<1x256xf32> to vector<5000x256xf32>
    %add3A_71 = arith.addf %mul3A_66, %add3A_70 : vector<5000x256xf32>
    %max3A_72 = arith.constant 0.000000e+00 : f32
    %max3A_73 = vector.broadcast %max3A_72 : f32 to vector<5000x256xf32>
    %max3A_74 = arith.maximumf %add3A_71, %max3A_73 : vector<5000x256xf32>
    %slice3A_75 = vector.extract_strided_slice %max3A_74 {offsets = [0, 0], sizes = [5000, 64], strides = [1, 1]} : vector<5000x256xf32> to vector<5000x64xf32>
    %slice3A_76 = vector.extract_strided_slice %max3A_74 {offsets = [0, 128], sizes = [5000, 64], strides = [1, 1]} : vector<5000x256xf32> to vector<5000x64xf32>
    %concatenate3A_77 = tpu.concatenate %slice3A_75, %slice3A_76 in 1 : vector<5000x64xf32>, vector<5000x64xf32> -> vector<5000x128xf32>
    %swap3A = arith.constant 0 : index
    %swap3A_78 = arith.constant 0 : index
    %swap3A_79 = arith.constant 0 : index
    %swap3A_80 = vector.load %arg8[%swap3A, %swap3A_78, %swap3A_79] : memref<2x5000x128xf32, #tpu.memory_space<vmem>>, vector<1x5000x128xf32>
    %swap3A_81 = vector.shape_cast %swap3A_80 : vector<1x5000x128xf32> to vector<5000x128xf32>
    %swap3A_82 = vector.shape_cast %concatenate3A_77 : vector<5000x128xf32> to vector<1x5000x128xf32>
    tpu.vector_store %arg8[%swap3A, %swap3A_78, %swap3A_79], %swap3A_82 {strides = array<i32>} : memref<2x5000x128xf32, #tpu.memory_space<vmem>>, vector<1x5000x128xf32>,
    %slice3A_83 = vector.extract_strided_slice %max3A_74 {offsets = [0, 64], sizes = [5000, 64], strides = [1, 1]} : vector<5000x256xf32> to vector<5000x64xf32>
    %slice3A_84 = vector.extract_strided_slice %max3A_74 {offsets = [0, 192], sizes = [5000, 64], strides = [1, 1]} : vector<5000x256xf32> to vector<5000x64xf32>
    %concatenate3A_85 = tpu.concatenate %slice3A_83, %slice3A_84 in 1 : vector<5000x64xf32>, vector<5000x64xf32> -> vector<5000x128xf32>
    %swap3A_86 = arith.constant 1 : index
    %swap3A_87 = arith.constant 0 : index
    %swap3A_88 = arith.constant 0 : index
    %swap3A_89 = vector.load %arg8[%swap3A_86, %swap3A_87, %swap3A_88] : memref<2x5000x128xf32, #tpu.memory_space<vmem>>, vector<1x5000x128xf32>
    %swap3A_90 = vector.shape_cast %swap3A_89 : vector<1x5000x128xf32> to vector<5000x128xf32>
    %swap3A_91 = vector.shape_cast %concatenate3A_85 : vector<5000x128xf32> to vector<1x5000x128xf32>
    tpu.vector_store %arg8[%swap3A_86, %swap3A_87, %swap3A_88], %swap3A_91 {strides = array<i32>} : memref<2x5000x128xf32, #tpu.memory_space<vmem>>, vector<1x5000x128xf32>,
    return
  }
}

module attributes {stable_mosaic.version = 14 : i64} {
  func.func @body(%arg0: memref<2x10000x64xf32, #tpu.memory_space<vmem>>, %arg1: memref<128x128xf32, #tpu.memory_space<vmem>>, %arg2: memref<1x128xf32, #tpu.memory_space<vmem>>, %arg3: memref<128x128xf32, #tpu.memory_space<vmem>>, %arg4: memref<1x128xf32, #tpu.memory_space<vmem>>, %arg5: memref<1x128xf32, #tpu.memory_space<vmem>>, %arg6: memref<1x128xf32, #tpu.memory_space<vmem>>, %arg7: memref<10000x128xf32, #tpu.memory_space<vmem>>) attributes {dimension_semantics = [], scalar_prefetch = 0 : i64, scratch_operands = 0 : i64, tpu.core_type = #tpu.core_type<tc>} {
    %get3A = arith.constant 0 : index
    %get3A_0 = arith.constant 0 : index
    %get3A_1 = arith.constant 0 : index
    %get3A_2 = vector.load %arg0[%get3A, %get3A_0, %get3A_1] : memref<2x10000x64xf32, #tpu.memory_space<vmem>>, vector<1x10000x64xf32>
    %get3A_3 = vector.shape_cast %get3A_2 : vector<1x10000x64xf32> to vector<10000x64xf32>
    %get3A_4 = arith.constant 0 : index
    %get3A_5 = arith.constant 0 : index
    %get3A_6 = vector.load %arg1[%get3A_4, %get3A_5] : memref<128x128xf32, #tpu.memory_space<vmem>>, vector<64x128xf32>
    %dot_general3A = arith.constant dense<0.000000e+00> : vector<10000x128xf32>
    %dot_general3A_7 = tpu.matmul %get3A_3, %get3A_6, %dot_general3A {dimension_numbers = #tpu.dot_dimension_numbers<[1], [0], [0], [1], [0, 0, 1, 1], [], []>, transpose_lhs_hint = false} : vector<10000x64xf32>, vector<64x128xf32>, vector<10000x128xf32> -> vector<10000x128xf32>
    %get3A_8 = arith.constant 1 : index
    %get3A_9 = arith.constant 0 : index
    %get3A_10 = arith.constant 0 : index
    %get3A_11 = vector.load %arg0[%get3A_8, %get3A_9, %get3A_10] : memref<2x10000x64xf32, #tpu.memory_space<vmem>>, vector<1x10000x64xf32>
    %get3A_12 = vector.shape_cast %get3A_11 : vector<1x10000x64xf32> to vector<10000x64xf32>
    %get3A_13 = arith.constant 64 : index
    %get3A_14 = arith.constant 0 : index
    %get3A_15 = vector.load %arg1[%get3A_13, %get3A_14] : memref<128x128xf32, #tpu.memory_space<vmem>>, vector<64x128xf32>
    %dot_general3A_16 = arith.constant dense<0.000000e+00> : vector<10000x128xf32>
    %dot_general3A_17 = tpu.matmul %get3A_12, %get3A_15, %dot_general3A_16 {dimension_numbers = #tpu.dot_dimension_numbers<[1], [0], [0], [1], [0, 0, 1, 1], [], []>, transpose_lhs_hint = false} : vector<10000x64xf32>, vector<64x128xf32>, vector<10000x128xf32> -> vector<10000x128xf32>
    %add3A = arith.addf %dot_general3A_7, %dot_general3A_17 : vector<10000x128xf32>
    %get3A_18 = arith.constant 0 : index
    %get3A_19 = arith.constant 0 : index
    %get3A_20 = vector.load %arg2[%get3A_18, %get3A_19] : memref<1x128xf32, #tpu.memory_space<vmem>>, vector<1x128xf32>
    %add3A_21 = vector.broadcast %get3A_20 : vector<1x128xf32> to vector<10000x128xf32>
    %add3A_22 = arith.addf %add3A, %add3A_21 : vector<10000x128xf32>
    %max3A = arith.constant 0.000000e+00 : f32
    %max3A_23 = vector.broadcast %max3A : f32 to vector<10000x128xf32>
    %max3A_24 = arith.maximumf %add3A_22, %max3A_23 : vector<10000x128xf32>
    %get3A_25 = arith.constant 0 : index
    %get3A_26 = arith.constant 0 : index
    %get3A_27 = vector.load %arg3[%get3A_25, %get3A_26] : memref<128x128xf32, #tpu.memory_space<vmem>>, vector<128x128xf32>
    %dot_general3A_28 = arith.constant dense<0.000000e+00> : vector<10000x128xf32>
    %dot_general3A_29 = tpu.matmul %max3A_24, %get3A_27, %dot_general3A_28 {dimension_numbers = #tpu.dot_dimension_numbers<[1], [0], [0], [1], [0, 0, 1, 1], [], []>, transpose_lhs_hint = false} : vector<10000x128xf32>, vector<128x128xf32>, vector<10000x128xf32> -> vector<10000x128xf32>
    %get3A_30 = arith.constant 0 : index
    %get3A_31 = arith.constant 0 : index
    %get3A_32 = vector.load %arg4[%get3A_30, %get3A_31] : memref<1x128xf32, #tpu.memory_space<vmem>>, vector<1x128xf32>
    %add3A_33 = vector.broadcast %get3A_32 : vector<1x128xf32> to vector<10000x128xf32>
    %add3A_34 = arith.addf %dot_general3A_29, %add3A_33 : vector<10000x128xf32>
    %reduce_sum3A = arith.constant dense<0.000000e+00> : vector<128xf32>
    %reduce_sum3A_35 = vector.multi_reduction <add>, %add3A_34, %reduce_sum3A [0] : vector<10000x128xf32> to vector<128xf32>
    %broadcast_in_dim3A = vector.shape_cast %reduce_sum3A_35 : vector<128xf32> to vector<1x128xf32>
    %div3A = arith.constant 1.000000e+04 : f32
    %div3A_36 = vector.broadcast %div3A : f32 to vector<1x128xf32>
    %div3A_37 = arith.divf %broadcast_in_dim3A, %div3A_36 : vector<1x128xf32>
    %sub3A = vector.broadcast %div3A_37 : vector<1x128xf32> to vector<10000x128xf32>
    %sub3A_38 = arith.subf %add3A_34, %sub3A : vector<10000x128xf32>
    %sub3A_39 = vector.broadcast %div3A_37 : vector<1x128xf32> to vector<10000x128xf32>
    %sub3A_40 = arith.subf %add3A_34, %sub3A_39 : vector<10000x128xf32>
    %mul3A = arith.mulf %sub3A_38, %sub3A_40 : vector<10000x128xf32>
    %reduce_sum3A_41 = arith.constant dense<0.000000e+00> : vector<128xf32>
    %reduce_sum3A_42 = vector.multi_reduction <add>, %mul3A, %reduce_sum3A_41 [0] : vector<10000x128xf32> to vector<128xf32>
    %broadcast_in_dim3A_43 = vector.shape_cast %reduce_sum3A_42 : vector<128xf32> to vector<1x128xf32>
    %div3A_44 = arith.constant 1.000000e+04 : f32
    %div3A_45 = vector.broadcast %div3A_44 : f32 to vector<1x128xf32>
    %div3A_46 = arith.divf %broadcast_in_dim3A_43, %div3A_45 : vector<1x128xf32>
    %sub3A_47 = vector.broadcast %div3A_37 : vector<1x128xf32> to vector<10000x128xf32>
    %sub3A_48 = arith.subf %add3A_34, %sub3A_47 : vector<10000x128xf32>
    %add3A_49 = arith.constant 9.99999974E-6 : f32
    %add3A_50 = vector.broadcast %add3A_49 : f32 to vector<1x128xf32>
    %add3A_51 = arith.addf %div3A_46, %add3A_50 : vector<1x128xf32>
    %rsqrt3A = math.rsqrt %add3A_51 : vector<1x128xf32>
    %mul3A_52 = vector.broadcast %rsqrt3A : vector<1x128xf32> to vector<10000x128xf32>
    %mul3A_53 = arith.mulf %sub3A_48, %mul3A_52 : vector<10000x128xf32>
    %get3A_54 = arith.constant 0 : index
    %get3A_55 = arith.constant 0 : index
    %get3A_56 = vector.load %arg5[%get3A_54, %get3A_55] : memref<1x128xf32, #tpu.memory_space<vmem>>, vector<1x128xf32>
    %mul3A_57 = vector.broadcast %get3A_56 : vector<1x128xf32> to vector<10000x128xf32>
    %mul3A_58 = arith.mulf %mul3A_53, %mul3A_57 : vector<10000x128xf32>
    %get3A_59 = arith.constant 0 : index
    %get3A_60 = arith.constant 0 : index
    %get3A_61 = vector.load %arg6[%get3A_59, %get3A_60] : memref<1x128xf32, #tpu.memory_space<vmem>>, vector<1x128xf32>
    %add3A_62 = vector.broadcast %get3A_61 : vector<1x128xf32> to vector<10000x128xf32>
    %add3A_63 = arith.addf %mul3A_58, %add3A_62 : vector<10000x128xf32>
    %max3A_64 = arith.constant 0.000000e+00 : f32
    %max3A_65 = vector.broadcast %max3A_64 : f32 to vector<10000x128xf32>
    %max3A_66 = arith.maximumf %add3A_63, %max3A_65 : vector<10000x128xf32>
    %swap3A = arith.constant 0 : index
    %swap3A_67 = arith.constant 0 : index
    %swap3A_68 = vector.load %arg7[%swap3A, %swap3A_67] : memref<10000x128xf32, #tpu.memory_space<vmem>>, vector<10000x128xf32>
    tpu.vector_store %arg7[%swap3A, %swap3A_67], %max3A_66 {strides = array<i32>} : memref<10000x128xf32, #tpu.memory_space<vmem>>, vector<10000x128xf32>,
    return
  }
}

</mosaic_0001>

<sc_bundles>
// kernel: kernel.11.cloned.1.call-start
scs
__scs_entry_jumppad:
0x0: {  	(pc) =	sbr.rel $0x88, $3  }
0x1: {  	(tag) =	ssettag $0x0;
	lr =	simm.s32 $0x1  }
0x2: {  	[smem:$0x3F8D] =	sst lr;
	_ =	strace $0xD0000000  }
0x3: {  	_ = 	snop  }
0x4: {  	_ = 	snop  }
0x5: {  	_ = 	snop  }
0x6: {  	_ = 	snop  }
0x7: {  	_ = 	snop  }
__scs_overlays_trampoline_lowered:
0x8: {  	[smem:$0x3F9C] =	sst s0  }
0x9: {  	[smem:$0x3F9D] =	sst s1  }
0xa: {  	[smem:$0x3F9E] =	sst s2  }
0xb: {  	[smem:$0x3F9F] =	sst s3  }
0xc: {  	[smem:$0x3FA0] =	sst s4  }
0xd: {  	[smem:$0x3FA1] =	sst s5  }
0xe: {  	[smem:$0x3FA2] =	sst s6  }
0xf: {  	[smem:$0x3FA3] =	sst s7  }
0x10: {  	[smem:$0x3FA4] =	sst s8  }
0x11: {  	[smem:$0x3FA5] =	sst s9;
	s0 =	simm.s32 @!p0 $0x0  }
0x12: {  	s1 =	sld [smem:$0x3F8B];
	s0 =	simm.s32 @p0 $0x1  }
0x13: {  	[smem:$0x3FA6] =	sst s0;
	s0 =	simm.s32 @!p1 $0x0  }
0x14: {  	s2 =	sld [smem:$0x3F8A];
	s0 =	simm.s32 @p1 $0x1  }
0x15: {  	[smem:$0x3FA7] =	sst s0;
	s0 =	simm.s32 @!p2 $0x0  }
0x16: {  	s3 =	sld [smem:$0x3FDB];
	s0 =	simm.s32 @p2 $0x1  }
0x17: {  	s4 =	simm.s32 $0x1BF5;
	[smem:$0x3FA9] =	sst s0  }
0x18: {  	s0 =	sld [smem:$0x3F8C];
	_ =	swait.ge [sflag:s4], $0x0  }
0x19: {  	s7 =	sld [smem:$0x3F8D]  }
0x1a: {  	s8 =	sadd.s32 $0xFFFFE003, lr  }
0x1b: {  	s9 =	sadd.s32 $0xFFFFFEF7, lr;
	s5 =	simm.s32 $0xFFFFFFFF;
	p2 =	slt.u32 s8, $0xFFFFF086  }
0x1c: {  	p1 =	slt.u32 s9, $0xF7A;
	s5 =	simm.s32 @!p2 $0x0  }
0x1d: {  	s5 =	simm.s32 @p1 $0x1;
	p0 =	seq.s32 s7, s2  }
0x1e: {  	s7 =	smul.u32 @!p0 $0xF7A, s2;
	p2 =	seq.s32 @!p0 s5, $0x0  }
0x1f: {  	s9 =	smul.u32 $0xF7A, s1;
	s8 =	simm.s32 @!p0 $0x1BF5;
	p2 =	por !p2, p0  }
0x20: {  	[sflag:s8] =	ssyncset.s32 @!p0 $0xFFFFF086;
	s6 =	sadd.s32 @!p0 s3, s7;
	s7 =	simm.s32 @!p0 $0x108  }
0x21: {  	s3 =	sadd.s32 s3, s9;
	s6 =	sadd.s32 @!p0 $0x88, s6;
	s7 =	simm.s32 @p2 $0x1082  }
0x22: {  	[simem:s7], [sflag:s8] =	dma.local @!p0 [hbm:s6], $0xF7A  }
0x23: {  	s9 =	sor.u32 $0xD0000000, s2;
	s6 =	simm.s32 $0x108;
	_ =	swait.ge @!p0 [sflag:s8], $0x0  }
0x24: {  	s3 =	sadd.s32 $0x88, s3;
	s6 =	simm.s32 @!p1 $0x1082;
	[sflag:s4] =	ssyncset.s32 $0xFFFFF086  }
0x25: {  	[simem:s6], [sflag:s4] =	dma.local [hbm:s3], $0xF7A  }
0x26: {  	[smem:$0x3F8D] =	sst s1;
	(tag) =	ssettag s2;
	_ =	strace s9  }
0x27: {  	s1 =	sld [smem:$0x3F9D]  }
0x28: {  	s2 =	sld [smem:$0x3F9E]  }
0x29: {  	s4 =	sld [smem:$0x3FA0]  }
0x2a: {  	p0 =	seq.s32 s5, $0x0;
	s5 =	sld [smem:$0x3FA1]  }
0x2b: {  	s6 =	sld [smem:$0x3FA2]  }
0x2c: {  	s7 =	sld [smem:$0x3FA3]  }
0x2d: {  	s3 =	simm.s32 $0x108;
	s8 =	sld [smem:$0x3FA4]  }
0x2e: {  	s3 =	simm.s32 @!p0 $0x1082;
	s9 =	sld [smem:$0x3FA5]  }
0x2f: {  	lr =	sadd.s32 s0, s3;
	s0 =	sld [smem:$0x3F9C]  }
0x30: {  	s3 =	sld [smem:$0x3F9F]  }
0x31: {  	[smem:$0x3FA8] =	sst s10  }
0x32: {  	s10 =	sld [smem:$0x3FA6];
	_ =	sdelay $0x3  }
0x33: {  	p0 =	seq.s32 s10, $0x1;
	s10 =	sld [smem:$0x3FA8];
	_ =	sdelay $0x3  }
0x34: {  	[smem:$0x3FA8] =	sst s10  }
0x35: {  	s10 =	sld [smem:$0x3FA7];
	_ =	sdelay $0x3  }
0x36: {  	p1 =	seq.s32 s10, $0x1;
	s10 =	sld [smem:$0x3FA8];
	_ =	sdelay $0x3  }
0x37: {  	[smem:$0x3FA8] =	sst s10  }
0x38: {  	s10 =	sld [smem:$0x3FA9]  }
0x39: {  	_ = 	snop;
	(pc) =	sbr.ind lr, $3  }
0x3a: {  	_ = 	snop  }
0x3b: {  	_ = 	snop  }
0x3c: {  	p2 =	seq.s32 s10, $0x1;
	s10 =	sld [smem:$0x3FA8]  }
0x3d: {  	_ =	shalt  }
0x3e: {  	_ =	shalt  }
0x3f: {  	_ =	shalt  }
0x40: {  	_ =	shalt  }
0x41: {  	_ =	shalt  }
0x42: {  	_ =	shalt  }
0x43: {  	_ =	shalt  }
0x44: {  	_ =	shalt  }
0x45: {  	_ =	shalt  }
0x46: {  	_ =	shalt  }
0x47: {  	_ =	shalt  }
0x48: {  	_ =	shalt  }
0x49: {  	_ =	shalt  }
0x4a: {  	_ =	shalt  }
0x4b: {  	_ =	shalt  }
0x4c: {  	_ =	shalt  }
0x4d: {  	_ =	shalt  }
0x4e: {  	_ =	shalt  }
0x4f: {  	_ =	shalt  }
0x50: {  	_ =	shalt  }
0x51: {  	_ =	shalt  }
0x52: {  	_ =	shalt  }
0x53: {  	_ =	shalt  }
0x54: {  	_ =	shalt  }
0x55: {  	_ =	shalt  }
0x56: {  	_ =	shalt  }
0x57: {  	_ =	shalt  }
0x58: {  	_ =	shalt  }
0x59: {  	_ =	shalt  }
0x5a: {  	_ =	shalt  }
0x5b: {  	_ =	shalt  }
0x5c: {  	_ =	shalt  }
0x5d: {  	_ =	shalt  }
0x5e: {  	_ =	shalt  }
0x5f: {  	_ =	shalt  }
0x60: {  	_ =	shalt  }
0x61: {  	_ =	shalt  }
0x62: {  	_ =	shalt  }
0x63: {  	_ =	shalt  }
0x64: {  	_ =	shalt  }
0x65: {  	_ =	shalt  }
0x66: {  	_ =	shalt  }
0x67: {  	_ =	shalt  }
0x68: {  	_ =	shalt  }
0x69: {  	_ =	shalt  }
0x6a: {  	_ =	shalt  }
0x6b: {  	_ =	shalt  }
0x6c: {  	_ =	shalt  }
0x6d: {  	_ =	shalt  }
0x6e: {  	_ =	shalt  }
0x6f: {  	_ =	shalt  }
0x70: {  	_ =	shalt  }
0x71: {  	_ =	shalt  }
0x72: {  	_ =	shalt  }
0x73: {  	_ =	shalt  }
0x74: {  	_ =	shalt  }
0x75: {  	_ =	shalt  }
0x76: {  	_ =	shalt  }
0x77: {  	_ =	shalt  }
0x78: {  	_ =	shalt  }
0x79: {  	_ =	shalt  }
0x7a: {  	_ =	shalt  }
0x7b: {  	_ =	shalt  }
0x7c: {  	_ =	shalt  }
0x7d: {  	_ =	shalt  }
0x7e: {  	_ =	shalt  }
0x7f: {  	_ =	shalt  }
0x80: {  	_ =	shalt  }
0x81: {  	_ =	shalt  }
0x82: {  	_ =	shalt  }
0x83: {  	_ =	shalt  }
0x84: {  	_ =	shalt  }
0x85: {  	_ =	shalt  }
0x86: {  	_ =	shalt  }
0x87: {  	_ =	shalt  }
.Lfunc_end0:
.L_simem_size_0:
called_computation.1_lowered:
.L_overlay_start_0:
0x88: {  	s2 =	sld [smem:$0x3FD9]  }
0x89: {  	s3 =	sld [smem:$0x3FFE];
	_ =	sdelay $0x1  }
0x8a: {  	s1 =	srdreg.scid  }
0x8b: {  	s0 =	sand.u32 $0x1, s1  }
0x8c: {  	s17 =	sshll.u32 s0, $0xA;
	s2 =	sadd.s32 s3, s2  }
0x8d: {  	s2 =	sadd.s32 s2, s17  }
0x8e: {  	[smem:$0x3FB4] =	sst s2  }
0x8f: {  	_ = 	snop  }
0x90: {  	s2 =	sld [smem:$0x3FD0];
	(tm) =	ssettm $0x1  }
0x91: {  	s18 =	sld [smem:$0x3FFB];
	_ =	sdelay $0x3  }
0x92: {  	_ =	strace s18  }
0x93: {  	s3 =	sld [smem:$0x3FFC];
	_ =	sdelay $0x3  }
0x94: {  	_ =	strace s3  }
0x95: {  	s3 =	sld [smem:$0x3FFD];
	_ =	sdelay $0x3  }
0x96: {  	_ =	strace s3  }
0x97: {  	_ =	strace $0x8FFFFFFF  }
0x98: {  	s19 =	sld [smem:$0x3FDB];
	_ =	sdelay $0x1  }
0x99: {  	s4 =	simm.s32 $_scs_section_size  }
0x9a: {  	s5 =	simm.s32 $_size__tile_overlayer_lowered;
	s6 =	simm.s32 $_tile_overlayer_lowered  }
0x9b: {  	s22 =	simm.s32 $0x1BFF;
	s21 =	sshll.u32 s6, $0x1;
	s3 =	sadd.s32 s4, s19  }
0x9c: {  	s7 =	simm.s32 $0x0;
	s20 =	sshll.u32 s5, $0x1;
	s5 =	sadd.s32 s21, s3  }
0x9d: {  	[timem:s7], [sflag:s22] =	dma.local [hbm:s5], s20  }
0x9e: {  	_ =	swait.ge [sflag:s22], s20  }
0x9f: {  	s4 =	ssub.s32 $0x0, s20;
	[sflag:s22] =	ssyncset.done $0x0  }
0xa0: {  	[sflag:s22] =	ssyncadd.s32 s4;
	_ =	sdelay $0x1  }
0xa1: {  	s23 =	simm.s32 $0x1B8B  }
0xa2: {  	_ =	swait.ge [sflag:s23], $0x1  }
0xa3: {  	[sflag:s23] =	ssyncset.done $0x0  }
0xa4: {  	s25 =	simm.s32 $0x1B8E;
	s24 =	sld [smem:$0x3FFE];
	[sflag:s23] =	ssyncadd.s32 $0xFFFFFFFF  }
0xa5: {  	s26 =	simm.s32 $execute0_lowered;
	[smem:$0x3FD2] =	sst s25  }
0xa6: {  	s5 =	sshll.u32 s26, $0x1;
	_ =	strace $0x80000049;
	[dreg:$0x1] =	wrdreg $0xFFFFFFFF  }
0xa7: {  	s28 =	simm.s32 $_size_execute0_lowered;
	s3 =	sadd.s32 s3, s5;
	[dreg:$0x0] =	wrdreg $0x0  }
0xa8: {  	s5 =	sshll.u32 s28, $0x1;
	[dreg:$0x2] =	wrdreg s3  }
0xa9: {  	[dreg:$0x3] =	wrdreg s5  }
0xaa: {  	[dreg:$0x4] =	wrdreg $0xC0  }
0xab: {  	_ =	task [dreg:s7], $0x5FFFF  }
0xac: {  	[dreg:$0x1] =	wrdreg $0xFFFFFFFF  }
0xad: {  	[dreg:$0x0] =	wrdreg $0x60  }
0xae: {  	[dreg:$0x2] =	wrdreg s2  }
0xaf: {  	[dreg:$0x3] =	wrdreg s24  }
0xb0: {  	[dreg:$0x4] =	wrdreg $0x11D000  }
0xb1: {  	[dreg:$0x5] =	wrdreg $0x9  }
0xb2: {  	_ =	task.clear_ibuf [dreg:s7], $0x6FFFF;
	_ =	strace $0x90000049  }
0xb3: {  	s29 =	simm.s32 $0x9;
	_ =	strace $0x8000004B  }
0xb4: {  	_ =	swait.ge [sflag:s29], $0x1  }
0xb5: {  	[sflag:s29] =	ssyncadd.s32 $0xFFFFFFFF  }
0xb6: {  	_ =	strace $0x9000004B  }
0xb7: {  	_ =	sfence  }
0xb8: {  	s30 =	sld [smem:$0x0];
	_ =	sdelay $0x2  }
0xb9: {  	s31 =	sshll.u32 s1, $0xD;
	s1 =	sshrl.u32 s1, $0x2  }
0xba: {  	s3 =	sand.u32 $0x4000, s31;
	s1 =	sadd.s32 s1, s30  }
0xbb: {  	s0 =	sor.u32 s3, s0;
	s1 =	sshll.u32 s1, $0x11  }
0xbc: {  	s0 =	sor.u32 s1, s0  }
0xbd: {  	s0 =	sadd.s32 $0x8F2B, s0  }
0xbe: {  	[sflag:s0] =	ssyncadd.remote.s32 $0x1  }
0xbf: {  	_ =	sfence.sel $0xFFFF  }
0xc0: {  	[dreg:$0x0] =	wrdreg $0xFFFFFFFF;
	(pc) =	sbr.abs _section_cstart, $3  }
0xc1: {  	[dreg:$0x1] =	wrdreg $0xFFFFFFFF  }
0xc2: {  	_ =	task.clear_ibuf [dreg:s7], $0x2FFFF;
	_ =	strace $0x9FFFFFFF  }
0xc3: {  	(tm) =	ssettm $0x7FFFFFFF  }
tec
execute0_lowered:
.L_overlay_start_1:
0x0: {  	(tag) =	ssettag $0x1  }
0x1: {  	s0 =	rddreg [dreg:$0x0]  }
0x2: {  	s1 =	rddreg [dreg:$0x1]  }
0x3: {  	s2 =	rddreg [dreg:$0x2];
	s13 =	stileid.u32;
	s3 =	simm.s32 $0x0  }
0x4: {  	s5 =	srdreg.scid;
	s17 =	simm.s32 $0x7D;
	s18 =	simm.s32 $0xA000  }
0x5: {  	s20 =	simm.s32 $0xBF40;
	s28 =	simm.s32 $0x3;
	s29 =	simm.s32 $0x4  }
0x6: {  	s30 =	simm.s32 $0x9E00;
	s31 =	simm.s32 $0x9E80;
	s4 =	smul.u32 $0x5000, s13  }
0x7: {  	[smem:$0x7FF] =	sst s3;
	s5 =	sand.u32 $0x1, s5;
	s10 =	smul.u32 $0x9C00, s13  }
0x8: {  	s16 =	sadd.s32 $0x9C000, s2;
	p0 =	sne.s32 s13, $0xF;
	s26 =	sshll.u32 s13, $0x6  }
0x9: {  	_ =	strace $0x8000004A;
	s6 =	ssub.s32 $0x2, s5;
	s8 =	smul.u32 $0x9C400, s5  }
0xa: {  	s13 =	sor.u32 $0x1C05, s26;
	s16 =	sshrl.u32 @!p0 s16, $0x3;
	s26 =	simm.s32 $0x2  }
0xb: {  	s4 =	sshrl.u32 s4, $0x3;
	s22 =	sshrl.u32 s6, $0x1;
	s11 =	sadd.s32 s10, s2  }
0xc: {  	s12 =	sshrl.u32 s10, $0x3;
	s7 =	sadd.s32 s4, s1;
	s1 =	sadd.s32 $0x18400, s1  }
0xd: {  	s9 =	ssub.s32 s6, s22;
	s23 =	sshrl.u32 s8, $0x3;
	s24 =	sadd.s32 s10, s8  }
0xe: {  	s10 =	simm.s32 $0x5;
	s14 =	sshrl.u32 s11, $0x3;
	s22 =	simm.s32 $0xDE80  }
0xf: {  	s11 =	simm.s32 $0x0;
	s4 =	sadd.s32 $0x4400, s7;
	s5 =	sadd.s32 $0xE400, s7  }
0x10: {  	s6 =	sadd.s32 s0, s23;
	s0 =	sshrl.u32 s24, $0x3;
	s25 =	sadd.s32 s1, s23  }
0x11: {  	s9 =	smax.u32 s9, $0x1;
	s24 =	simm.s32 $0xFDC0;
	s7 =	sadd.s32 s1, s0  }
0x12: {  	s8 =	sadd.s32 $0x13800, s25;
	s12 =	sadd.s32 s12, s6;
	s15 =	sadd.s32 @!p0 $0x13800, s6  }
0x13: {  	s25 =	simm.s32 $0x1;
	s0 =	simm.s32 $0x9F00;
	s1 =	simm.s32 $0x9F80  }
.LBB2_1:
0x14: {  	[tilespmem:s3], [sflag:$0x5] =	stream.linear.gather [hbm4b:s4+s3], $0x5000, $0x38;
	[tilespmem:$0x1B940] =	vst v63  }
0x15: {  	_ =	swait.ge [sflag:s10], $0x5000  }
0x16: {  	[sflag:s10] =	ssyncset.done $0x0  }
0x17: {  	s19 =	simm.s32 $0x5000;
	[sflag:s10] =	ssyncadd.s32 $0xFFFFB000  }
0x18: {  	[tilespmem:s19], [sflag:$0x5] =	stream.linear.gather [hbm4b:s5+s3], $0x5000, $0x38;
	[tilespmem:$0x1B940] =	vst v63  }
0x19: {  	_ =	swait.ge [sflag:s10], $0x5000  }
0x1a: {  	[sflag:s10] =	ssyncset.done $0x0  }
0x1b: {  	[sflag:s10] =	ssyncadd.s32 $0xFFFFB000  }
0x1c: {  	[spmem:s14], [sflag:s13] =	dma.local [hbm:s12], $0x1380  }
0x1d: {  	_ =	swait.ge [sflag:s10], $0x1380  }
0x1e: {  	[sflag:s10] =	ssyncset.done $0x0  }
0x1f: {  	s19 =	simm.s32 @!p0 $0x5;
	[sflag:s10] =	ssyncadd.s32 $0xFFFFEC80  }
0x20: {  	[spmem:s16], [sflag:s13] =	dma.local @!p0 [hbm:s15], $0x80  }
0x21: {  	_ =	swait.ge @!p0 [sflag:s19], $0x80  }
0x22: {  	[sflag:s19] =	ssyncset.done @!p0 $0x0  }
0x23: {  	[sflag:s19] =	ssyncadd.s32 @!p0 $0xFFFFFF80  }
0x24: {  	[bflag:$0x0] =	sbarrier.arrive $0xFFFF  }
0x25: {  	[tilespmem:s18], [sflag:$0x1] =	stream.indirect.gather [hbm4b:s6+s17], $0x40, s3, s17, $0xb8;
	[tilespmem:$0x1B940] =	vst v63  }
0x26: {  	s21 =	simm.s32 $0x80  }
0x27: {  	[tilespmem:s20], [sflag:$0x2] =	stream.indirect.gather [hbm4b:s6+s17], $0x40, s21, s17, $0xb8;
	[tilespmem:$0x1B940] =	vst v63  }
0x28: {  	s23 =	simm.s32 $0x100  }
0x29: {  	[tilespmem:s22], [sflag:$0x3] =	stream.indirect.gather [hbm4b:s6+s17], $0x40, s23, s17, $0xb8;
	[tilespmem:$0x1B940] =	vst v63  }
0x2a: {  	s21 =	simm.s32 $0x180  }
0x2b: {  	[tilespmem:s24], [sflag:$0x4] =	stream.indirect.gather [hbm4b:s6+s17], $0x40, s21, s17, $0xb8;
	[tilespmem:$0x1B940] =	vst v63  }
0x2c: {  	_ =	swait.ge [sflag:s25], $0x1F40  }
0x2d: {  	[sflag:s25] =	ssyncset.done $0x0  }
0x2e: {  	s23 =	simm.s32 $0x5000;
	[sflag:s25] =	ssyncadd.s32 $0xFFFFE0C0  }
0x2f: {  	[spmem:s2] =	stream.indirect.scatter.add.f32 [tilespmem:s18], [sflag:$0x5], $0x40, s23, s17, $0xb8;
	[tilespmem:$0x1B940] =	vst v63  }
0x30: {  	_ =	swait.ge [sflag:s10], $0x1F40  }
0x31: {  	[sflag:s10] =	ssyncset.done $0x0  }
0x32: {  	s21 =	simm.s32 $0x200;
	[sflag:s10] =	ssyncadd.s32 $0xFFFFE0C0  }
0x33: {  	[tilespmem:s18], [sflag:$0x1] =	stream.indirect.gather [hbm4b:s6+s17], $0x40, s21, s17, $0xb8;
	[tilespmem:$0x1B940] =	vst v63  }
0x34: {  	_ =	swait.ge [sflag:s26], $0x1F40  }
0x35: {  	[sflag:s26] =	ssyncset.done $0x0  }
0x36: {  	s23 =	simm.s32 $0x5080;
	[sflag:s26] =	ssyncadd.s32 $0xFFFFE0C0  }
0x37: {  	[spmem:s2] =	stream.indirect.scatter.add.f32 [tilespmem:s20], [sflag:$0x5], $0x40, s23, s17, $0xb8;
	[tilespmem:$0x1B940] =	vst v63  }
0x38: {  	_ =	swait.ge [sflag:s10], $0x1F40  }
0x39: {  	[sflag:s10] =	ssyncset.done $0x0  }
0x3a: {  	s21 =	simm.s32 $0x280;
	[sflag:s10] =	ssyncadd.s32 $0xFFFFE0C0  }
0x3b: {  	[tilespmem:s20], [sflag:$0x2] =	stream.indirect.gather [hbm4b:s6+s17], $0x40, s21, s17, $0xb8;
	[tilespmem:$0x1B940] =	vst v63  }
0x3c: {  	_ =	swait.ge [sflag:s28], $0x1F40  }
0x3d: {  	[sflag:s28] =	ssyncset.done $0x0  }
0x3e: {  	s23 =	simm.s32 $0x5100;
	[sflag:s28] =	ssyncadd.s32 $0xFFFFE0C0  }
0x3f: {  	[spmem:s2] =	stream.indirect.scatter.add.f32 [tilespmem:s22], [sflag:$0x5], $0x40, s23, s17, $0xb8;
	[tilespmem:$0x1B940] =	vst v63  }
0x40: {  	_ =	swait.ge [sflag:s10], $0x1F40  }
0x41: {  	[sflag:s10] =	ssyncset.done $0x0  }
0x42: {  	s21 =	simm.s32 $0x300;
	[sflag:s10] =	ssyncadd.s32 $0xFFFFE0C0  }
0x43: {  	[tilespmem:s22], [sflag:$0x3] =	stream.indirect.gather [hbm4b:s6+s17], $0x40, s21, s17, $0xb8;
	[tilespmem:$0x1B940] =	vst v63  }
0x44: {  	_ =	swait.ge [sflag:s29], $0x1F40  }
0x45: {  	[sflag:s29] =	ssyncset.done $0x0  }
0x46: {  	s23 =	simm.s32 $0x5180;
	[sflag:s29] =	ssyncadd.s32 $0xFFFFE0C0  }
0x47: {  	[spmem:s2] =	stream.indirect.scatter.add.f32 [tilespmem:s24], [sflag:$0x5], $0x40, s23, s17, $0xb8;
	[tilespmem:$0x1B940] =	vst v63  }
0x48: {  	_ =	swait.ge [sflag:s10], $0x1F40  }
0x49: {  	[sflag:s10] =	ssyncset.done $0x0  }
0x4a: {  	s19 =	simm.s32 $0x800;
	s21 =	simm.s32 $0x380;
	[sflag:s10] =	ssyncadd.s32 $0xFFFFE0C0  }
.LBB2_2:
0x4b: {  	[tilespmem:s24], [sflag:$0x4] =	stream.indirect.gather [hbm4b:s6+s17], $0x40, s21, s17, $0xb8;
	[tilespmem:$0x1B940] =	vst v63  }
0x4c: {  	s21 =	smov.u32 s19  }
0x4d: {  	p1 =	sne.s32 s19, $0x13000;
	s19 =	sadd.s32 $0x800, s19;
	_ =	swait.ge [sflag:s25], $0x1F40  }
0x4e: {  	s21 =	sshra.s32 s21, $0x2;
	[sflag:s25] =	ssyncset.done $0x0  }
0x4f: {  	s23 =	sadd.s32 $0x5000, s21;
	[sflag:s25] =	ssyncadd.s32 $0xFFFFE0C0  }
0x50: {  	[spmem:s2] =	stream.indirect.scatter.add.f32 [tilespmem:s18], [sflag:$0x5], $0x40, s23, s17, $0xb8;
	[tilespmem:$0x1B940] =	vst v63  }
0x51: {  	_ =	swait.ge [sflag:s10], $0x1F40  }
0x52: {  	[sflag:s10] =	ssyncset.done $0x0  }
0x53: {  	s23 =	sadd.s32 $0x200, s21;
	[sflag:s10] =	ssyncadd.s32 $0xFFFFE0C0  }
0x54: {  	[tilespmem:s18], [sflag:$0x1] =	stream.indirect.gather [hbm4b:s6+s17], $0x40, s23, s17, $0xb8;
	[tilespmem:$0x1B940] =	vst v63  }
0x55: {  	_ =	swait.ge [sflag:s26], $0x1F40  }
0x56: {  	[sflag:s26] =	ssyncset.done $0x0  }
0x57: {  	s23 =	sadd.s32 $0x5080, s21;
	[sflag:s26] =	ssyncadd.s32 $0xFFFFE0C0  }
0x58: {  	[spmem:s2] =	stream.indirect.scatter.add.f32 [tilespmem:s20], [sflag:$0x5], $0x40, s23, s17, $0xb8;
	[tilespmem:$0x1B940] =	vst v63  }
0x59: {  	_ =	swait.ge [sflag:s10], $0x1F40  }
0x5a: {  	[sflag:s10] =	ssyncset.done $0x0  }
0x5b: {  	s23 =	sadd.s32 $0x280, s21;
	[sflag:s10] =	ssyncadd.s32 $0xFFFFE0C0  }
0x5c: {  	[tilespmem:s20], [sflag:$0x2] =	stream.indirect.gather [hbm4b:s6+s17], $0x40, s23, s17, $0xb8;
	[tilespmem:$0x1B940] =	vst v63  }
0x5d: {  	_ =	swait.ge [sflag:s28], $0x1F40  }
0x5e: {  	[sflag:s28] =	ssyncset.done $0x0  }
0x5f: {  	s23 =	sadd.s32 $0x5100, s21;
	[sflag:s28] =	ssyncadd.s32 $0xFFFFE0C0  }
0x60: {  	[spmem:s2] =	stream.indirect.scatter.add.f32 [tilespmem:s22], [sflag:$0x5], $0x40, s23, s17, $0xb8;
	[tilespmem:$0x1B940] =	vst v63  }
0x61: {  	_ =	swait.ge [sflag:s10], $0x1F40  }
0x62: {  	[sflag:s10] =	ssyncset.done $0x0  }
0x63: {  	s23 =	sadd.s32 $0x300, s21;
	[sflag:s10] =	ssyncadd.s32 $0xFFFFE0C0  }
0x64: {  	[tilespmem:s22], [sflag:$0x3] =	stream.indirect.gather [hbm4b:s6+s17], $0x40, s23, s17, $0xb8;
	[tilespmem:$0x1B940] =	vst v63  }
0x65: {  	_ =	swait.ge [sflag:s29], $0x1F40  }
0x66: {  	[sflag:s29] =	ssyncset.done $0x0  }
.Ltmp0:
0x67: {  	s23 =	sadd.s32 $0x5180, s21;
	[sflag:s29] =	ssyncadd.s32 $0xFFFFE0C0;
	(pc) =	sbr.rel @p1 .LBB2_2-.Ltmp0, $4  }
0x68: {  	[spmem:s2] =	stream.indirect.scatter.add.f32 [tilespmem:s24], [sflag:$0x5], $0x40, s23, s17, $0xb8;
	[tilespmem:$0x1B940] =	vst v63  }
0x69: {  	_ =	swait.ge [sflag:s10], $0x1F40  }
0x6a: {  	[sflag:s10] =	ssyncset.done $0x0  }
0x6b: {  	s21 =	sadd.s32 $0x380, s21;
	[sflag:s10] =	ssyncadd.s32 $0xFFFFE0C0  }
0x6c: {  	[tilespmem:s24], [sflag:$0x4] =	stream.indirect.gather [hbm4b:s6+s17], $0x40, s21, s17, $0xb8;
	[tilespmem:$0x1B940] =	vst v63  }
0x6d: {  	_ =	swait.ge [sflag:s25], $0x1F40  }
0x6e: {  	[sflag:s25] =	ssyncset.done $0x0  }
0x6f: {  	[sflag:s25] =	ssyncadd.s32 $0xFFFFE0C0  }
0x70: {  	[spmem:s2] =	stream.indirect.scatter.add.f32 [tilespmem:s18], [sflag:$0x5], $0x40, s30, s17, $0xb8;
	[tilespmem:$0x1B940] =	vst v63  }
0x71: {  	_ =	swait.ge [sflag:s10], $0x1F40  }
0x72: {  	[sflag:s10] =	ssyncset.done $0x0  }
0x73: {  	[sflag:s10] =	ssyncadd.s32 $0xFFFFE0C0  }
0x74: {  	_ =	swait.ge [sflag:s26], $0x1F40  }
0x75: {  	[sflag:s26] =	ssyncset.done $0x0  }
0x76: {  	[sflag:s26] =	ssyncadd.s32 $0xFFFFE0C0  }
0x77: {  	[spmem:s2] =	stream.indirect.scatter.add.f32 [tilespmem:s20], [sflag:$0x5], $0x40, s31, s17, $0xb8;
	[tilespmem:$0x1B940] =	vst v63  }
0x78: {  	_ =	swait.ge [sflag:s10], $0x1F40  }
0x79: {  	[sflag:s10] =	ssyncset.done $0x0  }
0x7a: {  	[sflag:s10] =	ssyncadd.s32 $0xFFFFE0C0  }
0x7b: {  	_ =	swait.ge [sflag:s28], $0x1F40  }
0x7c: {  	[sflag:s28] =	ssyncset.done $0x0  }
0x7d: {  	[sflag:s28] =	ssyncadd.s32 $0xFFFFE0C0  }
0x7e: {  	[spmem:s2] =	stream.indirect.scatter.add.f32 [tilespmem:s22], [sflag:$0x5], $0x40, s0, s17, $0xb8;
	[tilespmem:$0x1B940] =	vst v63  }
0x7f: {  	_ =	swait.ge [sflag:s10], $0x1F40  }
0x80: {  	[sflag:s10] =	ssyncset.done $0x0  }
0x81: {  	[sflag:s10] =	ssyncadd.s32 $0xFFFFE0C0  }
0x82: {  	_ =	swait.ge [sflag:s29], $0x1F40  }
0x83: {  	[sflag:s29] =	ssyncset.done $0x0  }
0x84: {  	[sflag:s29] =	ssyncadd.s32 $0xFFFFE0C0  }
0x85: {  	[spmem:s2] =	stream.indirect.scatter.add.f32 [tilespmem:s24], [sflag:$0x5], $0x40, s1, s17, $0xb8;
	[tilespmem:$0x1B940] =	vst v63  }
0x86: {  	_ =	swait.ge [sflag:s10], $0x1F40  }
0x87: {  	[sflag:s10] =	ssyncset.done $0x0  }
0x88: {  	[sflag:s10] =	ssyncadd.s32 $0xFFFFE0C0  }
0x89: {  	[bflag:$0x0] =	sbarrier.arrive $0xFFFF  }
0x8a: {  	[hbm:s7], [sflag:s13] =	dma.local [spmem:s14], $0x1380  }
0x8b: {  	s11 =	sadd.s32 $0x1, s11;
	_ =	swait.ge [sflag:s10], $0x1380  }
0x8c: {  	p1 =	sne.s32 s11, s9;
	[sflag:s10] =	ssyncset.done $0x0  }
.Ltmp1:
0x8d: {  	s19 =	simm.s32 @!p0 $0x5;
	[sflag:s10] =	ssyncadd.s32 $0xFFFFEC80;
	(pc) =	sbr.rel @p1 .LBB2_1-.Ltmp1, $4  }
0x8e: {  	[hbm:s8], [sflag:s13] =	dma.local @!p0 [spmem:s16], $0x80  }
0x8f: {  	_ =	swait.ge @!p0 [sflag:s19], $0x80  }
0x90: {  	[sflag:s19] =	ssyncset.done @!p0 $0x0  }
0x91: {  	[sflag:s19] =	ssyncadd.s32 @!p0 $0xFFFFFF80  }
0x92: {  	_ =	sfence.sel $0x180000  }
0x93: {  	[bflag:$0x0] =	sbarrier.arrive $0xFFFF  }
0x94: {  	_ =	strace $0x9000004A  }
0x95: {  	s0 =	stileid.u32;
	[bflag:$0x2] =	sbarrier.arrive $0xFFFF  }
0x96: {  	p0 =	sne.s32 s0, $0x0;
	s0 =	rddreg [dreg:$0x3]  }
0x97: {  	s0 =	sadd.s32 @!p0 $0x100000, s0  }
0x98: {  	[sflag:s0] =	ssyncadd.tile.s32 @!p0 $0x1;
	_ =	shalt  }
.Lfunc_end2:
_tile_overlayer_lowered:
.L_overlay_start_2:
0x99: {  	(tag) =	ssettag $0x2  }
0x9a: {  	s0 =	rddreg [dreg:$0x0];
	s2 =	stileid.u32  }
0x9b: {  	s1 =	rddreg [dreg:$0x1];
	p0 =	sne.s32 s2, $0x0  }
0x9c: {  	s3 =	rddreg [dreg:$0x2];
	[bflag:$0x3] =	sbarrier.arrive $0xFFFF;
	s2 =	simm.s32 @!p0 $0x1C05  }
0x9d: {  	[timem:s3], [sflag:s2] =	dma.local @!p0 [hbm:s0], s1  }
0x9e: {  	s0 =	simm.s32 @!p0 $0x5  }
0x9f: {  	_ =	swait.ge @!p0 [sflag:s0], s1  }
0xa0: {  	s1 =	ssub.s32 @!p0 $0x0, s1;
	[sflag:s0] =	ssyncset.done @!p0 $0x0  }
0xa1: {  	[sflag:s0] =	ssyncadd.s32 @!p0 s1  }
0xa2: {  	[bflag:$0x3] =	sbarrier.arrive $0xFFFF  }
0xa3: {  	_ =	shalt  }

// kernel: kernel.14.cloned.1.call-start
scs
__scs_entry_jumppad:
0x0: {  	(pc) =	sbr.rel $0x88, $3  }
0x1: {  	(tag) =	ssettag $0x0;
	lr =	simm.s32 $0x1  }
0x2: {  	[smem:$0x3F8D] =	sst lr;
	_ =	strace $0xD0000000  }
0x3: {  	_ = 	snop  }
0x4: {  	_ = 	snop  }
0x5: {  	_ = 	snop  }
0x6: {  	_ = 	snop  }
0x7: {  	_ = 	snop  }
__scs_overlays_trampoline_lowered:
0x8: {  	[smem:$0x3F9C] =	sst s0  }
0x9: {  	[smem:$0x3F9D] =	sst s1  }
0xa: {  	[smem:$0x3F9E] =	sst s2  }
0xb: {  	[smem:$0x3F9F] =	sst s3  }
0xc: {  	[smem:$0x3FA0] =	sst s4  }
0xd: {  	[smem:$0x3FA1] =	sst s5  }
0xe: {  	[smem:$0x3FA2] =	sst s6  }
0xf: {  	[smem:$0x3FA3] =	sst s7  }
0x10: {  	[smem:$0x3FA4] =	sst s8  }
0x11: {  	[smem:$0x3FA5] =	sst s9;
	s0 =	simm.s32 @!p0 $0x0  }
0x12: {  	s1 =	sld [smem:$0x3F8B];
	s0 =	simm.s32 @p0 $0x1  }
0x13: {  	[smem:$0x3FA6] =	sst s0;
	s0 =	simm.s32 @!p1 $0x0  }
0x14: {  	s2 =	sld [smem:$0x3F8A];
	s0 =	simm.s32 @p1 $0x1  }
0x15: {  	[smem:$0x3FA7] =	sst s0;
	s0 =	simm.s32 @!p2 $0x0  }
0x16: {  	s3 =	sld [smem:$0x3FDB];
	s0 =	simm.s32 @p2 $0x1  }
0x17: {  	s4 =	simm.s32 $0x1BF5;
	[smem:$0x3FA9] =	sst s0  }
0x18: {  	s0 =	sld [smem:$0x3F8C];
	_ =	swait.ge [sflag:s4], $0x0  }
0x19: {  	s7 =	sld [smem:$0x3F8D]  }
0x1a: {  	s8 =	sadd.s32 $0xFFFFE003, lr  }
0x1b: {  	s9 =	sadd.s32 $0xFFFFFEF7, lr;
	s5 =	simm.s32 $0xFFFFFFFF;
	p2 =	slt.u32 s8, $0xFFFFF086  }
0x1c: {  	p1 =	slt.u32 s9, $0xF7A;
	s5 =	simm.s32 @!p2 $0x0  }
0x1d: {  	s5 =	simm.s32 @p1 $0x1;
	p0 =	seq.s32 s7, s2  }
0x1e: {  	s7 =	smul.u32 @!p0 $0xF7A, s2;
	p2 =	seq.s32 @!p0 s5, $0x0  }
0x1f: {  	s9 =	smul.u32 $0xF7A, s1;
	s8 =	simm.s32 @!p0 $0x1BF5;
	p2 =	por !p2, p0  }
0x20: {  	[sflag:s8] =	ssyncset.s32 @!p0 $0xFFFFF086;
	s6 =	sadd.s32 @!p0 s3, s7;
	s7 =	simm.s32 @!p0 $0x108  }
0x21: {  	s3 =	sadd.s32 s3, s9;
	s6 =	sadd.s32 @!p0 $0x88, s6;
	s7 =	simm.s32 @p2 $0x1082  }
0x22: {  	[simem:s7], [sflag:s8] =	dma.local @!p0 [hbm:s6], $0xF7A  }
0x23: {  	s9 =	sor.u32 $0xD0000000, s2;
	s6 =	simm.s32 $0x108;
	_ =	swait.ge @!p0 [sflag:s8], $0x0  }
0x24: {  	s3 =	sadd.s32 $0x88, s3;
	s6 =	simm.s32 @!p1 $0x1082;
	[sflag:s4] =	ssyncset.s32 $0xFFFFF086  }
0x25: {  	[simem:s6], [sflag:s4] =	dma.local [hbm:s3], $0xF7A  }
0x26: {  	[smem:$0x3F8D] =	sst s1;
	(tag) =	ssettag s2;
	_ =	strace s9  }
0x27: {  	s1 =	sld [smem:$0x3F9D]  }
0x28: {  	s2 =	sld [smem:$0x3F9E]  }
0x29: {  	s4 =	sld [smem:$0x3FA0]  }
0x2a: {  	p0 =	seq.s32 s5, $0x0;
	s5 =	sld [smem:$0x3FA1]  }
0x2b: {  	s6 =	sld [smem:$0x3FA2]  }
0x2c: {  	s7 =	sld [smem:$0x3FA3]  }
0x2d: {  	s3 =	simm.s32 $0x108;
	s8 =	sld [smem:$0x3FA4]  }
0x2e: {  	s3 =	simm.s32 @!p0 $0x1082;
	s9 =	sld [smem:$0x3FA5]  }
0x2f: {  	lr =	sadd.s32 s0, s3;
	s0 =	sld [smem:$0x3F9C]  }
0x30: {  	s3 =	sld [smem:$0x3F9F]  }
0x31: {  	[smem:$0x3FA8] =	sst s10  }
0x32: {  	s10 =	sld [smem:$0x3FA6];
	_ =	sdelay $0x3  }
0x33: {  	p0 =	seq.s32 s10, $0x1;
	s10 =	sld [smem:$0x3FA8];
	_ =	sdelay $0x3  }
0x34: {  	[smem:$0x3FA8] =	sst s10  }
0x35: {  	s10 =	sld [smem:$0x3FA7];
	_ =	sdelay $0x3  }
0x36: {  	p1 =	seq.s32 s10, $0x1;
	s10 =	sld [smem:$0x3FA8];
	_ =	sdelay $0x3  }
0x37: {  	[smem:$0x3FA8] =	sst s10  }
0x38: {  	s10 =	sld [smem:$0x3FA9]  }
0x39: {  	_ = 	snop;
	(pc) =	sbr.ind lr, $3  }
0x3a: {  	_ = 	snop  }
0x3b: {  	_ = 	snop  }
0x3c: {  	p2 =	seq.s32 s10, $0x1;
	s10 =	sld [smem:$0x3FA8]  }
0x3d: {  	_ =	shalt  }
0x3e: {  	_ =	shalt  }
0x3f: {  	_ =	shalt  }
0x40: {  	_ =	shalt  }
0x41: {  	_ =	shalt  }
0x42: {  	_ =	shalt  }
0x43: {  	_ =	shalt  }
0x44: {  	_ =	shalt  }
0x45: {  	_ =	shalt  }
0x46: {  	_ =	shalt  }
0x47: {  	_ =	shalt  }
0x48: {  	_ =	shalt  }
0x49: {  	_ =	shalt  }
0x4a: {  	_ =	shalt  }
0x4b: {  	_ =	shalt  }
0x4c: {  	_ =	shalt  }
0x4d: {  	_ =	shalt  }
0x4e: {  	_ =	shalt  }
0x4f: {  	_ =	shalt  }
0x50: {  	_ =	shalt  }
0x51: {  	_ =	shalt  }
0x52: {  	_ =	shalt  }
0x53: {  	_ =	shalt  }
0x54: {  	_ =	shalt  }
0x55: {  	_ =	shalt  }
0x56: {  	_ =	shalt  }
0x57: {  	_ =	shalt  }
0x58: {  	_ =	shalt  }
0x59: {  	_ =	shalt  }
0x5a: {  	_ =	shalt  }
0x5b: {  	_ =	shalt  }
0x5c: {  	_ =	shalt  }
0x5d: {  	_ =	shalt  }
0x5e: {  	_ =	shalt  }
0x5f: {  	_ =	shalt  }
0x60: {  	_ =	shalt  }
0x61: {  	_ =	shalt  }
0x62: {  	_ =	shalt  }
0x63: {  	_ =	shalt  }
0x64: {  	_ =	shalt  }
0x65: {  	_ =	shalt  }
0x66: {  	_ =	shalt  }
0x67: {  	_ =	shalt  }
0x68: {  	_ =	shalt  }
0x69: {  	_ =	shalt  }
0x6a: {  	_ =	shalt  }
0x6b: {  	_ =	shalt  }
0x6c: {  	_ =	shalt  }
0x6d: {  	_ =	shalt  }
0x6e: {  	_ =	shalt  }
0x6f: {  	_ =	shalt  }
0x70: {  	_ =	shalt  }
0x71: {  	_ =	shalt  }
0x72: {  	_ =	shalt  }
0x73: {  	_ =	shalt  }
0x74: {  	_ =	shalt  }
0x75: {  	_ =	shalt  }
0x76: {  	_ =	shalt  }
0x77: {  	_ =	shalt  }
0x78: {  	_ =	shalt  }
0x79: {  	_ =	shalt  }
0x7a: {  	_ =	shalt  }
0x7b: {  	_ =	shalt  }
0x7c: {  	_ =	shalt  }
0x7d: {  	_ =	shalt  }
0x7e: {  	_ =	shalt  }
0x7f: {  	_ =	shalt  }
0x80: {  	_ =	shalt  }
0x81: {  	_ =	shalt  }
0x82: {  	_ =	shalt  }
0x83: {  	_ =	shalt  }
0x84: {  	_ =	shalt  }
0x85: {  	_ =	shalt  }
0x86: {  	_ =	shalt  }
0x87: {  	_ =	shalt  }
.Lfunc_end0:
.L_simem_size_0:
called_computation.2_lowered:
.L_overlay_start_0:
0x88: {  	s2 =	sld [smem:$0x3FD9]  }
0x89: {  	s3 =	sld [smem:$0x3FFE];
	_ =	sdelay $0x1  }
0x8a: {  	s1 =	srdreg.scid  }
0x8b: {  	s0 =	sand.u32 $0x1, s1  }
0x8c: {  	s17 =	sshll.u32 s0, $0xA;
	s2 =	sadd.s32 s3, s2  }
0x8d: {  	s2 =	sadd.s32 s2, s17  }
0x8e: {  	[smem:$0x3FB4] =	sst s2  }
0x8f: {  	_ = 	snop  }
0x90: {  	s2 =	sld [smem:$0x3FD0];
	(tm) =	ssettm $0x1  }
0x91: {  	s18 =	sld [smem:$0x3FFB];
	_ =	sdelay $0x3  }
0x92: {  	_ =	strace s18  }
0x93: {  	s3 =	sld [smem:$0x3FFC];
	_ =	sdelay $0x3  }
0x94: {  	_ =	strace s3  }
0x95: {  	s3 =	sld [smem:$0x3FFD];
	_ =	sdelay $0x3  }
0x96: {  	_ =	strace s3  }
0x97: {  	_ =	strace $0x8FFFFFFF  }
0x98: {  	s19 =	sld [smem:$0x3FDB];
	_ =	sdelay $0x1  }
0x99: {  	s4 =	simm.s32 $_scs_section_size  }
0x9a: {  	s5 =	simm.s32 $_size__tile_overlayer_lowered;
	s6 =	simm.s32 $_tile_overlayer_lowered  }
0x9b: {  	s22 =	simm.s32 $0x1BFF;
	s21 =	sshll.u32 s6, $0x1;
	s3 =	sadd.s32 s4, s19  }
0x9c: {  	s7 =	simm.s32 $0x0;
	s20 =	sshll.u32 s5, $0x1;
	s5 =	sadd.s32 s21, s3  }
0x9d: {  	[timem:s7], [sflag:s22] =	dma.local [hbm:s5], s20  }
0x9e: {  	_ =	swait.ge [sflag:s22], s20  }
0x9f: {  	s4 =	ssub.s32 $0x0, s20;
	[sflag:s22] =	ssyncset.done $0x0  }
0xa0: {  	[sflag:s22] =	ssyncadd.s32 s4;
	_ =	sdelay $0x1  }
0xa1: {  	s23 =	simm.s32 $0x1B8B  }
0xa2: {  	_ =	swait.ge [sflag:s23], $0x1  }
0xa3: {  	[sflag:s23] =	ssyncset.done $0x0  }
0xa4: {  	s25 =	simm.s32 $0x1B8E;
	s24 =	sld [smem:$0x3FFE];
	[sflag:s23] =	ssyncadd.s32 $0xFFFFFFFF  }
0xa5: {  	s26 =	simm.s32 $execute0_lowered;
	[smem:$0x3FD2] =	sst s25  }
0xa6: {  	s5 =	sshll.u32 s26, $0x1;
	_ =	strace $0x8000004C;
	[dreg:$0x1] =	wrdreg $0xFFFFFFFF  }
0xa7: {  	s28 =	simm.s32 $_size_execute0_lowered;
	s3 =	sadd.s32 s3, s5;
	[dreg:$0x0] =	wrdreg $0x0  }
0xa8: {  	s5 =	sshll.u32 s28, $0x1;
	[dreg:$0x2] =	wrdreg s3  }
0xa9: {  	[dreg:$0x3] =	wrdreg s5  }
0xaa: {  	[dreg:$0x4] =	wrdreg $0xC0  }
0xab: {  	_ =	task [dreg:s7], $0x5FFFF  }
0xac: {  	[dreg:$0x1] =	wrdreg $0xFFFFFFFF  }
0xad: {  	[dreg:$0x0] =	wrdreg $0x60  }
0xae: {  	[dreg:$0x2] =	wrdreg s2  }
0xaf: {  	[dreg:$0x3] =	wrdreg s24  }
0xb0: {  	[dreg:$0x4] =	wrdreg $0x11D000  }
0xb1: {  	[dreg:$0x5] =	wrdreg $0x9  }
0xb2: {  	_ =	task.clear_ibuf [dreg:s7], $0x6FFFF;
	_ =	strace $0x9000004C  }
0xb3: {  	s29 =	simm.s32 $0x9;
	_ =	strace $0x8000004E  }
0xb4: {  	_ =	swait.ge [sflag:s29], $0x1  }
0xb5: {  	[sflag:s29] =	ssyncadd.s32 $0xFFFFFFFF  }
0xb6: {  	_ =	strace $0x9000004E  }
0xb7: {  	_ =	sfence  }
0xb8: {  	s30 =	sld [smem:$0x0];
	_ =	sdelay $0x2  }
0xb9: {  	s31 =	sshll.u32 s1, $0xD;
	s1 =	sshrl.u32 s1, $0x2  }
0xba: {  	s3 =	sand.u32 $0x4000, s31;
	s1 =	sadd.s32 s1, s30  }
0xbb: {  	s0 =	sor.u32 s3, s0;
	s1 =	sshll.u32 s1, $0x11  }
0xbc: {  	s0 =	sor.u32 s1, s0  }
0xbd: {  	s0 =	sadd.s32 $0x8F2B, s0  }
0xbe: {  	[sflag:s0] =	ssyncadd.remote.s32 $0x1  }
0xbf: {  	_ =	sfence.sel $0xFFFF  }
0xc0: {  	[dreg:$0x0] =	wrdreg $0xFFFFFFFF;
	(pc) =	sbr.abs _section_cstart, $3  }
0xc1: {  	[dreg:$0x1] =	wrdreg $0xFFFFFFFF  }
0xc2: {  	_ =	task.clear_ibuf [dreg:s7], $0x2FFFF;
	_ =	strace $0x9FFFFFFF  }
0xc3: {  	(tm) =	ssettm $0x7FFFFFFF  }
tec
execute0_lowered:
.L_overlay_start_1:
0x0: {  	(tag) =	ssettag $0x1  }
0x1: {  	s0 =	rddreg [dreg:$0x0]  }
0x2: {  	s1 =	rddreg [dreg:$0x1]  }
0x3: {  	s2 =	rddreg [dreg:$0x2];
	s13 =	stileid.u32;
	s3 =	simm.s32 $0x0  }
0x4: {  	s5 =	srdreg.scid;
	s17 =	simm.s32 $0x7D;
	s18 =	simm.s32 $0xA000  }
0x5: {  	s20 =	simm.s32 $0xBF40;
	s28 =	simm.s32 $0x3;
	s29 =	simm.s32 $0x4  }
0x6: {  	s30 =	simm.s32 $0x9E00;
	s31 =	simm.s32 $0x9E80;
	s4 =	smul.u32 $0x5000, s13  }
0x7: {  	[smem:$0x7FF] =	sst s3;
	s5 =	sand.u32 $0x1, s5;
	s10 =	smul.u32 $0x9C00, s13  }
0x8: {  	s16 =	sadd.s32 $0x9C000, s2;
	p0 =	sne.s32 s13, $0xF;
	s26 =	sshll.u32 s13, $0x6  }
0x9: {  	_ =	strace $0x8000004D;
	s6 =	ssub.s32 $0x2, s5;
	s8 =	smul.u32 $0x9C400, s5  }
0xa: {  	s13 =	sor.u32 $0x1C05, s26;
	s16 =	sshrl.u32 @!p0 s16, $0x3;
	s26 =	simm.s32 $0x2  }
0xb: {  	s4 =	sshrl.u32 s4, $0x3;
	s22 =	sshrl.u32 s6, $0x1;
	s11 =	sadd.s32 s10, s2  }
0xc: {  	s12 =	sshrl.u32 s10, $0x3;
	s7 =	sadd.s32 s4, s1;
	s1 =	sadd.s32 $0x18400, s1  }
0xd: {  	s9 =	ssub.s32 s6, s22;
	s23 =	sshrl.u32 s8, $0x3;
	s24 =	sadd.s32 s10, s8  }
0xe: {  	s10 =	simm.s32 $0x5;
	s14 =	sshrl.u32 s11, $0x3;
	s22 =	simm.s32 $0xDE80  }
0xf: {  	s11 =	simm.s32 $0x0;
	s4 =	sadd.s32 $0x4400, s7;
	s5 =	sadd.s32 $0xE400, s7  }
0x10: {  	s6 =	sadd.s32 s0, s23;
	s0 =	sshrl.u32 s24, $0x3;
	s25 =	sadd.s32 s1, s23  }
0x11: {  	s9 =	smax.u32 s9, $0x1;
	s24 =	simm.s32 $0xFDC0;
	s7 =	sadd.s32 s1, s0  }
0x12: {  	s8 =	sadd.s32 $0x13800, s25;
	s12 =	sadd.s32 s12, s6;
	s15 =	sadd.s32 @!p0 $0x13800, s6  }
0x13: {  	s25 =	simm.s32 $0x1;
	s0 =	simm.s32 $0x9F00;
	s1 =	simm.s32 $0x9F80  }
.LBB2_1:
0x14: {  	[tilespmem:s3], [sflag:$0x5] =	stream.linear.gather [hbm4b:s4+s3], $0x5000, $0x38;
	[tilespmem:$0x1B940] =	vst v63  }
0x15: {  	_ =	swait.ge [sflag:s10], $0x5000  }
0x16: {  	[sflag:s10] =	ssyncset.done $0x0  }
0x17: {  	s19 =	simm.s32 $0x5000;
	[sflag:s10] =	ssyncadd.s32 $0xFFFFB000  }
0x18: {  	[tilespmem:s19], [sflag:$0x5] =	stream.linear.gather [hbm4b:s5+s3], $0x5000, $0x38;
	[tilespmem:$0x1B940] =	vst v63  }
0x19: {  	_ =	swait.ge [sflag:s10], $0x5000  }
0x1a: {  	[sflag:s10] =	ssyncset.done $0x0  }
0x1b: {  	[sflag:s10] =	ssyncadd.s32 $0xFFFFB000  }
0x1c: {  	[spmem:s14], [sflag:s13] =	dma.local [hbm:s12], $0x1380  }
0x1d: {  	_ =	swait.ge [sflag:s10], $0x1380  }
0x1e: {  	[sflag:s10] =	ssyncset.done $0x0  }
0x1f: {  	s19 =	simm.s32 @!p0 $0x5;
	[sflag:s10] =	ssyncadd.s32 $0xFFFFEC80  }
0x20: {  	[spmem:s16], [sflag:s13] =	dma.local @!p0 [hbm:s15], $0x80  }
0x21: {  	_ =	swait.ge @!p0 [sflag:s19], $0x80  }
0x22: {  	[sflag:s19] =	ssyncset.done @!p0 $0x0  }
0x23: {  	[sflag:s19] =	ssyncadd.s32 @!p0 $0xFFFFFF80  }
0x24: {  	[bflag:$0x0] =	sbarrier.arrive $0xFFFF  }
0x25: {  	[tilespmem:s18], [sflag:$0x1] =	stream.indirect.gather [hbm4b:s6+s17], $0x40, s3, s17, $0xb8;
	[tilespmem:$0x1B940] =	vst v63  }
0x26: {  	s21 =	simm.s32 $0x80  }
0x27: {  	[tilespmem:s20], [sflag:$0x2] =	stream.indirect.gather [hbm4b:s6+s17], $0x40, s21, s17, $0xb8;
	[tilespmem:$0x1B940] =	vst v63  }
0x28: {  	s23 =	simm.s32 $0x100  }
0x29: {  	[tilespmem:s22], [sflag:$0x3] =	stream.indirect.gather [hbm4b:s6+s17], $0x40, s23, s17, $0xb8;
	[tilespmem:$0x1B940] =	vst v63  }
0x2a: {  	s21 =	simm.s32 $0x180  }
0x2b: {  	[tilespmem:s24], [sflag:$0x4] =	stream.indirect.gather [hbm4b:s6+s17], $0x40, s21, s17, $0xb8;
	[tilespmem:$0x1B940] =	vst v63  }
0x2c: {  	_ =	swait.ge [sflag:s25], $0x1F40  }
0x2d: {  	[sflag:s25] =	ssyncset.done $0x0  }
0x2e: {  	s23 =	simm.s32 $0x5000;
	[sflag:s25] =	ssyncadd.s32 $0xFFFFE0C0  }
0x2f: {  	[spmem:s2] =	stream.indirect.scatter.add.f32 [tilespmem:s18], [sflag:$0x5], $0x40, s23, s17, $0xb8;
	[tilespmem:$0x1B940] =	vst v63  }
0x30: {  	_ =	swait.ge [sflag:s10], $0x1F40  }
0x31: {  	[sflag:s10] =	ssyncset.done $0x0  }
0x32: {  	s21 =	simm.s32 $0x200;
	[sflag:s10] =	ssyncadd.s32 $0xFFFFE0C0  }
0x33: {  	[tilespmem:s18], [sflag:$0x1] =	stream.indirect.gather [hbm4b:s6+s17], $0x40, s21, s17, $0xb8;
	[tilespmem:$0x1B940] =	vst v63  }
0x34: {  	_ =	swait.ge [sflag:s26], $0x1F40  }
0x35: {  	[sflag:s26] =	ssyncset.done $0x0  }
0x36: {  	s23 =	simm.s32 $0x5080;
	[sflag:s26] =	ssyncadd.s32 $0xFFFFE0C0  }
0x37: {  	[spmem:s2] =	stream.indirect.scatter.add.f32 [tilespmem:s20], [sflag:$0x5], $0x40, s23, s17, $0xb8;
	[tilespmem:$0x1B940] =	vst v63  }
0x38: {  	_ =	swait.ge [sflag:s10], $0x1F40  }
0x39: {  	[sflag:s10] =	ssyncset.done $0x0  }
0x3a: {  	s21 =	simm.s32 $0x280;
	[sflag:s10] =	ssyncadd.s32 $0xFFFFE0C0  }
0x3b: {  	[tilespmem:s20], [sflag:$0x2] =	stream.indirect.gather [hbm4b:s6+s17], $0x40, s21, s17, $0xb8;
	[tilespmem:$0x1B940] =	vst v63  }
0x3c: {  	_ =	swait.ge [sflag:s28], $0x1F40  }
0x3d: {  	[sflag:s28] =	ssyncset.done $0x0  }
0x3e: {  	s23 =	simm.s32 $0x5100;
	[sflag:s28] =	ssyncadd.s32 $0xFFFFE0C0  }
0x3f: {  	[spmem:s2] =	stream.indirect.scatter.add.f32 [tilespmem:s22], [sflag:$0x5], $0x40, s23, s17, $0xb8;
	[tilespmem:$0x1B940] =	vst v63  }
0x40: {  	_ =	swait.ge [sflag:s10], $0x1F40  }
0x41: {  	[sflag:s10] =	ssyncset.done $0x0  }
0x42: {  	s21 =	simm.s32 $0x300;
	[sflag:s10] =	ssyncadd.s32 $0xFFFFE0C0  }
0x43: {  	[tilespmem:s22], [sflag:$0x3] =	stream.indirect.gather [hbm4b:s6+s17], $0x40, s21, s17, $0xb8;
	[tilespmem:$0x1B940] =	vst v63  }
0x44: {  	_ =	swait.ge [sflag:s29], $0x1F40  }
0x45: {  	[sflag:s29] =	ssyncset.done $0x0  }
0x46: {  	s23 =	simm.s32 $0x5180;
	[sflag:s29] =	ssyncadd.s32 $0xFFFFE0C0  }
0x47: {  	[spmem:s2] =	stream.indirect.scatter.add.f32 [tilespmem:s24], [sflag:$0x5], $0x40, s23, s17, $0xb8;
	[tilespmem:$0x1B940] =	vst v63  }
0x48: {  	_ =	swait.ge [sflag:s10], $0x1F40  }
0x49: {  	[sflag:s10] =	ssyncset.done $0x0  }
0x4a: {  	s19 =	simm.s32 $0x800;
	s21 =	simm.s32 $0x380;
	[sflag:s10] =	ssyncadd.s32 $0xFFFFE0C0  }
.LBB2_2:
0x4b: {  	[tilespmem:s24], [sflag:$0x4] =	stream.indirect.gather [hbm4b:s6+s17], $0x40, s21, s17, $0xb8;
	[tilespmem:$0x1B940] =	vst v63  }
0x4c: {  	s21 =	smov.u32 s19  }
0x4d: {  	p1 =	sne.s32 s19, $0x13000;
	s19 =	sadd.s32 $0x800, s19;
	_ =	swait.ge [sflag:s25], $0x1F40  }
0x4e: {  	s21 =	sshra.s32 s21, $0x2;
	[sflag:s25] =	ssyncset.done $0x0  }
0x4f: {  	s23 =	sadd.s32 $0x5000, s21;
	[sflag:s25] =	ssyncadd.s32 $0xFFFFE0C0  }
0x50: {  	[spmem:s2] =	stream.indirect.scatter.add.f32 [tilespmem:s18], [sflag:$0x5], $0x40, s23, s17, $0xb8;
	[tilespmem:$0x1B940] =	vst v63  }
0x51: {  	_ =	swait.ge [sflag:s10], $0x1F40  }
0x52: {  	[sflag:s10] =	ssyncset.done $0x0  }
0x53: {  	s23 =	sadd.s32 $0x200, s21;
	[sflag:s10] =	ssyncadd.s32 $0xFFFFE0C0  }
0x54: {  	[tilespmem:s18], [sflag:$0x1] =	stream.indirect.gather [hbm4b:s6+s17], $0x40, s23, s17, $0xb8;
	[tilespmem:$0x1B940] =	vst v63  }
0x55: {  	_ =	swait.ge [sflag:s26], $0x1F40  }
0x56: {  	[sflag:s26] =	ssyncset.done $0x0  }
0x57: {  	s23 =	sadd.s32 $0x5080, s21;
	[sflag:s26] =	ssyncadd.s32 $0xFFFFE0C0  }
0x58: {  	[spmem:s2] =	stream.indirect.scatter.add.f32 [tilespmem:s20], [sflag:$0x5], $0x40, s23, s17, $0xb8;
	[tilespmem:$0x1B940] =	vst v63  }
0x59: {  	_ =	swait.ge [sflag:s10], $0x1F40  }
0x5a: {  	[sflag:s10] =	ssyncset.done $0x0  }
0x5b: {  	s23 =	sadd.s32 $0x280, s21;
	[sflag:s10] =	ssyncadd.s32 $0xFFFFE0C0  }
0x5c: {  	[tilespmem:s20], [sflag:$0x2] =	stream.indirect.gather [hbm4b:s6+s17], $0x40, s23, s17, $0xb8;
	[tilespmem:$0x1B940] =	vst v63  }
0x5d: {  	_ =	swait.ge [sflag:s28], $0x1F40  }
0x5e: {  	[sflag:s28] =	ssyncset.done $0x0  }
0x5f: {  	s23 =	sadd.s32 $0x5100, s21;
	[sflag:s28] =	ssyncadd.s32 $0xFFFFE0C0  }
0x60: {  	[spmem:s2] =	stream.indirect.scatter.add.f32 [tilespmem:s22], [sflag:$0x5], $0x40, s23, s17, $0xb8;
	[tilespmem:$0x1B940] =	vst v63  }
0x61: {  	_ =	swait.ge [sflag:s10], $0x1F40  }
0x62: {  	[sflag:s10] =	ssyncset.done $0x0  }
0x63: {  	s23 =	sadd.s32 $0x300, s21;
	[sflag:s10] =	ssyncadd.s32 $0xFFFFE0C0  }
0x64: {  	[tilespmem:s22], [sflag:$0x3] =	stream.indirect.gather [hbm4b:s6+s17], $0x40, s23, s17, $0xb8;
	[tilespmem:$0x1B940] =	vst v63  }
0x65: {  	_ =	swait.ge [sflag:s29], $0x1F40  }
0x66: {  	[sflag:s29] =	ssyncset.done $0x0  }
.Ltmp0:
0x67: {  	s23 =	sadd.s32 $0x5180, s21;
	[sflag:s29] =	ssyncadd.s32 $0xFFFFE0C0;
	(pc) =	sbr.rel @p1 .LBB2_2-.Ltmp0, $4  }
0x68: {  	[spmem:s2] =	stream.indirect.scatter.add.f32 [tilespmem:s24], [sflag:$0x5], $0x40, s23, s17, $0xb8;
	[tilespmem:$0x1B940] =	vst v63  }
0x69: {  	_ =	swait.ge [sflag:s10], $0x1F40  }
0x6a: {  	[sflag:s10] =	ssyncset.done $0x0  }
0x6b: {  	s21 =	sadd.s32 $0x380, s21;
	[sflag:s10] =	ssyncadd.s32 $0xFFFFE0C0  }
0x6c: {  	[tilespmem:s24], [sflag:$0x4] =	stream.indirect.gather [hbm4b:s6+s17], $0x40, s21, s17, $0xb8;
	[tilespmem:$0x1B940] =	vst v63  }
0x6d: {  	_ =	swait.ge [sflag:s25], $0x1F40  }
0x6e: {  	[sflag:s25] =	ssyncset.done $0x0  }
0x6f: {  	[sflag:s25] =	ssyncadd.s32 $0xFFFFE0C0  }
0x70: {  	[spmem:s2] =	stream.indirect.scatter.add.f32 [tilespmem:s18], [sflag:$0x5], $0x40, s30, s17, $0xb8;
	[tilespmem:$0x1B940] =	vst v63  }
0x71: {  	_ =	swait.ge [sflag:s10], $0x1F40  }
0x72: {  	[sflag:s10] =	ssyncset.done $0x0  }
0x73: {  	[sflag:s10] =	ssyncadd.s32 $0xFFFFE0C0  }
0x74: {  	_ =	swait.ge [sflag:s26], $0x1F40  }
0x75: {  	[sflag:s26] =	ssyncset.done $0x0  }
0x76: {  	[sflag:s26] =	ssyncadd.s32 $0xFFFFE0C0  }
0x77: {  	[spmem:s2] =	stream.indirect.scatter.add.f32 [tilespmem:s20], [sflag:$0x5], $0x40, s31, s17, $0xb8;
	[tilespmem:$0x1B940] =	vst v63  }
0x78: {  	_ =	swait.ge [sflag:s10], $0x1F40  }
0x79: {  	[sflag:s10] =	ssyncset.done $0x0  }
0x7a: {  	[sflag:s10] =	ssyncadd.s32 $0xFFFFE0C0  }
0x7b: {  	_ =	swait.ge [sflag:s28], $0x1F40  }
0x7c: {  	[sflag:s28] =	ssyncset.done $0x0  }
0x7d: {  	[sflag:s28] =	ssyncadd.s32 $0xFFFFE0C0  }
0x7e: {  	[spmem:s2] =	stream.indirect.scatter.add.f32 [tilespmem:s22], [sflag:$0x5], $0x40, s0, s17, $0xb8;
	[tilespmem:$0x1B940] =	vst v63  }
0x7f: {  	_ =	swait.ge [sflag:s10], $0x1F40  }
0x80: {  	[sflag:s10] =	ssyncset.done $0x0  }
0x81: {  	[sflag:s10] =	ssyncadd.s32 $0xFFFFE0C0  }
0x82: {  	_ =	swait.ge [sflag:s29], $0x1F40  }
0x83: {  	[sflag:s29] =	ssyncset.done $0x0  }
0x84: {  	[sflag:s29] =	ssyncadd.s32 $0xFFFFE0C0  }
0x85: {  	[spmem:s2] =	stream.indirect.scatter.add.f32 [tilespmem:s24], [sflag:$0x5], $0x40, s1, s17, $0xb8;
	[tilespmem:$0x1B940] =	vst v63  }
0x86: {  	_ =	swait.ge [sflag:s10], $0x1F40  }
0x87: {  	[sflag:s10] =	ssyncset.done $0x0  }
0x88: {  	[sflag:s10] =	ssyncadd.s32 $0xFFFFE0C0  }
0x89: {  	[bflag:$0x0] =	sbarrier.arrive $0xFFFF  }
0x8a: {  	[hbm:s7], [sflag:s13] =	dma.local [spmem:s14], $0x1380  }
0x8b: {  	s11 =	sadd.s32 $0x1, s11;
	_ =	swait.ge [sflag:s10], $0x1380  }
0x8c: {  	p1 =	sne.s32 s11, s9;
	[sflag:s10] =	ssyncset.done $0x0  }
.Ltmp1:
0x8d: {  	s19 =	simm.s32 @!p0 $0x5;
	[sflag:s10] =	ssyncadd.s32 $0xFFFFEC80;
	(pc) =	sbr.rel @p1 .LBB2_1-.Ltmp1, $4  }
0x8e: {  	[hbm:s8], [sflag:s13] =	dma.local @!p0 [spmem:s16], $0x80  }
0x8f: {  	_ =	swait.ge @!p0 [sflag:s19], $0x80  }
0x90: {  	[sflag:s19] =	ssyncset.done @!p0 $0x0  }
0x91: {  	[sflag:s19] =	ssyncadd.s32 @!p0 $0xFFFFFF80  }
0x92: {  	_ =	sfence.sel $0x180000  }
0x93: {  	[bflag:$0x0] =	sbarrier.arrive $0xFFFF  }
0x94: {  	_ =	strace $0x9000004D  }
0x95: {  	s0 =	stileid.u32;
	[bflag:$0x2] =	sbarrier.arrive $0xFFFF  }
0x96: {  	p0 =	sne.s32 s0, $0x0;
	s0 =	rddreg [dreg:$0x3]  }
0x97: {  	s0 =	sadd.s32 @!p0 $0x100000, s0  }
0x98: {  	[sflag:s0] =	ssyncadd.tile.s32 @!p0 $0x1;
	_ =	shalt  }
.Lfunc_end2:
_tile_overlayer_lowered:
.L_overlay_start_2:
0x99: {  	(tag) =	ssettag $0x2  }
0x9a: {  	s0 =	rddreg [dreg:$0x0];
	s2 =	stileid.u32  }
0x9b: {  	s1 =	rddreg [dreg:$0x1];
	p0 =	sne.s32 s2, $0x0  }
0x9c: {  	s3 =	rddreg [dreg:$0x2];
	[bflag:$0x3] =	sbarrier.arrive $0xFFFF;
	s2 =	simm.s32 @!p0 $0x1C05  }
0x9d: {  	[timem:s3], [sflag:s2] =	dma.local @!p0 [hbm:s0], s1  }
0x9e: {  	s0 =	simm.s32 @!p0 $0x5  }
0x9f: {  	_ =	swait.ge @!p0 [sflag:s0], s1  }
0xa0: {  	s1 =	ssub.s32 @!p0 $0x0, s1;
	[sflag:s0] =	ssyncset.done @!p0 $0x0  }
0xa1: {  	[sflag:s0] =	ssyncadd.s32 @!p0 s1  }
0xa2: {  	[bflag:$0x3] =	sbarrier.arrive $0xFFFF  }
0xa3: {  	_ =	shalt  }

// kernel: kernel.8.cloned.1.call-start
scs
__scs_entry_jumppad:
0x0: {  	(pc) =	sbr.rel $0x88, $3  }
0x1: {  	(tag) =	ssettag $0x0;
	lr =	simm.s32 $0x1  }
0x2: {  	[smem:$0x3F8D] =	sst lr;
	_ =	strace $0xD0000000  }
0x3: {  	_ = 	snop  }
0x4: {  	_ = 	snop  }
0x5: {  	_ = 	snop  }
0x6: {  	_ = 	snop  }
0x7: {  	_ = 	snop  }
__scs_overlays_trampoline_lowered:
0x8: {  	[smem:$0x3F9C] =	sst s0  }
0x9: {  	[smem:$0x3F9D] =	sst s1  }
0xa: {  	[smem:$0x3F9E] =	sst s2  }
0xb: {  	[smem:$0x3F9F] =	sst s3  }
0xc: {  	[smem:$0x3FA0] =	sst s4  }
0xd: {  	[smem:$0x3FA1] =	sst s5  }
0xe: {  	[smem:$0x3FA2] =	sst s6  }
0xf: {  	[smem:$0x3FA3] =	sst s7  }
0x10: {  	[smem:$0x3FA4] =	sst s8  }
0x11: {  	[smem:$0x3FA5] =	sst s9;
	s0 =	simm.s32 @!p0 $0x0  }
0x12: {  	s1 =	sld [smem:$0x3F8B];
	s0 =	simm.s32 @p0 $0x1  }
0x13: {  	[smem:$0x3FA6] =	sst s0;
	s0 =	simm.s32 @!p1 $0x0  }
0x14: {  	s2 =	sld [smem:$0x3F8A];
	s0 =	simm.s32 @p1 $0x1  }
0x15: {  	[smem:$0x3FA7] =	sst s0;
	s0 =	simm.s32 @!p2 $0x0  }
0x16: {  	s3 =	sld [smem:$0x3FDB];
	s0 =	simm.s32 @p2 $0x1  }
0x17: {  	s4 =	simm.s32 $0x1BF5;
	[smem:$0x3FA9] =	sst s0  }
0x18: {  	s0 =	sld [smem:$0x3F8C];
	_ =	swait.ge [sflag:s4], $0x0  }
0x19: {  	s7 =	sld [smem:$0x3F8D]  }
0x1a: {  	s8 =	sadd.s32 $0xFFFFE003, lr  }
0x1b: {  	s9 =	sadd.s32 $0xFFFFFEF7, lr;
	s5 =	simm.s32 $0xFFFFFFFF;
	p2 =	slt.u32 s8, $0xFFFFF086  }
0x1c: {  	p1 =	slt.u32 s9, $0xF7A;
	s5 =	simm.s32 @!p2 $0x0  }
0x1d: {  	s5 =	simm.s32 @p1 $0x1;
	p0 =	seq.s32 s7, s2  }
0x1e: {  	s7 =	smul.u32 @!p0 $0xF7A, s2;
	p2 =	seq.s32 @!p0 s5, $0x0  }
0x1f: {  	s9 =	smul.u32 $0xF7A, s1;
	s8 =	simm.s32 @!p0 $0x1BF5;
	p2 =	por !p2, p0  }
0x20: {  	[sflag:s8] =	ssyncset.s32 @!p0 $0xFFFFF086;
	s6 =	sadd.s32 @!p0 s3, s7;
	s7 =	simm.s32 @!p0 $0x108  }
0x21: {  	s3 =	sadd.s32 s3, s9;
	s6 =	sadd.s32 @!p0 $0x88, s6;
	s7 =	simm.s32 @p2 $0x1082  }
0x22: {  	[simem:s7], [sflag:s8] =	dma.local @!p0 [hbm:s6], $0xF7A  }
0x23: {  	s9 =	sor.u32 $0xD0000000, s2;
	s6 =	simm.s32 $0x108;
	_ =	swait.ge @!p0 [sflag:s8], $0x0  }
0x24: {  	s3 =	sadd.s32 $0x88, s3;
	s6 =	simm.s32 @!p1 $0x1082;
	[sflag:s4] =	ssyncset.s32 $0xFFFFF086  }
0x25: {  	[simem:s6], [sflag:s4] =	dma.local [hbm:s3], $0xF7A  }
0x26: {  	[smem:$0x3F8D] =	sst s1;
	(tag) =	ssettag s2;
	_ =	strace s9  }
0x27: {  	s1 =	sld [smem:$0x3F9D]  }
0x28: {  	s2 =	sld [smem:$0x3F9E]  }
0x29: {  	s4 =	sld [smem:$0x3FA0]  }
0x2a: {  	p0 =	seq.s32 s5, $0x0;
	s5 =	sld [smem:$0x3FA1]  }
0x2b: {  	s6 =	sld [smem:$0x3FA2]  }
0x2c: {  	s7 =	sld [smem:$0x3FA3]  }
0x2d: {  	s3 =	simm.s32 $0x108;
	s8 =	sld [smem:$0x3FA4]  }
0x2e: {  	s3 =	simm.s32 @!p0 $0x1082;
	s9 =	sld [smem:$0x3FA5]  }
0x2f: {  	lr =	sadd.s32 s0, s3;
	s0 =	sld [smem:$0x3F9C]  }
0x30: {  	s3 =	sld [smem:$0x3F9F]  }
0x31: {  	[smem:$0x3FA8] =	sst s10  }
0x32: {  	s10 =	sld [smem:$0x3FA6];
	_ =	sdelay $0x3  }
0x33: {  	p0 =	seq.s32 s10, $0x1;
	s10 =	sld [smem:$0x3FA8];
	_ =	sdelay $0x3  }
0x34: {  	[smem:$0x3FA8] =	sst s10  }
0x35: {  	s10 =	sld [smem:$0x3FA7];
	_ =	sdelay $0x3  }
0x36: {  	p1 =	seq.s32 s10, $0x1;
	s10 =	sld [smem:$0x3FA8];
	_ =	sdelay $0x3  }
0x37: {  	[smem:$0x3FA8] =	sst s10  }
0x38: {  	s10 =	sld [smem:$0x3FA9]  }
0x39: {  	_ = 	snop;
	(pc) =	sbr.ind lr, $3  }
0x3a: {  	_ = 	snop  }
0x3b: {  	_ = 	snop  }
0x3c: {  	p2 =	seq.s32 s10, $0x1;
	s10 =	sld [smem:$0x3FA8]  }
0x3d: {  	_ =	shalt  }
0x3e: {  	_ =	shalt  }
0x3f: {  	_ =	shalt  }
0x40: {  	_ =	shalt  }
0x41: {  	_ =	shalt  }
0x42: {  	_ =	shalt  }
0x43: {  	_ =	shalt  }
0x44: {  	_ =	shalt  }
0x45: {  	_ =	shalt  }
0x46: {  	_ =	shalt  }
0x47: {  	_ =	shalt  }
0x48: {  	_ =	shalt  }
0x49: {  	_ =	shalt  }
0x4a: {  	_ =	shalt  }
0x4b: {  	_ =	shalt  }
0x4c: {  	_ =	shalt  }
0x4d: {  	_ =	shalt  }
0x4e: {  	_ =	shalt  }
0x4f: {  	_ =	shalt  }
0x50: {  	_ =	shalt  }
0x51: {  	_ =	shalt  }
0x52: {  	_ =	shalt  }
0x53: {  	_ =	shalt  }
0x54: {  	_ =	shalt  }
0x55: {  	_ =	shalt  }
0x56: {  	_ =	shalt  }
0x57: {  	_ =	shalt  }
0x58: {  	_ =	shalt  }
0x59: {  	_ =	shalt  }
0x5a: {  	_ =	shalt  }
0x5b: {  	_ =	shalt  }
0x5c: {  	_ =	shalt  }
0x5d: {  	_ =	shalt  }
0x5e: {  	_ =	shalt  }
0x5f: {  	_ =	shalt  }
0x60: {  	_ =	shalt  }
0x61: {  	_ =	shalt  }
0x62: {  	_ =	shalt  }
0x63: {  	_ =	shalt  }
0x64: {  	_ =	shalt  }
0x65: {  	_ =	shalt  }
0x66: {  	_ =	shalt  }
0x67: {  	_ =	shalt  }
0x68: {  	_ =	shalt  }
0x69: {  	_ =	shalt  }
0x6a: {  	_ =	shalt  }
0x6b: {  	_ =	shalt  }
0x6c: {  	_ =	shalt  }
0x6d: {  	_ =	shalt  }
0x6e: {  	_ =	shalt  }
0x6f: {  	_ =	shalt  }
0x70: {  	_ =	shalt  }
0x71: {  	_ =	shalt  }
0x72: {  	_ =	shalt  }
0x73: {  	_ =	shalt  }
0x74: {  	_ =	shalt  }
0x75: {  	_ =	shalt  }
0x76: {  	_ =	shalt  }
0x77: {  	_ =	shalt  }
0x78: {  	_ =	shalt  }
0x79: {  	_ =	shalt  }
0x7a: {  	_ =	shalt  }
0x7b: {  	_ =	shalt  }
0x7c: {  	_ =	shalt  }
0x7d: {  	_ =	shalt  }
0x7e: {  	_ =	shalt  }
0x7f: {  	_ =	shalt  }
0x80: {  	_ =	shalt  }
0x81: {  	_ =	shalt  }
0x82: {  	_ =	shalt  }
0x83: {  	_ =	shalt  }
0x84: {  	_ =	shalt  }
0x85: {  	_ =	shalt  }
0x86: {  	_ =	shalt  }
0x87: {  	_ =	shalt  }
.Lfunc_end0:
.L_simem_size_0:
called_computation_lowered:
.L_overlay_start_0:
0x88: {  	s2 =	sld [smem:$0x3FD9]  }
0x89: {  	s3 =	sld [smem:$0x3FFE];
	_ =	sdelay $0x1  }
0x8a: {  	s1 =	srdreg.scid  }
0x8b: {  	s0 =	sand.u32 $0x1, s1  }
0x8c: {  	s17 =	sshll.u32 s0, $0xA;
	s2 =	sadd.s32 s3, s2  }
0x8d: {  	s2 =	sadd.s32 s2, s17  }
0x8e: {  	[smem:$0x3FB4] =	sst s2  }
0x8f: {  	_ = 	snop  }
0x90: {  	s2 =	sld [smem:$0x3FD0];
	(tm) =	ssettm $0x1  }
0x91: {  	s18 =	sld [smem:$0x3FFB];
	_ =	sdelay $0x3  }
0x92: {  	_ =	strace s18  }
0x93: {  	s3 =	sld [smem:$0x3FFC];
	_ =	sdelay $0x3  }
0x94: {  	_ =	strace s3  }
0x95: {  	s3 =	sld [smem:$0x3FFD];
	_ =	sdelay $0x3  }
0x96: {  	_ =	strace s3  }
0x97: {  	_ =	strace $0x8FFFFFFF  }
0x98: {  	s19 =	sld [smem:$0x3FDB];
	_ =	sdelay $0x1  }
0x99: {  	s4 =	simm.s32 $_scs_section_size  }
0x9a: {  	s5 =	simm.s32 $_size__tile_overlayer_lowered;
	s6 =	simm.s32 $_tile_overlayer_lowered  }
0x9b: {  	s22 =	simm.s32 $0x1BFF;
	s21 =	sshll.u32 s6, $0x1;
	s3 =	sadd.s32 s4, s19  }
0x9c: {  	s7 =	simm.s32 $0x0;
	s20 =	sshll.u32 s5, $0x1;
	s5 =	sadd.s32 s21, s3  }
0x9d: {  	[timem:s7], [sflag:s22] =	dma.local [hbm:s5], s20  }
0x9e: {  	_ =	swait.ge [sflag:s22], s20  }
0x9f: {  	s4 =	ssub.s32 $0x0, s20;
	[sflag:s22] =	ssyncset.done $0x0  }
0xa0: {  	[sflag:s22] =	ssyncadd.s32 s4;
	_ =	sdelay $0x1  }
0xa1: {  	s23 =	simm.s32 $0x1B8B  }
0xa2: {  	_ =	swait.ge [sflag:s23], $0x1  }
0xa3: {  	[sflag:s23] =	ssyncset.done $0x0  }
0xa4: {  	s25 =	simm.s32 $0x1B8E;
	s24 =	sld [smem:$0x3FFE];
	[sflag:s23] =	ssyncadd.s32 $0xFFFFFFFF  }
0xa5: {  	s26 =	simm.s32 $execute0_lowered;
	[smem:$0x3FD2] =	sst s25  }
0xa6: {  	s5 =	sshll.u32 s26, $0x1;
	_ =	strace $0x80000046;
	[dreg:$0x1] =	wrdreg $0xFFFFFFFF  }
0xa7: {  	s28 =	simm.s32 $_size_execute0_lowered;
	s3 =	sadd.s32 s3, s5;
	[dreg:$0x0] =	wrdreg $0x0  }
0xa8: {  	s5 =	sshll.u32 s28, $0x1;
	[dreg:$0x2] =	wrdreg s3  }
0xa9: {  	[dreg:$0x3] =	wrdreg s5  }
0xaa: {  	[dreg:$0x4] =	wrdreg $0xC0  }
0xab: {  	_ =	task [dreg:s7], $0x5FFFF  }
0xac: {  	[dreg:$0x1] =	wrdreg $0xFFFFFFFF  }
0xad: {  	[dreg:$0x0] =	wrdreg $0x60  }
0xae: {  	[dreg:$0x2] =	wrdreg s2  }
0xaf: {  	[dreg:$0x3] =	wrdreg s24  }
0xb0: {  	[dreg:$0x4] =	wrdreg $0x11D000  }
0xb1: {  	[dreg:$0x5] =	wrdreg $0x9  }
0xb2: {  	_ =	task.clear_ibuf [dreg:s7], $0x6FFFF;
	_ =	strace $0x90000046  }
0xb3: {  	s29 =	simm.s32 $0x9;
	_ =	strace $0x80000048  }
0xb4: {  	_ =	swait.ge [sflag:s29], $0x1  }
0xb5: {  	[sflag:s29] =	ssyncadd.s32 $0xFFFFFFFF  }
0xb6: {  	_ =	strace $0x90000048  }
0xb7: {  	_ =	sfence  }
0xb8: {  	s30 =	sld [smem:$0x0];
	_ =	sdelay $0x2  }
0xb9: {  	s31 =	sshll.u32 s1, $0xD;
	s1 =	sshrl.u32 s1, $0x2  }
0xba: {  	s3 =	sand.u32 $0x4000, s31;
	s1 =	sadd.s32 s1, s30  }
0xbb: {  	s0 =	sor.u32 s3, s0;
	s1 =	sshll.u32 s1, $0x11  }
0xbc: {  	s0 =	sor.u32 s1, s0  }
0xbd: {  	s0 =	sadd.s32 $0x8F2B, s0  }
0xbe: {  	[sflag:s0] =	ssyncadd.remote.s32 $0x1  }
0xbf: {  	_ =	sfence.sel $0xFFFF  }
0xc0: {  	[dreg:$0x0] =	wrdreg $0xFFFFFFFF;
	(pc) =	sbr.abs _section_cstart, $3  }
0xc1: {  	[dreg:$0x1] =	wrdreg $0xFFFFFFFF  }
0xc2: {  	_ =	task.clear_ibuf [dreg:s7], $0x2FFFF;
	_ =	strace $0x9FFFFFFF  }
0xc3: {  	(tm) =	ssettm $0x7FFFFFFF  }
tec
execute0_lowered:
.L_overlay_start_1:
0x0: {  	(tag) =	ssettag $0x1  }
0x1: {  	s0 =	rddreg [dreg:$0x0]  }
0x2: {  	s1 =	rddreg [dreg:$0x1]  }
0x3: {  	s2 =	rddreg [dreg:$0x2];
	s13 =	stileid.u32;
	s3 =	simm.s32 $0x0  }
0x4: {  	s5 =	srdreg.scid;
	s17 =	simm.s32 $0x7D;
	s18 =	simm.s32 $0xA000  }
0x5: {  	s20 =	simm.s32 $0xBF40;
	s28 =	simm.s32 $0x3;
	s29 =	simm.s32 $0x4  }
0x6: {  	s30 =	simm.s32 $0x9E00;
	s31 =	simm.s32 $0x9E80;
	s4 =	smul.u32 $0x5000, s13  }
0x7: {  	[smem:$0x7FF] =	sst s3;
	s5 =	sand.u32 $0x1, s5;
	s10 =	smul.u32 $0x9C00, s13  }
0x8: {  	s16 =	sadd.s32 $0x9C000, s2;
	p0 =	sne.s32 s13, $0xF;
	s26 =	sshll.u32 s13, $0x6  }
0x9: {  	_ =	strace $0x80000047;
	s6 =	ssub.s32 $0x2, s5;
	s8 =	smul.u32 $0x9C400, s5  }
0xa: {  	s13 =	sor.u32 $0x1C05, s26;
	s16 =	sshrl.u32 @!p0 s16, $0x3;
	s26 =	simm.s32 $0x2  }
0xb: {  	s4 =	sshrl.u32 s4, $0x3;
	s22 =	sshrl.u32 s6, $0x1;
	s11 =	sadd.s32 s10, s2  }
0xc: {  	s12 =	sshrl.u32 s10, $0x3;
	s7 =	sadd.s32 s4, s1;
	s1 =	sadd.s32 $0x18400, s1  }
0xd: {  	s9 =	ssub.s32 s6, s22;
	s23 =	sshrl.u32 s8, $0x3;
	s24 =	sadd.s32 s10, s8  }
0xe: {  	s10 =	simm.s32 $0x5;
	s14 =	sshrl.u32 s11, $0x3;
	s22 =	simm.s32 $0xDE80  }
0xf: {  	s11 =	simm.s32 $0x0;
	s4 =	sadd.s32 $0x4400, s7;
	s5 =	sadd.s32 $0xE400, s7  }
0x10: {  	s6 =	sadd.s32 s0, s23;
	s0 =	sshrl.u32 s24, $0x3;
	s25 =	sadd.s32 s1, s23  }
0x11: {  	s9 =	smax.u32 s9, $0x1;
	s24 =	simm.s32 $0xFDC0;
	s7 =	sadd.s32 s1, s0  }
0x12: {  	s8 =	sadd.s32 $0x13800, s25;
	s12 =	sadd.s32 s12, s6;
	s15 =	sadd.s32 @!p0 $0x13800, s6  }
0x13: {  	s25 =	simm.s32 $0x1;
	s0 =	simm.s32 $0x9F00;
	s1 =	simm.s32 $0x9F80  }
.LBB2_1:
0x14: {  	[tilespmem:s3], [sflag:$0x5] =	stream.linear.gather [hbm4b:s4+s3], $0x5000, $0x38;
	[tilespmem:$0x1B940] =	vst v63  }
0x15: {  	_ =	swait.ge [sflag:s10], $0x5000  }
0x16: {  	[sflag:s10] =	ssyncset.done $0x0  }
0x17: {  	s19 =	simm.s32 $0x5000;
	[sflag:s10] =	ssyncadd.s32 $0xFFFFB000  }
0x18: {  	[tilespmem:s19], [sflag:$0x5] =	stream.linear.gather [hbm4b:s5+s3], $0x5000, $0x38;
	[tilespmem:$0x1B940] =	vst v63  }
0x19: {  	_ =	swait.ge [sflag:s10], $0x5000  }
0x1a: {  	[sflag:s10] =	ssyncset.done $0x0  }
0x1b: {  	[sflag:s10] =	ssyncadd.s32 $0xFFFFB000  }
0x1c: {  	[spmem:s14], [sflag:s13] =	dma.local [hbm:s12], $0x1380  }
0x1d: {  	_ =	swait.ge [sflag:s10], $0x1380  }
0x1e: {  	[sflag:s10] =	ssyncset.done $0x0  }
0x1f: {  	s19 =	simm.s32 @!p0 $0x5;
	[sflag:s10] =	ssyncadd.s32 $0xFFFFEC80  }
0x20: {  	[spmem:s16], [sflag:s13] =	dma.local @!p0 [hbm:s15], $0x80  }
0x21: {  	_ =	swait.ge @!p0 [sflag:s19], $0x80  }
0x22: {  	[sflag:s19] =	ssyncset.done @!p0 $0x0  }
0x23: {  	[sflag:s19] =	ssyncadd.s32 @!p0 $0xFFFFFF80  }
0x24: {  	[bflag:$0x0] =	sbarrier.arrive $0xFFFF  }
0x25: {  	[tilespmem:s18], [sflag:$0x1] =	stream.indirect.gather [hbm4b:s6+s17], $0x40, s3, s17, $0xb8;
	[tilespmem:$0x1B940] =	vst v63  }
0x26: {  	s21 =	simm.s32 $0x80  }
0x27: {  	[tilespmem:s20], [sflag:$0x2] =	stream.indirect.gather [hbm4b:s6+s17], $0x40, s21, s17, $0xb8;
	[tilespmem:$0x1B940] =	vst v63  }
0x28: {  	s23 =	simm.s32 $0x100  }
0x29: {  	[tilespmem:s22], [sflag:$0x3] =	stream.indirect.gather [hbm4b:s6+s17], $0x40, s23, s17, $0xb8;
	[tilespmem:$0x1B940] =	vst v63  }
0x2a: {  	s21 =	simm.s32 $0x180  }
0x2b: {  	[tilespmem:s24], [sflag:$0x4] =	stream.indirect.gather [hbm4b:s6+s17], $0x40, s21, s17, $0xb8;
	[tilespmem:$0x1B940] =	vst v63  }
0x2c: {  	_ =	swait.ge [sflag:s25], $0x1F40  }
0x2d: {  	[sflag:s25] =	ssyncset.done $0x0  }
0x2e: {  	s23 =	simm.s32 $0x5000;
	[sflag:s25] =	ssyncadd.s32 $0xFFFFE0C0  }
0x2f: {  	[spmem:s2] =	stream.indirect.scatter.add.f32 [tilespmem:s18], [sflag:$0x5], $0x40, s23, s17, $0xb8;
	[tilespmem:$0x1B940] =	vst v63  }
0x30: {  	_ =	swait.ge [sflag:s10], $0x1F40  }
0x31: {  	[sflag:s10] =	ssyncset.done $0x0  }
0x32: {  	s21 =	simm.s32 $0x200;
	[sflag:s10] =	ssyncadd.s32 $0xFFFFE0C0  }
0x33: {  	[tilespmem:s18], [sflag:$0x1] =	stream.indirect.gather [hbm4b:s6+s17], $0x40, s21, s17, $0xb8;
	[tilespmem:$0x1B940] =	vst v63  }
0x34: {  	_ =	swait.ge [sflag:s26], $0x1F40  }
0x35: {  	[sflag:s26] =	ssyncset.done $0x0  }
0x36: {  	s23 =	simm.s32 $0x5080;
	[sflag:s26] =	ssyncadd.s32 $0xFFFFE0C0  }
0x37: {  	[spmem:s2] =	stream.indirect.scatter.add.f32 [tilespmem:s20], [sflag:$0x5], $0x40, s23, s17, $0xb8;
	[tilespmem:$0x1B940] =	vst v63  }
0x38: {  	_ =	swait.ge [sflag:s10], $0x1F40  }
0x39: {  	[sflag:s10] =	ssyncset.done $0x0  }
0x3a: {  	s21 =	simm.s32 $0x280;
	[sflag:s10] =	ssyncadd.s32 $0xFFFFE0C0  }
0x3b: {  	[tilespmem:s20], [sflag:$0x2] =	stream.indirect.gather [hbm4b:s6+s17], $0x40, s21, s17, $0xb8;
	[tilespmem:$0x1B940] =	vst v63  }
0x3c: {  	_ =	swait.ge [sflag:s28], $0x1F40  }
0x3d: {  	[sflag:s28] =	ssyncset.done $0x0  }
0x3e: {  	s23 =	simm.s32 $0x5100;
	[sflag:s28] =	ssyncadd.s32 $0xFFFFE0C0  }
0x3f: {  	[spmem:s2] =	stream.indirect.scatter.add.f32 [tilespmem:s22], [sflag:$0x5], $0x40, s23, s17, $0xb8;
	[tilespmem:$0x1B940] =	vst v63  }
0x40: {  	_ =	swait.ge [sflag:s10], $0x1F40  }
0x41: {  	[sflag:s10] =	ssyncset.done $0x0  }
0x42: {  	s21 =	simm.s32 $0x300;
	[sflag:s10] =	ssyncadd.s32 $0xFFFFE0C0  }
0x43: {  	[tilespmem:s22], [sflag:$0x3] =	stream.indirect.gather [hbm4b:s6+s17], $0x40, s21, s17, $0xb8;
	[tilespmem:$0x1B940] =	vst v63  }
0x44: {  	_ =	swait.ge [sflag:s29], $0x1F40  }
0x45: {  	[sflag:s29] =	ssyncset.done $0x0  }
0x46: {  	s23 =	simm.s32 $0x5180;
	[sflag:s29] =	ssyncadd.s32 $0xFFFFE0C0  }
0x47: {  	[spmem:s2] =	stream.indirect.scatter.add.f32 [tilespmem:s24], [sflag:$0x5], $0x40, s23, s17, $0xb8;
	[tilespmem:$0x1B940] =	vst v63  }
0x48: {  	_ =	swait.ge [sflag:s10], $0x1F40  }
0x49: {  	[sflag:s10] =	ssyncset.done $0x0  }
0x4a: {  	s19 =	simm.s32 $0x800;
	s21 =	simm.s32 $0x380;
	[sflag:s10] =	ssyncadd.s32 $0xFFFFE0C0  }
.LBB2_2:
0x4b: {  	[tilespmem:s24], [sflag:$0x4] =	stream.indirect.gather [hbm4b:s6+s17], $0x40, s21, s17, $0xb8;
	[tilespmem:$0x1B940] =	vst v63  }
0x4c: {  	s21 =	smov.u32 s19  }
0x4d: {  	p1 =	sne.s32 s19, $0x13000;
	s19 =	sadd.s32 $0x800, s19;
	_ =	swait.ge [sflag:s25], $0x1F40  }
0x4e: {  	s21 =	sshra.s32 s21, $0x2;
	[sflag:s25] =	ssyncset.done $0x0  }
0x4f: {  	s23 =	sadd.s32 $0x5000, s21;
	[sflag:s25] =	ssyncadd.s32 $0xFFFFE0C0  }
0x50: {  	[spmem:s2] =	stream.indirect.scatter.add.f32 [tilespmem:s18], [sflag:$0x5], $0x40, s23, s17, $0xb8;
	[tilespmem:$0x1B940] =	vst v63  }
0x51: {  	_ =	swait.ge [sflag:s10], $0x1F40  }
0x52: {  	[sflag:s10] =	ssyncset.done $0x0  }
0x53: {  	s23 =	sadd.s32 $0x200, s21;
	[sflag:s10] =	ssyncadd.s32 $0xFFFFE0C0  }
0x54: {  	[tilespmem:s18], [sflag:$0x1] =	stream.indirect.gather [hbm4b:s6+s17], $0x40, s23, s17, $0xb8;
	[tilespmem:$0x1B940] =	vst v63  }
0x55: {  	_ =	swait.ge [sflag:s26], $0x1F40  }
0x56: {  	[sflag:s26] =	ssyncset.done $0x0  }
0x57: {  	s23 =	sadd.s32 $0x5080, s21;
	[sflag:s26] =	ssyncadd.s32 $0xFFFFE0C0  }
0x58: {  	[spmem:s2] =	stream.indirect.scatter.add.f32 [tilespmem:s20], [sflag:$0x5], $0x40, s23, s17, $0xb8;
	[tilespmem:$0x1B940] =	vst v63  }
0x59: {  	_ =	swait.ge [sflag:s10], $0x1F40  }
0x5a: {  	[sflag:s10] =	ssyncset.done $0x0  }
0x5b: {  	s23 =	sadd.s32 $0x280, s21;
	[sflag:s10] =	ssyncadd.s32 $0xFFFFE0C0  }
0x5c: {  	[tilespmem:s20], [sflag:$0x2] =	stream.indirect.gather [hbm4b:s6+s17], $0x40, s23, s17, $0xb8;
	[tilespmem:$0x1B940] =	vst v63  }
0x5d: {  	_ =	swait.ge [sflag:s28], $0x1F40  }
0x5e: {  	[sflag:s28] =	ssyncset.done $0x0  }
0x5f: {  	s23 =	sadd.s32 $0x5100, s21;
	[sflag:s28] =	ssyncadd.s32 $0xFFFFE0C0  }
0x60: {  	[spmem:s2] =	stream.indirect.scatter.add.f32 [tilespmem:s22], [sflag:$0x5], $0x40, s23, s17, $0xb8;
	[tilespmem:$0x1B940] =	vst v63  }
0x61: {  	_ =	swait.ge [sflag:s10], $0x1F40  }
0x62: {  	[sflag:s10] =	ssyncset.done $0x0  }
0x63: {  	s23 =	sadd.s32 $0x300, s21;
	[sflag:s10] =	ssyncadd.s32 $0xFFFFE0C0  }
0x64: {  	[tilespmem:s22], [sflag:$0x3] =	stream.indirect.gather [hbm4b:s6+s17], $0x40, s23, s17, $0xb8;
	[tilespmem:$0x1B940] =	vst v63  }
0x65: {  	_ =	swait.ge [sflag:s29], $0x1F40  }
0x66: {  	[sflag:s29] =	ssyncset.done $0x0  }
.Ltmp0:
0x67: {  	s23 =	sadd.s32 $0x5180, s21;
	[sflag:s29] =	ssyncadd.s32 $0xFFFFE0C0;
	(pc) =	sbr.rel @p1 .LBB2_2-.Ltmp0, $4  }
0x68: {  	[spmem:s2] =	stream.indirect.scatter.add.f32 [tilespmem:s24], [sflag:$0x5], $0x40, s23, s17, $0xb8;
	[tilespmem:$0x1B940] =	vst v63  }
0x69: {  	_ =	swait.ge [sflag:s10], $0x1F40  }
0x6a: {  	[sflag:s10] =	ssyncset.done $0x0  }
0x6b: {  	s21 =	sadd.s32 $0x380, s21;
	[sflag:s10] =	ssyncadd.s32 $0xFFFFE0C0  }
0x6c: {  	[tilespmem:s24], [sflag:$0x4] =	stream.indirect.gather [hbm4b:s6+s17], $0x40, s21, s17, $0xb8;
	[tilespmem:$0x1B940] =	vst v63  }
0x6d: {  	_ =	swait.ge [sflag:s25], $0x1F40  }
0x6e: {  	[sflag:s25] =	ssyncset.done $0x0  }
0x6f: {  	[sflag:s25] =	ssyncadd.s32 $0xFFFFE0C0  }
0x70: {  	[spmem:s2] =	stream.indirect.scatter.add.f32 [tilespmem:s18], [sflag:$0x5], $0x40, s30, s17, $0xb8;
	[tilespmem:$0x1B940] =	vst v63  }
0x71: {  	_ =	swait.ge [sflag:s10], $0x1F40  }
0x72: {  	[sflag:s10] =	ssyncset.done $0x0  }
0x73: {  	[sflag:s10] =	ssyncadd.s32 $0xFFFFE0C0  }
0x74: {  	_ =	swait.ge [sflag:s26], $0x1F40  }
0x75: {  	[sflag:s26] =	ssyncset.done $0x0  }
0x76: {  	[sflag:s26] =	ssyncadd.s32 $0xFFFFE0C0  }
0x77: {  	[spmem:s2] =	stream.indirect.scatter.add.f32 [tilespmem:s20], [sflag:$0x5], $0x40, s31, s17, $0xb8;
	[tilespmem:$0x1B940] =	vst v63  }
0x78: {  	_ =	swait.ge [sflag:s10], $0x1F40  }
0x79: {  	[sflag:s10] =	ssyncset.done $0x0  }
0x7a: {  	[sflag:s10] =	ssyncadd.s32 $0xFFFFE0C0  }
0x7b: {  	_ =	swait.ge [sflag:s28], $0x1F40  }
0x7c: {  	[sflag:s28] =	ssyncset.done $0x0  }
0x7d: {  	[sflag:s28] =	ssyncadd.s32 $0xFFFFE0C0  }
0x7e: {  	[spmem:s2] =	stream.indirect.scatter.add.f32 [tilespmem:s22], [sflag:$0x5], $0x40, s0, s17, $0xb8;
	[tilespmem:$0x1B940] =	vst v63  }
0x7f: {  	_ =	swait.ge [sflag:s10], $0x1F40  }
0x80: {  	[sflag:s10] =	ssyncset.done $0x0  }
0x81: {  	[sflag:s10] =	ssyncadd.s32 $0xFFFFE0C0  }
0x82: {  	_ =	swait.ge [sflag:s29], $0x1F40  }
0x83: {  	[sflag:s29] =	ssyncset.done $0x0  }
0x84: {  	[sflag:s29] =	ssyncadd.s32 $0xFFFFE0C0  }
0x85: {  	[spmem:s2] =	stream.indirect.scatter.add.f32 [tilespmem:s24], [sflag:$0x5], $0x40, s1, s17, $0xb8;
	[tilespmem:$0x1B940] =	vst v63  }
0x86: {  	_ =	swait.ge [sflag:s10], $0x1F40  }
0x87: {  	[sflag:s10] =	ssyncset.done $0x0  }
0x88: {  	[sflag:s10] =	ssyncadd.s32 $0xFFFFE0C0  }
0x89: {  	[bflag:$0x0] =	sbarrier.arrive $0xFFFF  }
0x8a: {  	[hbm:s7], [sflag:s13] =	dma.local [spmem:s14], $0x1380  }
0x8b: {  	s11 =	sadd.s32 $0x1, s11;
	_ =	swait.ge [sflag:s10], $0x1380  }
0x8c: {  	p1 =	sne.s32 s11, s9;
	[sflag:s10] =	ssyncset.done $0x0  }
.Ltmp1:
0x8d: {  	s19 =	simm.s32 @!p0 $0x5;
	[sflag:s10] =	ssyncadd.s32 $0xFFFFEC80;
	(pc) =	sbr.rel @p1 .LBB2_1-.Ltmp1, $4  }
0x8e: {  	[hbm:s8], [sflag:s13] =	dma.local @!p0 [spmem:s16], $0x80  }
0x8f: {  	_ =	swait.ge @!p0 [sflag:s19], $0x80  }
0x90: {  	[sflag:s19] =	ssyncset.done @!p0 $0x0  }
0x91: {  	[sflag:s19] =	ssyncadd.s32 @!p0 $0xFFFFFF80  }
0x92: {  	_ =	sfence.sel $0x180000  }
0x93: {  	[bflag:$0x0] =	sbarrier.arrive $0xFFFF  }
0x94: {  	_ =	strace $0x90000047  }
0x95: {  	s0 =	stileid.u32;
	[bflag:$0x2] =	sbarrier.arrive $0xFFFF  }
0x96: {  	p0 =	sne.s32 s0, $0x0;
	s0 =	rddreg [dreg:$0x3]  }
0x97: {  	s0 =	sadd.s32 @!p0 $0x100000, s0  }
0x98: {  	[sflag:s0] =	ssyncadd.tile.s32 @!p0 $0x1;
	_ =	shalt  }
.Lfunc_end2:
_tile_overlayer_lowered:
.L_overlay_start_2:
0x99: {  	(tag) =	ssettag $0x2  }
0x9a: {  	s0 =	rddreg [dreg:$0x0];
	s2 =	stileid.u32  }
0x9b: {  	s1 =	rddreg [dreg:$0x1];
	p0 =	sne.s32 s2, $0x0  }
0x9c: {  	s3 =	rddreg [dreg:$0x2];
	[bflag:$0x3] =	sbarrier.arrive $0xFFFF;
	s2 =	simm.s32 @!p0 $0x1C05  }
0x9d: {  	[timem:s3], [sflag:s2] =	dma.local @!p0 [hbm:s0], s1  }
0x9e: {  	s0 =	simm.s32 @!p0 $0x5  }
0x9f: {  	_ =	swait.ge @!p0 [sflag:s0], s1  }
0xa0: {  	s1 =	ssub.s32 @!p0 $0x0, s1;
	[sflag:s0] =	ssyncset.done @!p0 $0x0  }
0xa1: {  	[sflag:s0] =	ssyncadd.s32 @!p0 s1  }
0xa2: {  	[bflag:$0x3] =	sbarrier.arrive $0xFFFF  }
0xa3: {  	_ =	shalt  }

</sc_bundles>
